<compile_context>
chip_gen: v7x
topology: tpu7x:2x2x1
jax: 0.10.2.dev20260603
libtpu: 0.0.44.dev20260713+nightly
codegen_flags: <defaults>
</compile_context>

<pallas_src>
import functools

import jax
import jax.numpy as jnp
from jax import lax
from jax.experimental import pallas as pl
from jax.experimental.pallas import tpu as pltpu
from jax.experimental.pallas import tpu_sc as plsc

_B = 16384
_F = 26
_V = 100000
_D = 50
_DP = 64
_NUMF = 13
_NUMD = 130
_H = 715

_N = _B * _F
_NC = 2
_NS = 16
_NW = _NC * _NS
_PER_W = _N // _NW
_LPC = 128
_CH = _PER_W // _LPC
_VC = 12800
_NB = -(-_V // _VC)
_RPB = _VC // 2
_RPF = _NB * _RPB
_TR = _F * _RPF
_CPW = _LPC * _DP
_CPR = _CPW // 128
_OUTR = _N * _DP // 128



def _repack_body(tin_ref, out_ref):
    x = tin_ref[0]
    xt = jnp.swapaxes(x, 0, 1)
    out_ref[:, 0:_D] = xt[0:_RPB]
    out_ref[:, _D:_DP] = jnp.zeros((_RPB, _DP - _D), jnp.float32)
    out_ref[:, _DP:_DP + _D] = xt[_RPB:_VC]
    out_ref[:, _DP + _D:128] = jnp.zeros((_RPB, _DP - _D), jnp.float32)


def _repack(tablesT):
    return pl.pallas_call(
        _repack_body,
        grid=(_F, _NB),
        in_specs=[pl.BlockSpec((1, _D, _VC), lambda f, v: (f, 0, v))],
        out_specs=pl.BlockSpec((_RPB, 128), lambda f, v: (f * _NB + v, 0)),
        out_shape=jax.ShapeDtypeStruct((_TR, 128), jnp.float32),
        compiler_params=pltpu.CompilerParams(
            dimension_semantics=("arbitrary", "arbitrary"),
        ),
    )(tablesT)



def _copy_chunk(buf, off_v, cp, jj, iota):
    @pl.loop(0, _LPC // 16)
    def _(g):
        off16 = off_v[jj, pl.ds(g * 16, 16)]
        for c in range(16):
            off = pl.multiple_of(off16[c], 16)
            i = g * 16 + c
            for k in range(4):
                v = buf[i, pl.ds(off + 16 * k, 16)]
                w = c * _DP + k * 16
                cp[g * 8 + w // 128, pl.ds(w % 128, 16)] = v


def _gather_body(table_hbm, rows_hbm, off_hbm, out_hbm,
                 rows_v, off_v, bufs, cps, gsem, osem):
    c = lax.axis_index("c")
    s = lax.axis_index("s")
    wid = s * _NC + c
    wbase = wid * (_CH * _CPR)
    iota = lax.iota(jnp.int32, 16)

    pltpu.sync_copy(rows_hbm.at[wid], rows_v)
    pltpu.sync_copy(off_hbm.at[wid], off_v)

    def gather(jj, p):
        pltpu.async_copy(table_hbm.at[rows_v.at[jj]], bufs[p], gsem[p])

    def gather_wait(jj, p):
        pltpu.make_async_copy(table_hbm.at[rows_v.at[jj]], bufs[p],
                              gsem[p]).wait()

    def out_desc(jj, p):
        dst = pl.multiple_of(wbase + jj * _CPR, 8)
        return pltpu.make_async_copy(cps[p], out_hbm.at[pl.ds(dst, _CPR)],
                                     osem[p])

    gather(0, 0)

    @pl.loop(0, _CH, step=2)
    def _(j):
        for ci in range(2):
            jj = j + ci
            p = ci
            gather_wait(jj, p)

            @pl.when(jj + 1 < _CH)
            def _():
                gather(jj + 1, 1 - p)

            @pl.when(jj >= 2)
            def _():
                out_desc(jj - 2, p).wait()

            _copy_chunk(bufs[p], off_v, cps[p], jj, iota)
            out_desc(jj, p).start()

    out_desc(_CH - 2, 0).wait()
    out_desc(_CH - 1, 1).wait()


_sc_gather = functools.partial(
    pl.kernel,
    out_type=jax.ShapeDtypeStruct((_OUTR, 128), jnp.float32),
    mesh=plsc.VectorSubcoreMesh(core_axis_name="c", subcore_axis_name="s"),
    scratch_types=[
        pltpu.VMEM((_CH, _LPC), jnp.int32),
        pltpu.VMEM((_CH, _LPC), jnp.int32),
        [pltpu.VMEM((_LPC, 128), jnp.float32),
         pltpu.VMEM((_LPC, 128), jnp.float32)],
        [pltpu.VMEM((_CPR, 128), jnp.float32),
         pltpu.VMEM((_CPR, 128), jnp.float32)],
        [pltpu.SemaphoreType.DMA, pltpu.SemaphoreType.DMA],
        [pltpu.SemaphoreType.DMA, pltpu.SemaphoreType.DMA],
    ],
)(_gather_body)



_BM = 1024
_KC = _F * _DP


def _mlp_body(xc_ref, xn_ref, wnum_ref, bnum_ref, w1c_ref, w1n_ref, b1_ref,
              w2_ref, b2_ref, out_ref):
    x_n = lax.dot_general(xn_ref[...], wnum_ref[...],
                          (((1,), (1,)), ((), ()))) + bnum_ref[...]
    hc = lax.dot_general(xc_ref[...], w1c_ref[...], (((1,), (1,)), ((), ())))
    hn = lax.dot_general(x_n, w1n_ref[...], (((1,), (1,)), ((), ())))
    h = jnp.maximum(hc + hn + b1_ref[...], 0.0)
    out_ref[...] = lax.dot_general(h, w2_ref[...],
                                   (((1,), (1,)), ((), ()))) + b2_ref[...]


def _mlp(x_c, x_num, W_num, b_num, W1c, W1n, b1, W2, b2):
    return pl.pallas_call(
        _mlp_body,
        grid=(_B // _BM,),
        in_specs=[
            pl.BlockSpec((_BM, _KC), lambda i: (i, 0)),
            pl.BlockSpec((_BM, _NUMF), lambda i: (i, 0)),
            pl.BlockSpec((_NUMD, _NUMF), lambda i: (0, 0)),
            pl.BlockSpec((1, _NUMD), lambda i: (0, 0)),
            pl.BlockSpec((_H, _KC), lambda i: (0, 0)),
            pl.BlockSpec((_H, _NUMD), lambda i: (0, 0)),
            pl.BlockSpec((1, _H), lambda i: (0, 0)),
            pl.BlockSpec((3, _H), lambda i: (0, 0)),
            pl.BlockSpec((1, 3), lambda i: (0, 0)),
        ],
        out_specs=pl.BlockSpec((_BM, 3), lambda i: (i, 0)),
        out_shape=jax.ShapeDtypeStruct((_B, 3), jnp.float32),
        compiler_params=pltpu.CompilerParams(
            dimension_semantics=("arbitrary",),
        ),
    )(x_c, x_num, W_num, b_num, W1c, W1n, b1, W2, b2)


def kernel(x_cat, x_num, tables, W_num, b_num, W1, b1, W2, b2):
    tablesT = jnp.swapaxes(tables, 1, 2)
    table128 = _repack(tablesT)
    v = x_cat.astype(jnp.int32)
    f = jnp.arange(_F, dtype=jnp.int32)[None, :]
    row = (f * _RPF + (v // _VC) * _RPB + (v % _RPB)).reshape(-1)
    off = (((v % _VC) // _RPB) * _DP).reshape(-1)
    rows = row.reshape(_NW, _CH, _LPC)
    offs = off.reshape(_NW, _CH, _LPC)
    flat = _sc_gather(table128, rows, offs)
    x_c = flat.reshape(_B, _KC)
    W1c = jnp.pad(W1[:, :_F * _D].reshape(_H, _F, _D),
                  ((0, 0), (0, 0), (0, _DP - _D))).reshape(_H, _KC)
    W1n = W1[:, _F * _D:]
    return _mlp(x_c, x_num, W_num, b_num.reshape(1, _NUMD), W1c, W1n,
                b1.reshape(1, _H), W2, b2.reshape(1, 3))

# --- scband reference (transcript-rebuilt; emitter-appended) ---
"""Pipeline reference for scband-single-ltv-4063039062565 (READ-ONLY COPY).

The authoritative reference and input builder live on the scoring server;
editing this copy changes nothing except your own understanding.
"""

import jax, jax.numpy as jnp
import numpy as np

B = 16384
F = 26
V = 100000
D = 50
NUMF = 13
NUMD = 10 * NUMF
TOT = F * D + NUMD
H = TOT // 2


def setup_inputs(seed: int = 0) -> dict:
    key = jax.random.key(seed)
    ks = jax.random.split(key, 8)
    x_cat = jax.random.randint(ks[0], (B, F), 0, V)
    x_num = jax.random.normal(ks[1], (B, NUMF), dtype=jnp.float32)
    tables = jax.random.normal(ks[2], (F, V, D), dtype=jnp.float32) * 0.02
    W_num = jax.random.normal(ks[3], (NUMD, NUMF), dtype=jnp.float32) * 0.1
    b_num = jnp.zeros((NUMD,), dtype=jnp.float32)
    W1 = jax.random.normal(ks[4], (H, TOT), dtype=jnp.float32) * 0.02
    b1 = jnp.zeros((H,), dtype=jnp.float32)
    W2 = jax.random.normal(ks[5], (3, H), dtype=jnp.float32) * 0.05
    b2 = jnp.zeros((3,), dtype=jnp.float32)
    return {"x_cat": x_cat, "x_num": x_num, "tables": tables, "W_num": W_num,
            "b_num": b_num, "W1": W1, "b1": b1, "W2": W2, "b2": b2}


def reference(x_cat, x_num, tables, W_num, b_num, W1, b1, W2, b2):
    # per-field embedding lookups: tables[f][x_cat[:, f]] for each field f
    emb = tables[jnp.arange(F)[None, :], x_cat]  # [B, F, D] gather
    x_c = emb.reshape(B, F * D)
    x_n = x_num @ W_num.T + b_num
    x = jnp.concatenate([x_c, x_n], axis=1)
    h = jax.nn.relu(x @ W1.T + b1)
    # dropout is identity in eval mode
    out = h @ W2.T + b2
    return out

if __name__ == "__main__":
    import jax
    _d = setup_inputs()
    print(jax.jit(kernel)(*tuple(_d.values())))

</pallas_src>

<mosaic_0001>
#map = affine_map<(d0, d1) -> (0, 0)>
#map1 = affine_map<(d0, d1) -> (0, 0, 0)>
module attributes {stable_mosaic.version = 14 : i64} {
  func.func @_gather_body(%arg0: i32, %arg1: i32, %arg2: memref<1331200x128xf32, #tpu.memory_space<hbm>>, %arg3: memref<32x104x128xi32, #tpu.memory_space<hbm>>, %arg4: memref<32x104x128xi32, #tpu.memory_space<hbm>>, %arg5: memref<212992x128xf32, #tpu.memory_space<hbm>>, %arg6: memref<104x128xi32, #tpu.memory_space<vmem>>, %arg7: memref<104x128xi32, #tpu.memory_space<vmem>>, %arg8: memref<128x128xf32, #tpu.memory_space<vmem>>, %arg9: memref<128x128xf32, #tpu.memory_space<vmem>>, %arg10: memref<64x128xf32, #tpu.memory_space<vmem>>, %arg11: memref<64x128xf32, #tpu.memory_space<vmem>>, %arg12: memref<!tpu.dma_semaphore, #tpu.memory_space<semaphore_mem>>, %arg13: memref<!tpu.dma_semaphore, #tpu.memory_space<semaphore_mem>>, %arg14: memref<!tpu.dma_semaphore, #tpu.memory_space<semaphore_mem>>, %arg15: memref<!tpu.dma_semaphore, #tpu.memory_space<semaphore_mem>>) attributes {dimension_semantics = [#tpu.dimension_semantics<core_parallel>, #tpu.dimension_semantics<subcore_parallel>], iteration_bounds = array<i64: 2, 16>, scalar_prefetch = 0 : i64, scratch_operands = 10 : i64, tpu.core_type = #tpu.core_type<sc_vector_subcore>, window_params = [{transform_indices = #map}, {transform_indices = #map1}, {transform_indices = #map1}, {transform_indices = #map}]} {
    %mul3A = arith.constant 2 : i32
    %mul3A_0 = arith.muli %arg1, %mul3A : i32
    %add3A = arith.addi %mul3A_0, %arg0 : i32
    %mul3A_1 = arith.constant 6656 : i32
    %mul3A_2 = arith.muli %add3A, %mul3A_1 : i32
    %iota3A = tpu.iota {dimensions = array<i32: 0>} : vector<16xi32>
    "tpu.region"() ({
      %run_scoped3A = tpu.sem_alloc : memref<!tpu.dma_semaphore, #tpu.memory_space<semaphore_mem>>
      %dma_start3A_25 = arith.constant 0 : i32
      %dma_start3A_26 = arith.constant 0 : i32
      %dma_start3A_27 = tpu.memref_slice %arg3[%add3A, %dma_start3A_25, %dma_start3A_26] : memref<32x104x128xi32, #tpu.memory_space<hbm>> -> memref<1x104x128xi32, #tpu.memory_space<hbm>>
      %dma_start3A_28 = tpu.memref_squeeze %dma_start3A_27 : memref<1x104x128xi32, #tpu.memory_space<hbm>> -> memref<104x128xi32, #tpu.memory_space<hbm>>
      %dma_start3A_29 = arith.constant 0 : i32
      %dma_start3A_30 = arith.constant 0 : i32
      %dma_start3A_31 = tpu.memref_slice %arg3[%add3A, %dma_start3A_29, %dma_start3A_30] : memref<32x104x128xi32, #tpu.memory_space<hbm>> -> memref<1x104x128xi32, #tpu.memory_space<hbm>>
      %dma_start3A_32 = tpu.memref_squeeze %dma_start3A_31 : memref<1x104x128xi32, #tpu.memory_space<hbm>> -> memref<104x128xi32, #tpu.memory_space<hbm>>
      tpu.enqueue_dma source(%dma_start3A_32 : memref<104x128xi32, #tpu.memory_space<hbm>>) target(%arg6 : memref<104x128xi32, #tpu.memory_space<vmem>>) target_semaphore(%run_scoped3A : memref<!tpu.dma_semaphore, #tpu.memory_space<semaphore_mem>>)
      %dma_wait3A_33 = arith.constant 0 : i32
      %dma_wait3A_34 = arith.constant 0 : i32
      %dma_wait3A_35 = tpu.memref_slice %arg3[%add3A, %dma_wait3A_33, %dma_wait3A_34] : memref<32x104x128xi32, #tpu.memory_space<hbm>> -> memref<1x104x128xi32, #tpu.memory_space<hbm>>
      %dma_wait3A_36 = tpu.memref_squeeze %dma_wait3A_35 : memref<1x104x128xi32, #tpu.memory_space<hbm>> -> memref<104x128xi32, #tpu.memory_space<hbm>>
      %dma_wait3A_37 = arith.constant 0 : i32
      %dma_wait3A_38 = arith.constant 0 : i32
      %dma_wait3A_39 = tpu.memref_slice %arg3[%add3A, %dma_wait3A_37, %dma_wait3A_38] : memref<32x104x128xi32, #tpu.memory_space<hbm>> -> memref<1x104x128xi32, #tpu.memory_space<hbm>>
      %dma_wait3A_40 = tpu.memref_squeeze %dma_wait3A_39 : memref<1x104x128xi32, #tpu.memory_space<hbm>> -> memref<104x128xi32, #tpu.memory_space<hbm>>
      tpu.wait_dma2 semaphore(%run_scoped3A : memref<!tpu.dma_semaphore, #tpu.memory_space<semaphore_mem>>) src(%dma_wait3A_40 : memref<104x128xi32, #tpu.memory_space<hbm>>) dst(%arg6 : memref<104x128xi32, #tpu.memory_space<vmem>>)
      tpu.yield
    }) : () -> ()
    "tpu.region"() ({
      %run_scoped3A = tpu.sem_alloc : memref<!tpu.dma_semaphore, #tpu.memory_space<semaphore_mem>>
      %dma_start3A_25 = arith.constant 0 : i32
      %dma_start3A_26 = arith.constant 0 : i32
      %dma_start3A_27 = tpu.memref_slice %arg4[%add3A, %dma_start3A_25, %dma_start3A_26] : memref<32x104x128xi32, #tpu.memory_space<hbm>> -> memref<1x104x128xi32, #tpu.memory_space<hbm>>
      %dma_start3A_28 = tpu.memref_squeeze %dma_start3A_27 : memref<1x104x128xi32, #tpu.memory_space<hbm>> -> memref<104x128xi32, #tpu.memory_space<hbm>>
      %dma_start3A_29 = arith.constant 0 : i32
      %dma_start3A_30 = arith.constant 0 : i32
      %dma_start3A_31 = tpu.memref_slice %arg4[%add3A, %dma_start3A_29, %dma_start3A_30] : memref<32x104x128xi32, #tpu.memory_space<hbm>> -> memref<1x104x128xi32, #tpu.memory_space<hbm>>
      %dma_start3A_32 = tpu.memref_squeeze %dma_start3A_31 : memref<1x104x128xi32, #tpu.memory_space<hbm>> -> memref<104x128xi32, #tpu.memory_space<hbm>>
      tpu.enqueue_dma source(%dma_start3A_32 : memref<104x128xi32, #tpu.memory_space<hbm>>) target(%arg7 : memref<104x128xi32, #tpu.memory_space<vmem>>) target_semaphore(%run_scoped3A : memref<!tpu.dma_semaphore, #tpu.memory_space<semaphore_mem>>)
      %dma_wait3A_33 = arith.constant 0 : i32
      %dma_wait3A_34 = arith.constant 0 : i32
      %dma_wait3A_35 = tpu.memref_slice %arg4[%add3A, %dma_wait3A_33, %dma_wait3A_34] : memref<32x104x128xi32, #tpu.memory_space<hbm>> -> memref<1x104x128xi32, #tpu.memory_space<hbm>>
      %dma_wait3A_36 = tpu.memref_squeeze %dma_wait3A_35 : memref<1x104x128xi32, #tpu.memory_space<hbm>> -> memref<104x128xi32, #tpu.memory_space<hbm>>
      %dma_wait3A_37 = arith.constant 0 : i32
      %dma_wait3A_38 = arith.constant 0 : i32
      %dma_wait3A_39 = tpu.memref_slice %arg4[%add3A, %dma_wait3A_37, %dma_wait3A_38] : memref<32x104x128xi32, #tpu.memory_space<hbm>> -> memref<1x104x128xi32, #tpu.memory_space<hbm>>
      %dma_wait3A_40 = tpu.memref_squeeze %dma_wait3A_39 : memref<1x104x128xi32, #tpu.memory_space<hbm>> -> memref<104x128xi32, #tpu.memory_space<hbm>>
      tpu.wait_dma2 semaphore(%run_scoped3A : memref<!tpu.dma_semaphore, #tpu.memory_space<semaphore_mem>>) src(%dma_wait3A_40 : memref<104x128xi32, #tpu.memory_space<hbm>>) dst(%arg7 : memref<104x128xi32, #tpu.memory_space<vmem>>)
      tpu.yield
    }) : () -> ()
    %dma_start3A = arith.constant 0 : i32
    %dma_start3A_3 = arith.constant 0 : i32
    %dma_start3A_4 = tpu.memref_slice %arg6[%dma_start3A, %dma_start3A_3] : memref<104x128xi32, #tpu.memory_space<vmem>> -> memref<1x128xi32, #tpu.memory_space<vmem>>
    %dma_start3A_5 = tpu.memref_squeeze %dma_start3A_4 : memref<1x128xi32, #tpu.memory_space<vmem>> -> memref<128xi32, #tpu.memory_space<vmem>>
    %dma_start3A_6 = arith.constant 0 : i32
    %dma_start3A_7 = arith.constant 0 : i32
    %dma_start3A_8 = tpu.memref_slice %arg2[%dma_start3A_6, %dma_start3A_7] : memref<1331200x128xf32, #tpu.memory_space<hbm>> -> memref<1331200x128xf32, #tpu.memory_space<hbm>>
    tpu.enqueue_indirect_dma source(%dma_start3A_8 : memref<1331200x128xf32, #tpu.memory_space<hbm>>) target(%arg8 : memref<128x128xf32, #tpu.memory_space<vmem>>) offsets(%dma_start3A_5 : memref<128xi32, #tpu.memory_space<vmem>>) semaphore(%arg12 : memref<!tpu.dma_semaphore, #tpu.memory_space<semaphore_mem>>)
    %scan3A = arith.constant 0 : i32
    %scan3A_9 = arith.constant 52 : i32
    %scan3A_10 = arith.addi %scan3A, %scan3A_9 : i32
    %scan3A_11 = arith.constant 1 : i32
    scf.for %scan3A_25 = %scan3A to %scan3A_10 step %scan3A_11  : i32 {
      %mul3A_26 = arith.constant 2 : i32
      %mul3A_27 = arith.muli %scan3A_25, %mul3A_26 : i32
      %add3A_28 = arith.constant 0 : i32
      %add3A_29 = arith.addi %add3A_28, %mul3A_27 : i32
      %add3A_30 = arith.constant 0 : i32
      %add3A_31 = arith.addi %add3A_29, %add3A_30 : i32
      %dma_wait3A_32 = arith.constant 0 : i32
      %dma_wait3A_33 = tpu.memref_slice %arg6[%add3A_31, %dma_wait3A_32] : memref<104x128xi32, #tpu.memory_space<vmem>> -> memref<1x128xi32, #tpu.memory_space<vmem>>
      %dma_wait3A_34 = tpu.memref_squeeze %dma_wait3A_33 : memref<1x128xi32, #tpu.memory_space<vmem>> -> memref<128xi32, #tpu.memory_space<vmem>>
      %dma_wait3A_35 = arith.constant 0 : i32
      %dma_wait3A_36 = arith.constant 0 : i32
      %dma_wait3A_37 = tpu.memref_slice %arg2[%dma_wait3A_35, %dma_wait3A_36] : memref<1331200x128xf32, #tpu.memory_space<hbm>> -> memref<1331200x128xf32, #tpu.memory_space<hbm>>
      tpu.wait_indirect_dma semaphore(%arg12 : memref<!tpu.dma_semaphore, #tpu.memory_space<semaphore_mem>>) src(%dma_wait3A_37 : memref<1331200x128xf32, #tpu.memory_space<hbm>>) dst(%arg8 : memref<128x128xf32, #tpu.memory_space<vmem>>)
      %add3A_38 = arith.constant 1 : i32
      %add3A_39 = arith.addi %add3A_31, %add3A_38 : i32
      %lt3A = arith.constant 104 : i32
      %lt3A_40 = arith.cmpi slt, %add3A_39, %lt3A : i32
      %convert_element_type3A = arith.extui %lt3A_40 : i1 to i32
      %cond3A = arith.constant 0 : i32
      %cond3A_41 = arith.cmpi ne, %convert_element_type3A, %cond3A : i32
      scf.if %cond3A_41 {
        %add3A_92 = arith.constant 1 : i32
        %add3A_93 = arith.addi %add3A_31, %add3A_92 : i32
        %dma_start3A_94 = arith.constant 0 : i32
        %dma_start3A_95 = tpu.memref_slice %arg6[%add3A_93, %dma_start3A_94] : memref<104x128xi32, #tpu.memory_space<vmem>> -> memref<1x128xi32, #tpu.memory_space<vmem>>
        %dma_start3A_96 = tpu.memref_squeeze %dma_start3A_95 : memref<1x128xi32, #tpu.memory_space<vmem>> -> memref<128xi32, #tpu.memory_space<vmem>>
        %dma_start3A_97 = arith.constant 0 : i32
        %dma_start3A_98 = arith.constant 0 : i32
        %dma_start3A_99 = tpu.memref_slice %arg2[%dma_start3A_97, %dma_start3A_98] : memref<1331200x128xf32, #tpu.memory_space<hbm>> -> memref<1331200x128xf32, #tpu.memory_space<hbm>>
        tpu.enqueue_indirect_dma source(%dma_start3A_99 : memref<1331200x128xf32, #tpu.memory_space<hbm>>) target(%arg9 : memref<128x128xf32, #tpu.memory_space<vmem>>) offsets(%dma_start3A_96 : memref<128xi32, #tpu.memory_space<vmem>>) semaphore(%arg13 : memref<!tpu.dma_semaphore, #tpu.memory_space<semaphore_mem>>)
      } else {
      }
      %ge3A = arith.constant 2 : i32
      %ge3A_42 = arith.cmpi sge, %add3A_31, %ge3A : i32
      %convert_element_type3A_43 = arith.extui %ge3A_42 : i1 to i32
      %cond3A_44 = arith.constant 0 : i32
      %cond3A_45 = arith.cmpi ne, %convert_element_type3A_43, %cond3A_44 : i32
      scf.if %cond3A_45 {
        %sub3A = arith.constant 2 : i32
        %sub3A_92 = arith.subi %add3A_31, %sub3A : i32
        %mul3A_93 = arith.constant 64 : i32
        %mul3A_94 = arith.muli %sub3A_92, %mul3A_93 : i32
        %add3A_95 = arith.addi %mul3A_2, %mul3A_94 : i32
        %multiple_of3A_96 = tpu.assume_multiple %add3A_95, 8 : i32
        %dma_wait3A_97 = arith.constant 0 : i32
        %dma_wait3A_98 = tpu.memref_slice %arg5[%multiple_of3A_96, %dma_wait3A_97] : memref<212992x128xf32, #tpu.memory_space<hbm>> -> memref<64x128xf32, #tpu.memory_space<hbm>>
        %dma_wait3A_99 = arith.constant 0 : i32
        %dma_wait3A_100 = tpu.memref_slice %arg5[%multiple_of3A_96, %dma_wait3A_99] : memref<212992x128xf32, #tpu.memory_space<hbm>> -> memref<64x128xf32, #tpu.memory_space<hbm>>
        tpu.wait_dma2 semaphore(%arg14 : memref<!tpu.dma_semaphore, #tpu.memory_space<semaphore_mem>>) src(%arg10 : memref<64x128xf32, #tpu.memory_space<vmem>>) dst(%dma_wait3A_100 : memref<64x128xf32, #tpu.memory_space<hbm>>)
      } else {
      }
      %scan3A_46 = arith.constant 0 : i32
      %scan3A_47 = arith.constant 8 : i32
      %scan3A_48 = arith.addi %scan3A_46, %scan3A_47 : i32
      %scan3A_49 = arith.constant 1 : i32
      scf.for %scan3A_92 = %scan3A_46 to %scan3A_48 step %scan3A_49  : i32 {
        %mul3A_93 = arith.constant 1 : i32
        %mul3A_94 = arith.muli %scan3A_92, %mul3A_93 : i32
        %add3A_95 = arith.constant 0 : i32
        %add3A_96 = arith.addi %add3A_95, %mul3A_94 : i32
        %mul3A_97 = arith.constant 16 : i32
        %mul3A_98 = arith.muli %add3A_96, %mul3A_97 : i32
        %get3A = arith.index_cast %add3A_31 : i32 to index
        %get3A_99 = arith.index_cast %mul3A_98 : i32 to index
        %get3A_100 = tpu.vector_load %arg7[%get3A, %get3A_99] {strides = array<i32>} : memref<104x128xi32, #tpu.memory_space<vmem>>, vector<1x16xi32>,
        %get3A_101 = vector.shape_cast %get3A_100 : vector<1x16xi32> to vector<16xi32>
        %slice3A = vector.extract_strided_slice %get3A_101 {offsets = [0], sizes = [1], strides = [1]} : vector<16xi32> to vector<1xi32>
        %squeeze3A = vector.extract %slice3A[0] : i32 from vector<1xi32>
        %multiple_of3A_102 = tpu.assume_multiple %squeeze3A, 16 : i32
        %mul3A_103 = arith.constant 16 : i32
        %mul3A_104 = arith.muli %add3A_96, %mul3A_103 : i32
        %add3A_105 = arith.constant 0 : i32
        %add3A_106 = arith.addi %mul3A_104, %add3A_105 : i32
        %add3A_107 = arith.constant 0 : i32
        %add3A_108 = arith.addi %multiple_of3A_102, %add3A_107 : i32
        %get3A_109 = arith.index_cast %add3A_106 : i32 to index
        %get3A_110 = arith.index_cast %add3A_108 : i32 to index
        %get3A_111 = tpu.vector_load %arg8[%get3A_109, %get3A_110] {strides = array<i32>} : memref<128x128xf32, #tpu.memory_space<vmem>>, vector<1x16xf32>,
        %get3A_112 = vector.shape_cast %get3A_111 : vector<1x16xf32> to vector<16xf32>
        %mul3A_113 = arith.constant 8 : i32
        %mul3A_114 = arith.muli %add3A_96, %mul3A_113 : i32
        %add3A_115 = arith.constant 0 : i32
        %add3A_116 = arith.addi %mul3A_114, %add3A_115 : i32
        %swap3A = arith.index_cast %add3A_116 : i32 to index
        %swap3A_117 = arith.constant 0 : index
        %swap3A_118 = tpu.vector_load %arg10[%swap3A, %swap3A_117] {strides = array<i32>} : memref<64x128xf32, #tpu.memory_space<vmem>>, vector<1x16xf32>,
        %swap3A_119 = vector.shape_cast %swap3A_118 : vector<1x16xf32> to vector<16xf32>
        %swap3A_120 = vector.shape_cast %get3A_112 : vector<16xf32> to vector<1x16xf32>
        tpu.vector_store %arg10[%swap3A, %swap3A_117], %swap3A_120 {strides = array<i32>} : memref<64x128xf32, #tpu.memory_space<vmem>>, vector<1x16xf32>,
        %add3A_121 = arith.constant 16 : i32
        %add3A_122 = arith.addi %multiple_of3A_102, %add3A_121 : i32
        %get3A_123 = arith.index_cast %add3A_106 : i32 to index
        %get3A_124 = arith.index_cast %add3A_122 : i32 to index
        %get3A_125 = tpu.vector_load %arg8[%get3A_123, %get3A_124] {strides = array<i32>} : memref<128x128xf32, #tpu.memory_space<vmem>>, vector<1x16xf32>,
        %get3A_126 = vector.shape_cast %get3A_125 : vector<1x16xf32> to vector<16xf32>
        %mul3A_127 = arith.constant 8 : i32
        %mul3A_128 = arith.muli %add3A_96, %mul3A_127 : i32
        %add3A_129 = arith.constant 0 : i32
        %add3A_130 = arith.addi %mul3A_128, %add3A_129 : i32
        %swap3A_131 = arith.index_cast %add3A_130 : i32 to index
        %swap3A_132 = arith.constant 16 : index
        %swap3A_133 = tpu.vector_load %arg10[%swap3A_131, %swap3A_132] {strides = array<i32>} : memref<64x128xf32, #tpu.memory_space<vmem>>, vector<1x16xf32>,
        %swap3A_134 = vector.shape_cast %swap3A_133 : vector<1x16xf32> to vector<16xf32>
        %swap3A_135 = vector.shape_cast %get3A_126 : vector<16xf32> to vector<1x16xf32>
        tpu.vector_store %arg10[%swap3A_131, %swap3A_132], %swap3A_135 {strides = array<i32>} : memref<64x128xf32, #tpu.memory_space<vmem>>, vector<1x16xf32>,
        %add3A_136 = arith.constant 32 : i32
        %add3A_137 = arith.addi %multiple_of3A_102, %add3A_136 : i32
        %get3A_138 = arith.index_cast %add3A_106 : i32 to index
        %get3A_139 = arith.index_cast %add3A_137 : i32 to index
        %get3A_140 = tpu.vector_load %arg8[%get3A_138, %get3A_139] {strides = array<i32>} : memref<128x128xf32, #tpu.memory_space<vmem>>, vector<1x16xf32>,
        %get3A_141 = vector.shape_cast %get3A_140 : vector<1x16xf32> to vector<16xf32>
        %mul3A_142 = arith.constant 8 : i32
        %mul3A_143 = arith.muli %add3A_96, %mul3A_142 : i32
        %add3A_144 = arith.constant 0 : i32
        %add3A_145 = arith.addi %mul3A_143, %add3A_144 : i32
        %swap3A_146 = arith.index_cast %add3A_145 : i32 to index
        %swap3A_147 = arith.constant 32 : index
        %swap3A_148 = tpu.vector_load %arg10[%swap3A_146, %swap3A_147] {strides = array<i32>} : memref<64x128xf32, #tpu.memory_space<vmem>>, vector<1x16xf32>,
        %swap3A_149 = vector.shape_cast %swap3A_148 : vector<1x16xf32> to vector<16xf32>
        %swap3A_150 = vector.shape_cast %get3A_141 : vector<16xf32> to vector<1x16xf32>
        tpu.vector_store %arg10[%swap3A_146, %swap3A_147], %swap3A_150 {strides = array<i32>} : memref<64x128xf32, #tpu.memory_space<vmem>>, vector<1x16xf32>,
        %add3A_151 = arith.constant 48 : i32
        %add3A_152 = arith.addi %multiple_of3A_102, %add3A_151 : i32
        %get3A_153 = arith.index_cast %add3A_106 : i32 to index
        %get3A_154 = arith.index_cast %add3A_152 : i32 to index
        %get3A_155 = tpu.vector_load %arg8[%get3A_153, %get3A_154] {strides = array<i32>} : memref<128x128xf32, #tpu.memory_space<vmem>>, vector<1x16xf32>,
        %get3A_156 = vector.shape_cast %get3A_155 : vector<1x16xf32> to vector<16xf32>
        %mul3A_157 = arith.constant 8 : i32
        %mul3A_158 = arith.muli %add3A_96, %mul3A_157 : i32
        %add3A_159 = arith.constant 0 : i32
        %add3A_160 = arith.addi %mul3A_158, %add3A_159 : i32
        %swap3A_161 = arith.index_cast %add3A_160 : i32 to index
        %swap3A_162 = arith.constant 48 : index
        %swap3A_163 = tpu.vector_load %arg10[%swap3A_161, %swap3A_162] {strides = array<i32>} : memref<64x128xf32, #tpu.memory_space<vmem>>, vector<1x16xf32>,
        %swap3A_164 = vector.shape_cast %swap3A_163 : vector<1x16xf32> to vector<16xf32>
        %swap3A_165 = vector.shape_cast %get3A_156 : vector<16xf32> to vector<1x16xf32>
        tpu.vector_store %arg10[%swap3A_161, %swap3A_162], %swap3A_165 {strides = array<i32>} : memref<64x128xf32, #tpu.memory_space<vmem>>, vector<1x16xf32>,
        %slice3A_166 = vector.extract_strided_slice %get3A_101 {offsets = [1], sizes = [1], strides = [1]} : vector<16xi32> to vector<1xi32>
        %squeeze3A_167 = vector.extract %slice3A_166[0] : i32 from vector<1xi32>
        %multiple_of3A_168 = tpu.assume_multiple %squeeze3A_167, 16 : i32
        %mul3A_169 = arith.constant 16 : i32
        %mul3A_170 = arith.muli %add3A_96, %mul3A_169 : i32
        %add3A_171 = arith.constant 1 : i32
        %add3A_172 = arith.addi %mul3A_170, %add3A_171 : i32
        %add3A_173 = arith.constant 0 : i32
        %add3A_174 = arith.addi %multiple_of3A_168, %add3A_173 : i32
        %get3A_175 = arith.index_cast %add3A_172 : i32 to index
        %get3A_176 = arith.index_cast %add3A_174 : i32 to index
        %get3A_177 = tpu.vector_load %arg8[%get3A_175, %get3A_176] {strides = array<i32>} : memref<128x128xf32, #tpu.memory_space<vmem>>, vector<1x16xf32>,
        %get3A_178 = vector.shape_cast %get3A_177 : vector<1x16xf32> to vector<16xf32>
        %mul3A_179 = arith.constant 8 : i32
        %mul3A_180 = arith.muli %add3A_96, %mul3A_179 : i32
        %add3A_181 = arith.constant 0 : i32
        %add3A_182 = arith.addi %mul3A_180, %add3A_181 : i32
        %swap3A_183 = arith.index_cast %add3A_182 : i32 to index
        %swap3A_184 = arith.constant 64 : index
        %swap3A_185 = tpu.vector_load %arg10[%swap3A_183, %swap3A_184] {strides = array<i32>} : memref<64x128xf32, #tpu.memory_space<vmem>>, vector<1x16xf32>,
        %swap3A_186 = vector.shape_cast %swap3A_185 : vector<1x16xf32> to vector<16xf32>
        %swap3A_187 = vector.shape_cast %get3A_178 : vector<16xf32> to vector<1x16xf32>
        tpu.vector_store %arg10[%swap3A_183, %swap3A_184], %swap3A_187 {strides = array<i32>} : memref<64x128xf32, #tpu.memory_space<vmem>>, vector<1x16xf32>,
        %add3A_188 = arith.constant 16 : i32
        %add3A_189 = arith.addi %multiple_of3A_168, %add3A_188 : i32
        %get3A_190 = arith.index_cast %add3A_172 : i32 to index
        %get3A_191 = arith.index_cast %add3A_189 : i32 to index
        %get3A_192 = tpu.vector_load %arg8[%get3A_190, %get3A_191] {strides = array<i32>} : memref<128x128xf32, #tpu.memory_space<vmem>>, vector<1x16xf32>,
        %get3A_193 = vector.shape_cast %get3A_192 : vector<1x16xf32> to vector<16xf32>
        %mul3A_194 = arith.constant 8 : i32
        %mul3A_195 = arith.muli %add3A_96, %mul3A_194 : i32
        %add3A_196 = arith.constant 0 : i32
        %add3A_197 = arith.addi %mul3A_195, %add3A_196 : i32
        %swap3A_198 = arith.index_cast %add3A_197 : i32 to index
        %swap3A_199 = arith.constant 80 : index
        %swap3A_200 = tpu.vector_load %arg10[%swap3A_198, %swap3A_199] {strides = array<i32>} : memref<64x128xf32, #tpu.memory_space<vmem>>, vector<1x16xf32>,
        %swap3A_201 = vector.shape_cast %swap3A_200 : vector<1x16xf32> to vector<16xf32>
        %swap3A_202 = vector.shape_cast %get3A_193 : vector<16xf32> to vector<1x16xf32>
        tpu.vector_store %arg10[%swap3A_198, %swap3A_199], %swap3A_202 {strides = array<i32>} : memref<64x128xf32, #tpu.memory_space<vmem>>, vector<1x16xf32>,
        %add3A_203 = arith.constant 32 : i32
        %add3A_204 = arith.addi %multiple_of3A_168, %add3A_203 : i32
        %get3A_205 = arith.index_cast %add3A_172 : i32 to index
        %get3A_206 = arith.index_cast %add3A_204 : i32 to index
        %get3A_207 = tpu.vector_load %arg8[%get3A_205, %get3A_206] {strides = array<i32>} : memref<128x128xf32, #tpu.memory_space<vmem>>, vector<1x16xf32>,
        %get3A_208 = vector.shape_cast %get3A_207 : vector<1x16xf32> to vector<16xf32>
        %mul3A_209 = arith.constant 8 : i32
        %mul3A_210 = arith.muli %add3A_96, %mul3A_209 : i32
        %add3A_211 = arith.constant 0 : i32
        %add3A_212 = arith.addi %mul3A_210, %add3A_211 : i32
        %swap3A_213 = arith.index_cast %add3A_212 : i32 to index
        %swap3A_214 = arith.constant 96 : index
        %swap3A_215 = tpu.vector_load %arg10[%swap3A_213, %swap3A_214] {strides = array<i32>} : memref<64x128xf32, #tpu.memory_space<vmem>>, vector<1x16xf32>,
        %swap3A_216 = vector.shape_cast %swap3A_215 : vector<1x16xf32> to vector<16xf32>
        %swap3A_217 = vector.shape_cast %get3A_208 : vector<16xf32> to vector<1x16xf32>
        tpu.vector_store %arg10[%swap3A_213, %swap3A_214], %swap3A_217 {strides = array<i32>} : memref<64x128xf32, #tpu.memory_space<vmem>>, vector<1x16xf32>,
        %add3A_218 = arith.constant 48 : i32
        %add3A_219 = arith.addi %multiple_of3A_168, %add3A_218 : i32
        %get3A_220 = arith.index_cast %add3A_172 : i32 to index
        %get3A_221 = arith.index_cast %add3A_219 : i32 to index
        %get3A_222 = tpu.vector_load %arg8[%get3A_220, %get3A_221] {strides = array<i32>} : memref<128x128xf32, #tpu.memory_space<vmem>>, vector<1x16xf32>,
        %get3A_223 = vector.shape_cast %get3A_222 : vector<1x16xf32> to vector<16xf32>
        %mul3A_224 = arith.constant 8 : i32
        %mul3A_225 = arith.muli %add3A_96, %mul3A_224 : i32
        %add3A_226 = arith.constant 0 : i32
        %add3A_227 = arith.addi %mul3A_225, %add3A_226 : i32
        %swap3A_228 = arith.index_cast %add3A_227 : i32 to index
        %swap3A_229 = arith.constant 112 : index
        %swap3A_230 = tpu.vector_load %arg10[%swap3A_228, %swap3A_229] {strides = array<i32>} : memref<64x128xf32, #tpu.memory_space<vmem>>, vector<1x16xf32>,
        %swap3A_231 = vector.shape_cast %swap3A_230 : vector<1x16xf32> to vector<16xf32>
        %swap3A_232 = vector.shape_cast %get3A_223 : vector<16xf32> to vector<1x16xf32>
        tpu.vector_store %arg10[%swap3A_228, %swap3A_229], %swap3A_232 {strides = array<i32>} : memref<64x128xf32, #tpu.memory_space<vmem>>, vector<1x16xf32>,
        %slice3A_233 = vector.extract_strided_slice %get3A_101 {offsets = [2], sizes = [1], strides = [1]} : vector<16xi32> to vector<1xi32>
        %squeeze3A_234 = vector.extract %slice3A_233[0] : i32 from vector<1xi32>
        %multiple_of3A_235 = tpu.assume_multiple %squeeze3A_234, 16 : i32
        %mul3A_236 = arith.constant 16 : i32
        %mul3A_237 = arith.muli %add3A_96, %mul3A_236 : i32
        %add3A_238 = arith.constant 2 : i32
        %add3A_239 = arith.addi %mul3A_237, %add3A_238 : i32
        %add3A_240 = arith.constant 0 : i32
        %add3A_241 = arith.addi %multiple_of3A_235, %add3A_240 : i32
        %get3A_242 = arith.index_cast %add3A_239 : i32 to index
        %get3A_243 = arith.index_cast %add3A_241 : i32 to index
        %get3A_244 = tpu.vector_load %arg8[%get3A_242, %get3A_243] {strides = array<i32>} : memref<128x128xf32, #tpu.memory_space<vmem>>, vector<1x16xf32>,
        %get3A_245 = vector.shape_cast %get3A_244 : vector<1x16xf32> to vector<16xf32>
        %mul3A_246 = arith.constant 8 : i32
        %mul3A_247 = arith.muli %add3A_96, %mul3A_246 : i32
        %add3A_248 = arith.constant 1 : i32
        %add3A_249 = arith.addi %mul3A_247, %add3A_248 : i32
        %swap3A_250 = arith.index_cast %add3A_249 : i32 to index
        %swap3A_251 = arith.constant 0 : index
        %swap3A_252 = tpu.vector_load %arg10[%swap3A_250, %swap3A_251] {strides = array<i32>} : memref<64x128xf32, #tpu.memory_space<vmem>>, vector<1x16xf32>,
        %swap3A_253 = vector.shape_cast %swap3A_252 : vector<1x16xf32> to vector<16xf32>
        %swap3A_254 = vector.shape_cast %get3A_245 : vector<16xf32> to vector<1x16xf32>
        tpu.vector_store %arg10[%swap3A_250, %swap3A_251], %swap3A_254 {strides = array<i32>} : memref<64x128xf32, #tpu.memory_space<vmem>>, vector<1x16xf32>,
        %add3A_255 = arith.constant 16 : i32
        %add3A_256 = arith.addi %multiple_of3A_235, %add3A_255 : i32
        %get3A_257 = arith.index_cast %add3A_239 : i32 to index
        %get3A_258 = arith.index_cast %add3A_256 : i32 to index
        %get3A_259 = tpu.vector_load %arg8[%get3A_257, %get3A_258] {strides = array<i32>} : memref<128x128xf32, #tpu.memory_space<vmem>>, vector<1x16xf32>,
        %get3A_260 = vector.shape_cast %get3A_259 : vector<1x16xf32> to vector<16xf32>
        %mul3A_261 = arith.constant 8 : i32
        %mul3A_262 = arith.muli %add3A_96, %mul3A_261 : i32
        %add3A_263 = arith.constant 1 : i32
        %add3A_264 = arith.addi %mul3A_262, %add3A_263 : i32
        %swap3A_265 = arith.index_cast %add3A_264 : i32 to index
        %swap3A_266 = arith.constant 16 : index
        %swap3A_267 = tpu.vector_load %arg10[%swap3A_265, %swap3A_266] {strides = array<i32>} : memref<64x128xf32, #tpu.memory_space<vmem>>, vector<1x16xf32>,
        %swap3A_268 = vector.shape_cast %swap3A_267 : vector<1x16xf32> to vector<16xf32>
        %swap3A_269 = vector.shape_cast %get3A_260 : vector<16xf32> to vector<1x16xf32>
        tpu.vector_store %arg10[%swap3A_265, %swap3A_266], %swap3A_269 {strides = array<i32>} : memref<64x128xf32, #tpu.memory_space<vmem>>, vector<1x16xf32>,
        %add3A_270 = arith.constant 32 : i32
        %add3A_271 = arith.addi %multiple_of3A_235, %add3A_270 : i32
        %get3A_272 = arith.index_cast %add3A_239 : i32 to index
        %get3A_273 = arith.index_cast %add3A_271 : i32 to index
        %get3A_274 = tpu.vector_load %arg8[%get3A_272, %get3A_273] {strides = array<i32>} : memref<128x128xf32, #tpu.memory_space<vmem>>, vector<1x16xf32>,
        %get3A_275 = vector.shape_cast %get3A_274 : vector<1x16xf32> to vector<16xf32>
        %mul3A_276 = arith.constant 8 : i32
        %mul3A_277 = arith.muli %add3A_96, %mul3A_276 : i32
        %add3A_278 = arith.constant 1 : i32
        %add3A_279 = arith.addi %mul3A_277, %add3A_278 : i32
        %swap3A_280 = arith.index_cast %add3A_279 : i32 to index
        %swap3A_281 = arith.constant 32 : index
        %swap3A_282 = tpu.vector_load %arg10[%swap3A_280, %swap3A_281] {strides = array<i32>} : memref<64x128xf32, #tpu.memory_space<vmem>>, vector<1x16xf32>,
        %swap3A_283 = vector.shape_cast %swap3A_282 : vector<1x16xf32> to vector<16xf32>
        %swap3A_284 = vector.shape_cast %get3A_275 : vector<16xf32> to vector<1x16xf32>
        tpu.vector_store %arg10[%swap3A_280, %swap3A_281], %swap3A_284 {strides = array<i32>} : memref<64x128xf32, #tpu.memory_space<vmem>>, vector<1x16xf32>,
        %add3A_285 = arith.constant 48 : i32
        %add3A_286 = arith.addi %multiple_of3A_235, %add3A_285 : i32
        %get3A_287 = arith.index_cast %add3A_239 : i32 to index
        %get3A_288 = arith.index_cast %add3A_286 : i32 to index
        %get3A_289 = tpu.vector_load %arg8[%get3A_287, %get3A_288] {strides = array<i32>} : memref<128x128xf32, #tpu.memory_space<vmem>>, vector<1x16xf32>,
        %get3A_290 = vector.shape_cast %get3A_289 : vector<1x16xf32> to vector<16xf32>
        %mul3A_291 = arith.constant 8 : i32
        %mul3A_292 = arith.muli %add3A_96, %mul3A_291 : i32
        %add3A_293 = arith.constant 1 : i32
        %add3A_294 = arith.addi %mul3A_292, %add3A_293 : i32
        %swap3A_295 = arith.index_cast %add3A_294 : i32 to index
        %swap3A_296 = arith.constant 48 : index
        %swap3A_297 = tpu.vector_load %arg10[%swap3A_295, %swap3A_296] {strides = array<i32>} : memref<64x128xf32, #tpu.memory_space<vmem>>, vector<1x16xf32>,
        %swap3A_298 = vector.shape_cast %swap3A_297 : vector<1x16xf32> to vector<16xf32>
        %swap3A_299 = vector.shape_cast %get3A_290 : vector<16xf32> to vector<1x16xf32>
        tpu.vector_store %arg10[%swap3A_295, %swap3A_296], %swap3A_299 {strides = array<i32>} : memref<64x128xf32, #tpu.memory_space<vmem>>, vector<1x16xf32>,
        %slice3A_300 = vector.extract_strided_slice %get3A_101 {offsets = [3], sizes = [1], strides = [1]} : vector<16xi32> to vector<1xi32>
        %squeeze3A_301 = vector.extract %slice3A_300[0] : i32 from vector<1xi32>
        %multiple_of3A_302 = tpu.assume_multiple %squeeze3A_301, 16 : i32
        %mul3A_303 = arith.constant 16 : i32
        %mul3A_304 = arith.muli %add3A_96, %mul3A_303 : i32
        %add3A_305 = arith.constant 3 : i32
        %add3A_306 = arith.addi %mul3A_304, %add3A_305 : i32
        %add3A_307 = arith.constant 0 : i32
        %add3A_308 = arith.addi %multiple_of3A_302, %add3A_307 : i32
        %get3A_309 = arith.index_cast %add3A_306 : i32 to index
        %get3A_310 = arith.index_cast %add3A_308 : i32 to index
        %get3A_311 = tpu.vector_load %arg8[%get3A_309, %get3A_310] {strides = array<i32>} : memref<128x128xf32, #tpu.memory_space<vmem>>, vector<1x16xf32>,
        %get3A_312 = vector.shape_cast %get3A_311 : vector<1x16xf32> to vector<16xf32>
        %mul3A_313 = arith.constant 8 : i32
        %mul3A_314 = arith.muli %add3A_96, %mul3A_313 : i32
        %add3A_315 = arith.constant 1 : i32
        %add3A_316 = arith.addi %mul3A_314, %add3A_315 : i32
        %swap3A_317 = arith.index_cast %add3A_316 : i32 to index
        %swap3A_318 = arith.constant 64 : index
        %swap3A_319 = tpu.vector_load %arg10[%swap3A_317, %swap3A_318] {strides = array<i32>} : memref<64x128xf32, #tpu.memory_space<vmem>>, vector<1x16xf32>,
        %swap3A_320 = vector.shape_cast %swap3A_319 : vector<1x16xf32> to vector<16xf32>
        %swap3A_321 = vector.shape_cast %get3A_312 : vector<16xf32> to vector<1x16xf32>
        tpu.vector_store %arg10[%swap3A_317, %swap3A_318], %swap3A_321 {strides = array<i32>} : memref<64x128xf32, #tpu.memory_space<vmem>>, vector<1x16xf32>,
        %add3A_322 = arith.constant 16 : i32
        %add3A_323 = arith.addi %multiple_of3A_302, %add3A_322 : i32
        %get3A_324 = arith.index_cast %add3A_306 : i32 to index
        %get3A_325 = arith.index_cast %add3A_323 : i32 to index
        %get3A_326 = tpu.vector_load %arg8[%get3A_324, %get3A_325] {strides = array<i32>} : memref<128x128xf32, #tpu.memory_space<vmem>>, vector<1x16xf32>,
        %get3A_327 = vector.shape_cast %get3A_326 : vector<1x16xf32> to vector<16xf32>
        %mul3A_328 = arith.constant 8 : i32
        %mul3A_329 = arith.muli %add3A_96, %mul3A_328 : i32
        %add3A_330 = arith.constant 1 : i32
        %add3A_331 = arith.addi %mul3A_329, %add3A_330 : i32
        %swap3A_332 = arith.index_cast %add3A_331 : i32 to index
        %swap3A_333 = arith.constant 80 : index
        %swap3A_334 = tpu.vector_load %arg10[%swap3A_332, %swap3A_333] {strides = array<i32>} : memref<64x128xf32, #tpu.memory_space<vmem>>, vector<1x16xf32>,
        %swap3A_335 = vector.shape_cast %swap3A_334 : vector<1x16xf32> to vector<16xf32>
        %swap3A_336 = vector.shape_cast %get3A_327 : vector<16xf32> to vector<1x16xf32>
        tpu.vector_store %arg10[%swap3A_332, %swap3A_333], %swap3A_336 {strides = array<i32>} : memref<64x128xf32, #tpu.memory_space<vmem>>, vector<1x16xf32>,
        %add3A_337 = arith.constant 32 : i32
        %add3A_338 = arith.addi %multiple_of3A_302, %add3A_337 : i32
        %get3A_339 = arith.index_cast %add3A_306 : i32 to index
        %get3A_340 = arith.index_cast %add3A_338 : i32 to index
        %get3A_341 = tpu.vector_load %arg8[%get3A_339, %get3A_340] {strides = array<i32>} : memref<128x128xf32, #tpu.memory_space<vmem>>, vector<1x16xf32>,
        %get3A_342 = vector.shape_cast %get3A_341 : vector<1x16xf32> to vector<16xf32>
        %mul3A_343 = arith.constant 8 : i32
        %mul3A_344 = arith.muli %add3A_96, %mul3A_343 : i32
        %add3A_345 = arith.constant 1 : i32
        %add3A_346 = arith.addi %mul3A_344, %add3A_345 : i32
        %swap3A_347 = arith.index_cast %add3A_346 : i32 to index
        %swap3A_348 = arith.constant 96 : index
        %swap3A_349 = tpu.vector_load %arg10[%swap3A_347, %swap3A_348] {strides = array<i32>} : memref<64x128xf32, #tpu.memory_space<vmem>>, vector<1x16xf32>,
        %swap3A_350 = vector.shape_cast %swap3A_349 : vector<1x16xf32> to vector<16xf32>
        %swap3A_351 = vector.shape_cast %get3A_342 : vector<16xf32> to vector<1x16xf32>
        tpu.vector_store %arg10[%swap3A_347, %swap3A_348], %swap3A_351 {strides = array<i32>} : memref<64x128xf32, #tpu.memory_space<vmem>>, vector<1x16xf32>,
        %add3A_352 = arith.constant 48 : i32
        %add3A_353 = arith.addi %multiple_of3A_302, %add3A_352 : i32
        %get3A_354 = arith.index_cast %add3A_306 : i32 to index
        %get3A_355 = arith.index_cast %add3A_353 : i32 to index
        %get3A_356 = tpu.vector_load %arg8[%get3A_354, %get3A_355] {strides = array<i32>} : memref<128x128xf32, #tpu.memory_space<vmem>>, vector<1x16xf32>,
        %get3A_357 = vector.shape_cast %get3A_356 : vector<1x16xf32> to vector<16xf32>
        %mul3A_358 = arith.constant 8 : i32
        %mul3A_359 = arith.muli %add3A_96, %mul3A_358 : i32
        %add3A_360 = arith.constant 1 : i32
        %add3A_361 = arith.addi %mul3A_359, %add3A_360 : i32
        %swap3A_362 = arith.index_cast %add3A_361 : i32 to index
        %swap3A_363 = arith.constant 112 : index
        %swap3A_364 = tpu.vector_load %arg10[%swap3A_362, %swap3A_363] {strides = array<i32>} : memref<64x128xf32, #tpu.memory_space<vmem>>, vector<1x16xf32>,
        %swap3A_365 = vector.shape_cast %swap3A_364 : vector<1x16xf32> to vector<16xf32>
        %swap3A_366 = vector.shape_cast %get3A_357 : vector<16xf32> to vector<1x16xf32>
        tpu.vector_store %arg10[%swap3A_362, %swap3A_363], %swap3A_366 {strides = array<i32>} : memref<64x128xf32, #tpu.memory_space<vmem>>, vector<1x16xf32>,
        %slice3A_367 = vector.extract_strided_slice %get3A_101 {offsets = [4], sizes = [1], strides = [1]} : vector<16xi32> to vector<1xi32>
        %squeeze3A_368 = vector.extract %slice3A_367[0] : i32 from vector<1xi32>
        %multiple_of3A_369 = tpu.assume_multiple %squeeze3A_368, 16 : i32
        %mul3A_370 = arith.constant 16 : i32
        %mul3A_371 = arith.muli %add3A_96, %mul3A_370 : i32
        %add3A_372 = arith.constant 4 : i32
        %add3A_373 = arith.addi %mul3A_371, %add3A_372 : i32
        %add3A_374 = arith.constant 0 : i32
        %add3A_375 = arith.addi %multiple_of3A_369, %add3A_374 : i32
        %get3A_376 = arith.index_cast %add3A_373 : i32 to index
        %get3A_377 = arith.index_cast %add3A_375 : i32 to index
        %get3A_378 = tpu.vector_load %arg8[%get3A_376, %get3A_377] {strides = array<i32>} : memref<128x128xf32, #tpu.memory_space<vmem>>, vector<1x16xf32>,
        %get3A_379 = vector.shape_cast %get3A_378 : vector<1x16xf32> to vector<16xf32>
        %mul3A_380 = arith.constant 8 : i32
        %mul3A_381 = arith.muli %add3A_96, %mul3A_380 : i32
        %add3A_382 = arith.constant 2 : i32
        %add3A_383 = arith.addi %mul3A_381, %add3A_382 : i32
        %swap3A_384 = arith.index_cast %add3A_383 : i32 to index
        %swap3A_385 = arith.constant 0 : index
        %swap3A_386 = tpu.vector_load %arg10[%swap3A_384, %swap3A_385] {strides = array<i32>} : memref<64x128xf32, #tpu.memory_space<vmem>>, vector<1x16xf32>,
        %swap3A_387 = vector.shape_cast %swap3A_386 : vector<1x16xf32> to vector<16xf32>
        %swap3A_388 = vector.shape_cast %get3A_379 : vector<16xf32> to vector<1x16xf32>
        tpu.vector_store %arg10[%swap3A_384, %swap3A_385], %swap3A_388 {strides = array<i32>} : memref<64x128xf32, #tpu.memory_space<vmem>>, vector<1x16xf32>,
        %add3A_389 = arith.constant 16 : i32
        %add3A_390 = arith.addi %multiple_of3A_369, %add3A_389 : i32
        %get3A_391 = arith.index_cast %add3A_373 : i32 to index
        %get3A_392 = arith.index_cast %add3A_390 : i32 to index
        %get3A_393 = tpu.vector_load %arg8[%get3A_391, %get3A_392] {strides = array<i32>} : memref<128x128xf32, #tpu.memory_space<vmem>>, vector<1x16xf32>,
        %get3A_394 = vector.shape_cast %get3A_393 : vector<1x16xf32> to vector<16xf32>
        %mul3A_395 = arith.constant 8 : i32
        %mul3A_396 = arith.muli %add3A_96, %mul3A_395 : i32
        %add3A_397 = arith.constant 2 : i32
        %add3A_398 = arith.addi %mul3A_396, %add3A_397 : i32
        %swap3A_399 = arith.index_cast %add3A_398 : i32 to index
        %swap3A_400 = arith.constant 16 : index
        %swap3A_401 = tpu.vector_load %arg10[%swap3A_399, %swap3A_400] {strides = array<i32>} : memref<64x128xf32, #tpu.memory_space<vmem>>, vector<1x16xf32>,
        %swap3A_402 = vector.shape_cast %swap3A_401 : vector<1x16xf32> to vector<16xf32>
        %swap3A_403 = vector.shape_cast %get3A_394 : vector<16xf32> to vector<1x16xf32>
        tpu.vector_store %arg10[%swap3A_399, %swap3A_400], %swap3A_403 {strides = array<i32>} : memref<64x128xf32, #tpu.memory_space<vmem>>, vector<1x16xf32>,
        %add3A_404 = arith.constant 32 : i32
        %add3A_405 = arith.addi %multiple_of3A_369, %add3A_404 : i32
        %get3A_406 = arith.index_cast %add3A_373 : i32 to index
        %get3A_407 = arith.index_cast %add3A_405 : i32 to index
        %get3A_408 = tpu.vector_load %arg8[%get3A_406, %get3A_407] {strides = array<i32>} : memref<128x128xf32, #tpu.memory_space<vmem>>, vector<1x16xf32>,
        %get3A_409 = vector.shape_cast %get3A_408 : vector<1x16xf32> to vector<16xf32>
        %mul3A_410 = arith.constant 8 : i32
        %mul3A_411 = arith.muli %add3A_96, %mul3A_410 : i32
        %add3A_412 = arith.constant 2 : i32
        %add3A_413 = arith.addi %mul3A_411, %add3A_412 : i32
        %swap3A_414 = arith.index_cast %add3A_413 : i32 to index
        %swap3A_415 = arith.constant 32 : index
        %swap3A_416 = tpu.vector_load %arg10[%swap3A_414, %swap3A_415] {strides = array<i32>} : memref<64x128xf32, #tpu.memory_space<vmem>>, vector<1x16xf32>,
        %swap3A_417 = vector.shape_cast %swap3A_416 : vector<1x16xf32> to vector<16xf32>
        %swap3A_418 = vector.shape_cast %get3A_409 : vector<16xf32> to vector<1x16xf32>
        tpu.vector_store %arg10[%swap3A_414, %swap3A_415], %swap3A_418 {strides = array<i32>} : memref<64x128xf32, #tpu.memory_space<vmem>>, vector<1x16xf32>,
        %add3A_419 = arith.constant 48 : i32
        %add3A_420 = arith.addi %multiple_of3A_369, %add3A_419 : i32
        %get3A_421 = arith.index_cast %add3A_373 : i32 to index
        %get3A_422 = arith.index_cast %add3A_420 : i32 to index
        %get3A_423 = tpu.vector_load %arg8[%get3A_421, %get3A_422] {strides = array<i32>} : memref<128x128xf32, #tpu.memory_space<vmem>>, vector<1x16xf32>,
        %get3A_424 = vector.shape_cast %get3A_423 : vector<1x16xf32> to vector<16xf32>
        %mul3A_425 = arith.constant 8 : i32
        %mul3A_426 = arith.muli %add3A_96, %mul3A_425 : i32
        %add3A_427 = arith.constant 2 : i32
        %add3A_428 = arith.addi %mul3A_426, %add3A_427 : i32
        %swap3A_429 = arith.index_cast %add3A_428 : i32 to index
        %swap3A_430 = arith.constant 48 : index
        %swap3A_431 = tpu.vector_load %arg10[%swap3A_429, %swap3A_430] {strides = array<i32>} : memref<64x128xf32, #tpu.memory_space<vmem>>, vector<1x16xf32>,
        %swap3A_432 = vector.shape_cast %swap3A_431 : vector<1x16xf32> to vector<16xf32>
        %swap3A_433 = vector.shape_cast %get3A_424 : vector<16xf32> to vector<1x16xf32>
        tpu.vector_store %arg10[%swap3A_429, %swap3A_430], %swap3A_433 {strides = array<i32>} : memref<64x128xf32, #tpu.memory_space<vmem>>, vector<1x16xf32>,
        %slice3A_434 = vector.extract_strided_slice %get3A_101 {offsets = [5], sizes = [1], strides = [1]} : vector<16xi32> to vector<1xi32>
        %squeeze3A_435 = vector.extract %slice3A_434[0] : i32 from vector<1xi32>
        %multiple_of3A_436 = tpu.assume_multiple %squeeze3A_435, 16 : i32
        %mul3A_437 = arith.constant 16 : i32
        %mul3A_438 = arith.muli %add3A_96, %mul3A_437 : i32
        %add3A_439 = arith.constant 5 : i32
        %add3A_440 = arith.addi %mul3A_438, %add3A_439 : i32
        %add3A_441 = arith.constant 0 : i32
        %add3A_442 = arith.addi %multiple_of3A_436, %add3A_441 : i32
        %get3A_443 = arith.index_cast %add3A_440 : i32 to index
        %get3A_444 = arith.index_cast %add3A_442 : i32 to index
        %get3A_445 = tpu.vector_load %arg8[%get3A_443, %get3A_444] {strides = array<i32>} : memref<128x128xf32, #tpu.memory_space<vmem>>, vector<1x16xf32>,
        %get3A_446 = vector.shape_cast %get3A_445 : vector<1x16xf32> to vector<16xf32>
        %mul3A_447 = arith.constant 8 : i32
        %mul3A_448 = arith.muli %add3A_96, %mul3A_447 : i32
        %add3A_449 = arith.constant 2 : i32
        %add3A_450 = arith.addi %mul3A_448, %add3A_449 : i32
        %swap3A_451 = arith.index_cast %add3A_450 : i32 to index
        %swap3A_452 = arith.constant 64 : index
        %swap3A_453 = tpu.vector_load %arg10[%swap3A_451, %swap3A_452] {strides = array<i32>} : memref<64x128xf32, #tpu.memory_space<vmem>>, vector<1x16xf32>,
        %swap3A_454 = vector.shape_cast %swap3A_453 : vector<1x16xf32> to vector<16xf32>
        %swap3A_455 = vector.shape_cast %get3A_446 : vector<16xf32> to vector<1x16xf32>
        tpu.vector_store %arg10[%swap3A_451, %swap3A_452], %swap3A_455 {strides = array<i32>} : memref<64x128xf32, #tpu.memory_space<vmem>>, vector<1x16xf32>,
        %add3A_456 = arith.constant 16 : i32
        %add3A_457 = arith.addi %multiple_of3A_436, %add3A_456 : i32
        %get3A_458 = arith.index_cast %add3A_440 : i32 to index
        %get3A_459 = arith.index_cast %add3A_457 : i32 to index
        %get3A_460 = tpu.vector_load %arg8[%get3A_458, %get3A_459] {strides = array<i32>} : memref<128x128xf32, #tpu.memory_space<vmem>>, vector<1x16xf32>,
        %get3A_461 = vector.shape_cast %get3A_460 : vector<1x16xf32> to vector<16xf32>
        %mul3A_462 = arith.constant 8 : i32
        %mul3A_463 = arith.muli %add3A_96, %mul3A_462 : i32
        %add3A_464 = arith.constant 2 : i32
        %add3A_465 = arith.addi %mul3A_463, %add3A_464 : i32
        %swap3A_466 = arith.index_cast %add3A_465 : i32 to index
        %swap3A_467 = arith.constant 80 : index
        %swap3A_468 = tpu.vector_load %arg10[%swap3A_466, %swap3A_467] {strides = array<i32>} : memref<64x128xf32, #tpu.memory_space<vmem>>, vector<1x16xf32>,
        %swap3A_469 = vector.shape_cast %swap3A_468 : vector<1x16xf32> to vector<16xf32>
        %swap3A_470 = vector.shape_cast %get3A_461 : vector<16xf32> to vector<1x16xf32>
        tpu.vector_store %arg10[%swap3A_466, %swap3A_467], %swap3A_470 {strides = array<i32>} : memref<64x128xf32, #tpu.memory_space<vmem>>, vector<1x16xf32>,
        %add3A_471 = arith.constant 32 : i32
        %add3A_472 = arith.addi %multiple_of3A_436, %add3A_471 : i32
        %get3A_473 = arith.index_cast %add3A_440 : i32 to index
        %get3A_474 = arith.index_cast %add3A_472 : i32 to index
        %get3A_475 = tpu.vector_load %arg8[%get3A_473, %get3A_474] {strides = array<i32>} : memref<128x128xf32, #tpu.memory_space<vmem>>, vector<1x16xf32>,
        %get3A_476 = vector.shape_cast %get3A_475 : vector<1x16xf32> to vector<16xf32>
        %mul3A_477 = arith.constant 8 : i32
        %mul3A_478 = arith.muli %add3A_96, %mul3A_477 : i32
        %add3A_479 = arith.constant 2 : i32
        %add3A_480 = arith.addi %mul3A_478, %add3A_479 : i32
        %swap3A_481 = arith.index_cast %add3A_480 : i32 to index
        %swap3A_482 = arith.constant 96 : index
        %swap3A_483 = tpu.vector_load %arg10[%swap3A_481, %swap3A_482] {strides = array<i32>} : memref<64x128xf32, #tpu.memory_space<vmem>>, vector<1x16xf32>,
        %swap3A_484 = vector.shape_cast %swap3A_483 : vector<1x16xf32> to vector<16xf32>
        %swap3A_485 = vector.shape_cast %get3A_476 : vector<16xf32> to vector<1x16xf32>
        tpu.vector_store %arg10[%swap3A_481, %swap3A_482], %swap3A_485 {strides = array<i32>} : memref<64x128xf32, #tpu.memory_space<vmem>>, vector<1x16xf32>,
        %add3A_486 = arith.constant 48 : i32
        %add3A_487 = arith.addi %multiple_of3A_436, %add3A_486 : i32
        %get3A_488 = arith.index_cast %add3A_440 : i32 to index
        %get3A_489 = arith.index_cast %add3A_487 : i32 to index
        %get3A_490 = tpu.vector_load %arg8[%get3A_488, %get3A_489] {strides = array<i32>} : memref<128x128xf32, #tpu.memory_space<vmem>>, vector<1x16xf32>,
        %get3A_491 = vector.shape_cast %get3A_490 : vector<1x16xf32> to vector<16xf32>
        %mul3A_492 = arith.constant 8 : i32
        %mul3A_493 = arith.muli %add3A_96, %mul3A_492 : i32
        %add3A_494 = arith.constant 2 : i32
        %add3A_495 = arith.addi %mul3A_493, %add3A_494 : i32
        %swap3A_496 = arith.index_cast %add3A_495 : i32 to index
        %swap3A_497 = arith.constant 112 : index
        %swap3A_498 = tpu.vector_load %arg10[%swap3A_496, %swap3A_497] {strides = array<i32>} : memref<64x128xf32, #tpu.memory_space<vmem>>, vector<1x16xf32>,
        %swap3A_499 = vector.shape_cast %swap3A_498 : vector<1x16xf32> to vector<16xf32>
        %swap3A_500 = vector.shape_cast %get3A_491 : vector<16xf32> to vector<1x16xf32>
        tpu.vector_store %arg10[%swap3A_496, %swap3A_497], %swap3A_500 {strides = array<i32>} : memref<64x128xf32, #tpu.memory_space<vmem>>, vector<1x16xf32>,
        %slice3A_501 = vector.extract_strided_slice %get3A_101 {offsets = [6], sizes = [1], strides = [1]} : vector<16xi32> to vector<1xi32>
        %squeeze3A_502 = vector.extract %slice3A_501[0] : i32 from vector<1xi32>
        %multiple_of3A_503 = tpu.assume_multiple %squeeze3A_502, 16 : i32
        %mul3A_504 = arith.constant 16 : i32
        %mul3A_505 = arith.muli %add3A_96, %mul3A_504 : i32
        %add3A_506 = arith.constant 6 : i32
        %add3A_507 = arith.addi %mul3A_505, %add3A_506 : i32
        %add3A_508 = arith.constant 0 : i32
        %add3A_509 = arith.addi %multiple_of3A_503, %add3A_508 : i32
        %get3A_510 = arith.index_cast %add3A_507 : i32 to index
        %get3A_511 = arith.index_cast %add3A_509 : i32 to index
        %get3A_512 = tpu.vector_load %arg8[%get3A_510, %get3A_511] {strides = array<i32>} : memref<128x128xf32, #tpu.memory_space<vmem>>, vector<1x16xf32>,
        %get3A_513 = vector.shape_cast %get3A_512 : vector<1x16xf32> to vector<16xf32>
        %mul3A_514 = arith.constant 8 : i32
        %mul3A_515 = arith.muli %add3A_96, %mul3A_514 : i32
        %add3A_516 = arith.constant 3 : i32
        %add3A_517 = arith.addi %mul3A_515, %add3A_516 : i32
        %swap3A_518 = arith.index_cast %add3A_517 : i32 to index
        %swap3A_519 = arith.constant 0 : index
        %swap3A_520 = tpu.vector_load %arg10[%swap3A_518, %swap3A_519] {strides = array<i32>} : memref<64x128xf32, #tpu.memory_space<vmem>>, vector<1x16xf32>,
        %swap3A_521 = vector.shape_cast %swap3A_520 : vector<1x16xf32> to vector<16xf32>
        %swap3A_522 = vector.shape_cast %get3A_513 : vector<16xf32> to vector<1x16xf32>
        tpu.vector_store %arg10[%swap3A_518, %swap3A_519], %swap3A_522 {strides = array<i32>} : memref<64x128xf32, #tpu.memory_space<vmem>>, vector<1x16xf32>,
        %add3A_523 = arith.constant 16 : i32
        %add3A_524 = arith.addi %multiple_of3A_503, %add3A_523 : i32
        %get3A_525 = arith.index_cast %add3A_507 : i32 to index
        %get3A_526 = arith.index_cast %add3A_524 : i32 to index
        %get3A_527 = tpu.vector_load %arg8[%get3A_525, %get3A_526] {strides = array<i32>} : memref<128x128xf32, #tpu.memory_space<vmem>>, vector<1x16xf32>,
        %get3A_528 = vector.shape_cast %get3A_527 : vector<1x16xf32> to vector<16xf32>
        %mul3A_529 = arith.constant 8 : i32
        %mul3A_530 = arith.muli %add3A_96, %mul3A_529 : i32
        %add3A_531 = arith.constant 3 : i32
        %add3A_532 = arith.addi %mul3A_530, %add3A_531 : i32
        %swap3A_533 = arith.index_cast %add3A_532 : i32 to index
        %swap3A_534 = arith.constant 16 : index
        %swap3A_535 = tpu.vector_load %arg10[%swap3A_533, %swap3A_534] {strides = array<i32>} : memref<64x128xf32, #tpu.memory_space<vmem>>, vector<1x16xf32>,
        %swap3A_536 = vector.shape_cast %swap3A_535 : vector<1x16xf32> to vector<16xf32>
        %swap3A_537 = vector.shape_cast %get3A_528 : vector<16xf32> to vector<1x16xf32>
        tpu.vector_store %arg10[%swap3A_533, %swap3A_534], %swap3A_537 {strides = array<i32>} : memref<64x128xf32, #tpu.memory_space<vmem>>, vector<1x16xf32>,
        %add3A_538 = arith.constant 32 : i32
        %add3A_539 = arith.addi %multiple_of3A_503, %add3A_538 : i32
        %get3A_540 = arith.index_cast %add3A_507 : i32 to index
        %get3A_541 = arith.index_cast %add3A_539 : i32 to index
        %get3A_542 = tpu.vector_load %arg8[%get3A_540, %get3A_541] {strides = array<i32>} : memref<128x128xf32, #tpu.memory_space<vmem>>, vector<1x16xf32>,
        %get3A_543 = vector.shape_cast %get3A_542 : vector<1x16xf32> to vector<16xf32>
        %mul3A_544 = arith.constant 8 : i32
        %mul3A_545 = arith.muli %add3A_96, %mul3A_544 : i32
        %add3A_546 = arith.constant 3 : i32
        %add3A_547 = arith.addi %mul3A_545, %add3A_546 : i32
        %swap3A_548 = arith.index_cast %add3A_547 : i32 to index
        %swap3A_549 = arith.constant 32 : index
        %swap3A_550 = tpu.vector_load %arg10[%swap3A_548, %swap3A_549] {strides = array<i32>} : memref<64x128xf32, #tpu.memory_space<vmem>>, vector<1x16xf32>,
        %swap3A_551 = vector.shape_cast %swap3A_550 : vector<1x16xf32> to vector<16xf32>
        %swap3A_552 = vector.shape_cast %get3A_543 : vector<16xf32> to vector<1x16xf32>
        tpu.vector_store %arg10[%swap3A_548, %swap3A_549], %swap3A_552 {strides = array<i32>} : memref<64x128xf32, #tpu.memory_space<vmem>>, vector<1x16xf32>,
        %add3A_553 = arith.constant 48 : i32
        %add3A_554 = arith.addi %multiple_of3A_503, %add3A_553 : i32
        %get3A_555 = arith.index_cast %add3A_507 : i32 to index
        %get3A_556 = arith.index_cast %add3A_554 : i32 to index
        %get3A_557 = tpu.vector_load %arg8[%get3A_555, %get3A_556] {strides = array<i32>} : memref<128x128xf32, #tpu.memory_space<vmem>>, vector<1x16xf32>,
        %get3A_558 = vector.shape_cast %get3A_557 : vector<1x16xf32> to vector<16xf32>
        %mul3A_559 = arith.constant 8 : i32
        %mul3A_560 = arith.muli %add3A_96, %mul3A_559 : i32
        %add3A_561 = arith.constant 3 : i32
        %add3A_562 = arith.addi %mul3A_560, %add3A_561 : i32
        %swap3A_563 = arith.index_cast %add3A_562 : i32 to index
        %swap3A_564 = arith.constant 48 : index
        %swap3A_565 = tpu.vector_load %arg10[%swap3A_563, %swap3A_564] {strides = array<i32>} : memref<64x128xf32, #tpu.memory_space<vmem>>, vector<1x16xf32>,
        %swap3A_566 = vector.shape_cast %swap3A_565 : vector<1x16xf32> to vector<16xf32>
        %swap3A_567 = vector.shape_cast %get3A_558 : vector<16xf32> to vector<1x16xf32>
        tpu.vector_store %arg10[%swap3A_563, %swap3A_564], %swap3A_567 {strides = array<i32>} : memref<64x128xf32, #tpu.memory_space<vmem>>, vector<1x16xf32>,
        %slice3A_568 = vector.extract_strided_slice %get3A_101 {offsets = [7], sizes = [1], strides = [1]} : vector<16xi32> to vector<1xi32>
        %squeeze3A_569 = vector.extract %slice3A_568[0] : i32 from vector<1xi32>
        %multiple_of3A_570 = tpu.assume_multiple %squeeze3A_569, 16 : i32
        %mul3A_571 = arith.constant 16 : i32
        %mul3A_572 = arith.muli %add3A_96, %mul3A_571 : i32
        %add3A_573 = arith.constant 7 : i32
        %add3A_574 = arith.addi %mul3A_572, %add3A_573 : i32
        %add3A_575 = arith.constant 0 : i32
        %add3A_576 = arith.addi %multiple_of3A_570, %add3A_575 : i32
        %get3A_577 = arith.index_cast %add3A_574 : i32 to index
        %get3A_578 = arith.index_cast %add3A_576 : i32 to index
        %get3A_579 = tpu.vector_load %arg8[%get3A_577, %get3A_578] {strides = array<i32>} : memref<128x128xf32, #tpu.memory_space<vmem>>, vector<1x16xf32>,
        %get3A_580 = vector.shape_cast %get3A_579 : vector<1x16xf32> to vector<16xf32>
        %mul3A_581 = arith.constant 8 : i32
        %mul3A_582 = arith.muli %add3A_96, %mul3A_581 : i32
        %add3A_583 = arith.constant 3 : i32
        %add3A_584 = arith.addi %mul3A_582, %add3A_583 : i32
        %swap3A_585 = arith.index_cast %add3A_584 : i32 to index
        %swap3A_586 = arith.constant 64 : index
        %swap3A_587 = tpu.vector_load %arg10[%swap3A_585, %swap3A_586] {strides = array<i32>} : memref<64x128xf32, #tpu.memory_space<vmem>>, vector<1x16xf32>,
        %swap3A_588 = vector.shape_cast %swap3A_587 : vector<1x16xf32> to vector<16xf32>
        %swap3A_589 = vector.shape_cast %get3A_580 : vector<16xf32> to vector<1x16xf32>
        tpu.vector_store %arg10[%swap3A_585, %swap3A_586], %swap3A_589 {strides = array<i32>} : memref<64x128xf32, #tpu.memory_space<vmem>>, vector<1x16xf32>,
        %add3A_590 = arith.constant 16 : i32
        %add3A_591 = arith.addi %multiple_of3A_570, %add3A_590 : i32
        %get3A_592 = arith.index_cast %add3A_574 : i32 to index
        %get3A_593 = arith.index_cast %add3A_591 : i32 to index
        %get3A_594 = tpu.vector_load %arg8[%get3A_592, %get3A_593] {strides = array<i32>} : memref<128x128xf32, #tpu.memory_space<vmem>>, vector<1x16xf32>,
        %get3A_595 = vector.shape_cast %get3A_594 : vector<1x16xf32> to vector<16xf32>
        %mul3A_596 = arith.constant 8 : i32
        %mul3A_597 = arith.muli %add3A_96, %mul3A_596 : i32
        %add3A_598 = arith.constant 3 : i32
        %add3A_599 = arith.addi %mul3A_597, %add3A_598 : i32
        %swap3A_600 = arith.index_cast %add3A_599 : i32 to index
        %swap3A_601 = arith.constant 80 : index
        %swap3A_602 = tpu.vector_load %arg10[%swap3A_600, %swap3A_601] {strides = array<i32>} : memref<64x128xf32, #tpu.memory_space<vmem>>, vector<1x16xf32>,
        %swap3A_603 = vector.shape_cast %swap3A_602 : vector<1x16xf32> to vector<16xf32>
        %swap3A_604 = vector.shape_cast %get3A_595 : vector<16xf32> to vector<1x16xf32>
        tpu.vector_store %arg10[%swap3A_600, %swap3A_601], %swap3A_604 {strides = array<i32>} : memref<64x128xf32, #tpu.memory_space<vmem>>, vector<1x16xf32>,
        %add3A_605 = arith.constant 32 : i32
        %add3A_606 = arith.addi %multiple_of3A_570, %add3A_605 : i32
        %get3A_607 = arith.index_cast %add3A_574 : i32 to index
        %get3A_608 = arith.index_cast %add3A_606 : i32 to index
        %get3A_609 = tpu.vector_load %arg8[%get3A_607, %get3A_608] {strides = array<i32>} : memref<128x128xf32, #tpu.memory_space<vmem>>, vector<1x16xf32>,
        %get3A_610 = vector.shape_cast %get3A_609 : vector<1x16xf32> to vector<16xf32>
        %mul3A_611 = arith.constant 8 : i32
        %mul3A_612 = arith.muli %add3A_96, %mul3A_611 : i32
        %add3A_613 = arith.constant 3 : i32
        %add3A_614 = arith.addi %mul3A_612, %add3A_613 : i32
        %swap3A_615 = arith.index_cast %add3A_614 : i32 to index
        %swap3A_616 = arith.constant 96 : index
        %swap3A_617 = tpu.vector_load %arg10[%swap3A_615, %swap3A_616] {strides = array<i32>} : memref<64x128xf32, #tpu.memory_space<vmem>>, vector<1x16xf32>,
        %swap3A_618 = vector.shape_cast %swap3A_617 : vector<1x16xf32> to vector<16xf32>
        %swap3A_619 = vector.shape_cast %get3A_610 : vector<16xf32> to vector<1x16xf32>
        tpu.vector_store %arg10[%swap3A_615, %swap3A_616], %swap3A_619 {strides = array<i32>} : memref<64x128xf32, #tpu.memory_space<vmem>>, vector<1x16xf32>,
        %add3A_620 = arith.constant 48 : i32
        %add3A_621 = arith.addi %multiple_of3A_570, %add3A_620 : i32
        %get3A_622 = arith.index_cast %add3A_574 : i32 to index
        %get3A_623 = arith.index_cast %add3A_621 : i32 to index
        %get3A_624 = tpu.vector_load %arg8[%get3A_622, %get3A_623] {strides = array<i32>} : memref<128x128xf32, #tpu.memory_space<vmem>>, vector<1x16xf32>,
        %get3A_625 = vector.shape_cast %get3A_624 : vector<1x16xf32> to vector<16xf32>
        %mul3A_626 = arith.constant 8 : i32
        %mul3A_627 = arith.muli %add3A_96, %mul3A_626 : i32
        %add3A_628 = arith.constant 3 : i32
        %add3A_629 = arith.addi %mul3A_627, %add3A_628 : i32
        %swap3A_630 = arith.index_cast %add3A_629 : i32 to index
        %swap3A_631 = arith.constant 112 : index
        %swap3A_632 = tpu.vector_load %arg10[%swap3A_630, %swap3A_631] {strides = array<i32>} : memref<64x128xf32, #tpu.memory_space<vmem>>, vector<1x16xf32>,
        %swap3A_633 = vector.shape_cast %swap3A_632 : vector<1x16xf32> to vector<16xf32>
        %swap3A_634 = vector.shape_cast %get3A_625 : vector<16xf32> to vector<1x16xf32>
        tpu.vector_store %arg10[%swap3A_630, %swap3A_631], %swap3A_634 {strides = array<i32>} : memref<64x128xf32, #tpu.memory_space<vmem>>, vector<1x16xf32>,
        %slice3A_635 = vector.extract_strided_slice %get3A_101 {offsets = [8], sizes = [1], strides = [1]} : vector<16xi32> to vector<1xi32>
        %squeeze3A_636 = vector.extract %slice3A_635[0] : i32 from vector<1xi32>
        %multiple_of3A_637 = tpu.assume_multiple %squeeze3A_636, 16 : i32
        %mul3A_638 = arith.constant 16 : i32
        %mul3A_639 = arith.muli %add3A_96, %mul3A_638 : i32
        %add3A_640 = arith.constant 8 : i32
        %add3A_641 = arith.addi %mul3A_639, %add3A_640 : i32
        %add3A_642 = arith.constant 0 : i32
        %add3A_643 = arith.addi %multiple_of3A_637, %add3A_642 : i32
        %get3A_644 = arith.index_cast %add3A_641 : i32 to index
        %get3A_645 = arith.index_cast %add3A_643 : i32 to index
        %get3A_646 = tpu.vector_load %arg8[%get3A_644, %get3A_645] {strides = array<i32>} : memref<128x128xf32, #tpu.memory_space<vmem>>, vector<1x16xf32>,
        %get3A_647 = vector.shape_cast %get3A_646 : vector<1x16xf32> to vector<16xf32>
        %mul3A_648 = arith.constant 8 : i32
        %mul3A_649 = arith.muli %add3A_96, %mul3A_648 : i32
        %add3A_650 = arith.constant 4 : i32
        %add3A_651 = arith.addi %mul3A_649, %add3A_650 : i32
        %swap3A_652 = arith.index_cast %add3A_651 : i32 to index
        %swap3A_653 = arith.constant 0 : index
        %swap3A_654 = tpu.vector_load %arg10[%swap3A_652, %swap3A_653] {strides = array<i32>} : memref<64x128xf32, #tpu.memory_space<vmem>>, vector<1x16xf32>,
        %swap3A_655 = vector.shape_cast %swap3A_654 : vector<1x16xf32> to vector<16xf32>
        %swap3A_656 = vector.shape_cast %get3A_647 : vector<16xf32> to vector<1x16xf32>
        tpu.vector_store %arg10[%swap3A_652, %swap3A_653], %swap3A_656 {strides = array<i32>} : memref<64x128xf32, #tpu.memory_space<vmem>>, vector<1x16xf32>,
        %add3A_657 = arith.constant 16 : i32
        %add3A_658 = arith.addi %multiple_of3A_637, %add3A_657 : i32
        %get3A_659 = arith.index_cast %add3A_641 : i32 to index
        %get3A_660 = arith.index_cast %add3A_658 : i32 to index
        %get3A_661 = tpu.vector_load %arg8[%get3A_659, %get3A_660] {strides = array<i32>} : memref<128x128xf32, #tpu.memory_space<vmem>>, vector<1x16xf32>,
        %get3A_662 = vector.shape_cast %get3A_661 : vector<1x16xf32> to vector<16xf32>
        %mul3A_663 = arith.constant 8 : i32
        %mul3A_664 = arith.muli %add3A_96, %mul3A_663 : i32
        %add3A_665 = arith.constant 4 : i32
        %add3A_666 = arith.addi %mul3A_664, %add3A_665 : i32
        %swap3A_667 = arith.index_cast %add3A_666 : i32 to index
        %swap3A_668 = arith.constant 16 : index
        %swap3A_669 = tpu.vector_load %arg10[%swap3A_667, %swap3A_668] {strides = array<i32>} : memref<64x128xf32, #tpu.memory_space<vmem>>, vector<1x16xf32>,
        %swap3A_670 = vector.shape_cast %swap3A_669 : vector<1x16xf32> to vector<16xf32>
        %swap3A_671 = vector.shape_cast %get3A_662 : vector<16xf32> to vector<1x16xf32>
        tpu.vector_store %arg10[%swap3A_667, %swap3A_668], %swap3A_671 {strides = array<i32>} : memref<64x128xf32, #tpu.memory_space<vmem>>, vector<1x16xf32>,
        %add3A_672 = arith.constant 32 : i32
        %add3A_673 = arith.addi %multiple_of3A_637, %add3A_672 : i32
        %get3A_674 = arith.index_cast %add3A_641 : i32 to index
        %get3A_675 = arith.index_cast %add3A_673 : i32 to index
        %get3A_676 = tpu.vector_load %arg8[%get3A_674, %get3A_675] {strides = array<i32>} : memref<128x128xf32, #tpu.memory_space<vmem>>, vector<1x16xf32>,
        %get3A_677 = vector.shape_cast %get3A_676 : vector<1x16xf32> to vector<16xf32>
        %mul3A_678 = arith.constant 8 : i32
        %mul3A_679 = arith.muli %add3A_96, %mul3A_678 : i32
        %add3A_680 = arith.constant 4 : i32
        %add3A_681 = arith.addi %mul3A_679, %add3A_680 : i32
        %swap3A_682 = arith.index_cast %add3A_681 : i32 to index
        %swap3A_683 = arith.constant 32 : index
        %swap3A_684 = tpu.vector_load %arg10[%swap3A_682, %swap3A_683] {strides = array<i32>} : memref<64x128xf32, #tpu.memory_space<vmem>>, vector<1x16xf32>,
        %swap3A_685 = vector.shape_cast %swap3A_684 : vector<1x16xf32> to vector<16xf32>
        %swap3A_686 = vector.shape_cast %get3A_677 : vector<16xf32> to vector<1x16xf32>
        tpu.vector_store %arg10[%swap3A_682, %swap3A_683], %swap3A_686 {strides = array<i32>} : memref<64x128xf32, #tpu.memory_space<vmem>>, vector<1x16xf32>,
        %add3A_687 = arith.constant 48 : i32
        %add3A_688 = arith.addi %multiple_of3A_637, %add3A_687 : i32
        %get3A_689 = arith.index_cast %add3A_641 : i32 to index
        %get3A_690 = arith.index_cast %add3A_688 : i32 to index
        %get3A_691 = tpu.vector_load %arg8[%get3A_689, %get3A_690] {strides = array<i32>} : memref<128x128xf32, #tpu.memory_space<vmem>>, vector<1x16xf32>,
        %get3A_692 = vector.shape_cast %get3A_691 : vector<1x16xf32> to vector<16xf32>
        %mul3A_693 = arith.constant 8 : i32
        %mul3A_694 = arith.muli %add3A_96, %mul3A_693 : i32
        %add3A_695 = arith.constant 4 : i32
        %add3A_696 = arith.addi %mul3A_694, %add3A_695 : i32
        %swap3A_697 = arith.index_cast %add3A_696 : i32 to index
        %swap3A_698 = arith.constant 48 : index
        %swap3A_699 = tpu.vector_load %arg10[%swap3A_697, %swap3A_698] {strides = array<i32>} : memref<64x128xf32, #tpu.memory_space<vmem>>, vector<1x16xf32>,
        %swap3A_700 = vector.shape_cast %swap3A_699 : vector<1x16xf32> to vector<16xf32>
        %swap3A_701 = vector.shape_cast %get3A_692 : vector<16xf32> to vector<1x16xf32>
        tpu.vector_store %arg10[%swap3A_697, %swap3A_698], %swap3A_701 {strides = array<i32>} : memref<64x128xf32, #tpu.memory_space<vmem>>, vector<1x16xf32>,
        %slice3A_702 = vector.extract_strided_slice %get3A_101 {offsets = [9], sizes = [1], strides = [1]} : vector<16xi32> to vector<1xi32>
        %squeeze3A_703 = vector.extract %slice3A_702[0] : i32 from vector<1xi32>
        %multiple_of3A_704 = tpu.assume_multiple %squeeze3A_703, 16 : i32
        %mul3A_705 = arith.constant 16 : i32
        %mul3A_706 = arith.muli %add3A_96, %mul3A_705 : i32
        %add3A_707 = arith.constant 9 : i32
        %add3A_708 = arith.addi %mul3A_706, %add3A_707 : i32
        %add3A_709 = arith.constant 0 : i32
        %add3A_710 = arith.addi %multiple_of3A_704, %add3A_709 : i32
        %get3A_711 = arith.index_cast %add3A_708 : i32 to index
        %get3A_712 = arith.index_cast %add3A_710 : i32 to index
        %get3A_713 = tpu.vector_load %arg8[%get3A_711, %get3A_712] {strides = array<i32>} : memref<128x128xf32, #tpu.memory_space<vmem>>, vector<1x16xf32>,
        %get3A_714 = vector.shape_cast %get3A_713 : vector<1x16xf32> to vector<16xf32>
        %mul3A_715 = arith.constant 8 : i32
        %mul3A_716 = arith.muli %add3A_96, %mul3A_715 : i32
        %add3A_717 = arith.constant 4 : i32
        %add3A_718 = arith.addi %mul3A_716, %add3A_717 : i32
        %swap3A_719 = arith.index_cast %add3A_718 : i32 to index
        %swap3A_720 = arith.constant 64 : index
        %swap3A_721 = tpu.vector_load %arg10[%swap3A_719, %swap3A_720] {strides = array<i32>} : memref<64x128xf32, #tpu.memory_space<vmem>>, vector<1x16xf32>,
        %swap3A_722 = vector.shape_cast %swap3A_721 : vector<1x16xf32> to vector<16xf32>
        %swap3A_723 = vector.shape_cast %get3A_714 : vector<16xf32> to vector<1x16xf32>
        tpu.vector_store %arg10[%swap3A_719, %swap3A_720], %swap3A_723 {strides = array<i32>} : memref<64x128xf32, #tpu.memory_space<vmem>>, vector<1x16xf32>,
        %add3A_724 = arith.constant 16 : i32
        %add3A_725 = arith.addi %multiple_of3A_704, %add3A_724 : i32
        %get3A_726 = arith.index_cast %add3A_708 : i32 to index
        %get3A_727 = arith.index_cast %add3A_725 : i32 to index
        %get3A_728 = tpu.vector_load %arg8[%get3A_726, %get3A_727] {strides = array<i32>} : memref<128x128xf32, #tpu.memory_space<vmem>>, vector<1x16xf32>,
        %get3A_729 = vector.shape_cast %get3A_728 : vector<1x16xf32> to vector<16xf32>
        %mul3A_730 = arith.constant 8 : i32
        %mul3A_731 = arith.muli %add3A_96, %mul3A_730 : i32
        %add3A_732 = arith.constant 4 : i32
        %add3A_733 = arith.addi %mul3A_731, %add3A_732 : i32
        %swap3A_734 = arith.index_cast %add3A_733 : i32 to index
        %swap3A_735 = arith.constant 80 : index
        %swap3A_736 = tpu.vector_load %arg10[%swap3A_734, %swap3A_735] {strides = array<i32>} : memref<64x128xf32, #tpu.memory_space<vmem>>, vector<1x16xf32>,
        %swap3A_737 = vector.shape_cast %swap3A_736 : vector<1x16xf32> to vector<16xf32>
        %swap3A_738 = vector.shape_cast %get3A_729 : vector<16xf32> to vector<1x16xf32>
        tpu.vector_store %arg10[%swap3A_734, %swap3A_735], %swap3A_738 {strides = array<i32>} : memref<64x128xf32, #tpu.memory_space<vmem>>, vector<1x16xf32>,
        %add3A_739 = arith.constant 32 : i32
        %add3A_740 = arith.addi %multiple_of3A_704, %add3A_739 : i32
        %get3A_741 = arith.index_cast %add3A_708 : i32 to index
        %get3A_742 = arith.index_cast %add3A_740 : i32 to index
        %get3A_743 = tpu.vector_load %arg8[%get3A_741, %get3A_742] {strides = array<i32>} : memref<128x128xf32, #tpu.memory_space<vmem>>, vector<1x16xf32>,
        %get3A_744 = vector.shape_cast %get3A_743 : vector<1x16xf32> to vector<16xf32>
        %mul3A_745 = arith.constant 8 : i32
        %mul3A_746 = arith.muli %add3A_96, %mul3A_745 : i32
        %add3A_747 = arith.constant 4 : i32
        %add3A_748 = arith.addi %mul3A_746, %add3A_747 : i32
        %swap3A_749 = arith.index_cast %add3A_748 : i32 to index
        %swap3A_750 = arith.constant 96 : index
        %swap3A_751 = tpu.vector_load %arg10[%swap3A_749, %swap3A_750] {strides = array<i32>} : memref<64x128xf32, #tpu.memory_space<vmem>>, vector<1x16xf32>,
        %swap3A_752 = vector.shape_cast %swap3A_751 : vector<1x16xf32> to vector<16xf32>
        %swap3A_753 = vector.shape_cast %get3A_744 : vector<16xf32> to vector<1x16xf32>
        tpu.vector_store %arg10[%swap3A_749, %swap3A_750], %swap3A_753 {strides = array<i32>} : memref<64x128xf32, #tpu.memory_space<vmem>>, vector<1x16xf32>,
        %add3A_754 = arith.constant 48 : i32
        %add3A_755 = arith.addi %multiple_of3A_704, %add3A_754 : i32
        %get3A_756 = arith.index_cast %add3A_708 : i32 to index
        %get3A_757 = arith.index_cast %add3A_755 : i32 to index
        %get3A_758 = tpu.vector_load %arg8[%get3A_756, %get3A_757] {strides = array<i32>} : memref<128x128xf32, #tpu.memory_space<vmem>>, vector<1x16xf32>,
        %get3A_759 = vector.shape_cast %get3A_758 : vector<1x16xf32> to vector<16xf32>
        %mul3A_760 = arith.constant 8 : i32
        %mul3A_761 = arith.muli %add3A_96, %mul3A_760 : i32
        %add3A_762 = arith.constant 4 : i32
        %add3A_763 = arith.addi %mul3A_761, %add3A_762 : i32
        %swap3A_764 = arith.index_cast %add3A_763 : i32 to index
        %swap3A_765 = arith.constant 112 : index
        %swap3A_766 = tpu.vector_load %arg10[%swap3A_764, %swap3A_765] {strides = array<i32>} : memref<64x128xf32, #tpu.memory_space<vmem>>, vector<1x16xf32>,
        %swap3A_767 = vector.shape_cast %swap3A_766 : vector<1x16xf32> to vector<16xf32>
        %swap3A_768 = vector.shape_cast %get3A_759 : vector<16xf32> to vector<1x16xf32>
        tpu.vector_store %arg10[%swap3A_764, %swap3A_765], %swap3A_768 {strides = array<i32>} : memref<64x128xf32, #tpu.memory_space<vmem>>, vector<1x16xf32>,
        %slice3A_769 = vector.extract_strided_slice %get3A_101 {offsets = [10], sizes = [1], strides = [1]} : vector<16xi32> to vector<1xi32>
        %squeeze3A_770 = vector.extract %slice3A_769[0] : i32 from vector<1xi32>
        %multiple_of3A_771 = tpu.assume_multiple %squeeze3A_770, 16 : i32
        %mul3A_772 = arith.constant 16 : i32
        %mul3A_773 = arith.muli %add3A_96, %mul3A_772 : i32
        %add3A_774 = arith.constant 10 : i32
        %add3A_775 = arith.addi %mul3A_773, %add3A_774 : i32
        %add3A_776 = arith.constant 0 : i32
        %add3A_777 = arith.addi %multiple_of3A_771, %add3A_776 : i32
        %get3A_778 = arith.index_cast %add3A_775 : i32 to index
        %get3A_779 = arith.index_cast %add3A_777 : i32 to index
        %get3A_780 = tpu.vector_load %arg8[%get3A_778, %get3A_779] {strides = array<i32>} : memref<128x128xf32, #tpu.memory_space<vmem>>, vector<1x16xf32>,
        %get3A_781 = vector.shape_cast %get3A_780 : vector<1x16xf32> to vector<16xf32>
        %mul3A_782 = arith.constant 8 : i32
        %mul3A_783 = arith.muli %add3A_96, %mul3A_782 : i32
        %add3A_784 = arith.constant 5 : i32
        %add3A_785 = arith.addi %mul3A_783, %add3A_784 : i32
        %swap3A_786 = arith.index_cast %add3A_785 : i32 to index
        %swap3A_787 = arith.constant 0 : index
        %swap3A_788 = tpu.vector_load %arg10[%swap3A_786, %swap3A_787] {strides = array<i32>} : memref<64x128xf32, #tpu.memory_space<vmem>>, vector<1x16xf32>,
        %swap3A_789 = vector.shape_cast %swap3A_788 : vector<1x16xf32> to vector<16xf32>
        %swap3A_790 = vector.shape_cast %get3A_781 : vector<16xf32> to vector<1x16xf32>
        tpu.vector_store %arg10[%swap3A_786, %swap3A_787], %swap3A_790 {strides = array<i32>} : memref<64x128xf32, #tpu.memory_space<vmem>>, vector<1x16xf32>,
        %add3A_791 = arith.constant 16 : i32
        %add3A_792 = arith.addi %multiple_of3A_771, %add3A_791 : i32
        %get3A_793 = arith.index_cast %add3A_775 : i32 to index
        %get3A_794 = arith.index_cast %add3A_792 : i32 to index
        %get3A_795 = tpu.vector_load %arg8[%get3A_793, %get3A_794] {strides = array<i32>} : memref<128x128xf32, #tpu.memory_space<vmem>>, vector<1x16xf32>,
        %get3A_796 = vector.shape_cast %get3A_795 : vector<1x16xf32> to vector<16xf32>
        %mul3A_797 = arith.constant 8 : i32
        %mul3A_798 = arith.muli %add3A_96, %mul3A_797 : i32
        %add3A_799 = arith.constant 5 : i32
        %add3A_800 = arith.addi %mul3A_798, %add3A_799 : i32
        %swap3A_801 = arith.index_cast %add3A_800 : i32 to index
        %swap3A_802 = arith.constant 16 : index
        %swap3A_803 = tpu.vector_load %arg10[%swap3A_801, %swap3A_802] {strides = array<i32>} : memref<64x128xf32, #tpu.memory_space<vmem>>, vector<1x16xf32>,
        %swap3A_804 = vector.shape_cast %swap3A_803 : vector<1x16xf32> to vector<16xf32>
        %swap3A_805 = vector.shape_cast %get3A_796 : vector<16xf32> to vector<1x16xf32>
        tpu.vector_store %arg10[%swap3A_801, %swap3A_802], %swap3A_805 {strides = array<i32>} : memref<64x128xf32, #tpu.memory_space<vmem>>, vector<1x16xf32>,
        %add3A_806 = arith.constant 32 : i32
        %add3A_807 = arith.addi %multiple_of3A_771, %add3A_806 : i32
        %get3A_808 = arith.index_cast %add3A_775 : i32 to index
        %get3A_809 = arith.index_cast %add3A_807 : i32 to index
        %get3A_810 = tpu.vector_load %arg8[%get3A_808, %get3A_809] {strides = array<i32>} : memref<128x128xf32, #tpu.memory_space<vmem>>, vector<1x16xf32>,
        %get3A_811 = vector.shape_cast %get3A_810 : vector<1x16xf32> to vector<16xf32>
        %mul3A_812 = arith.constant 8 : i32
        %mul3A_813 = arith.muli %add3A_96, %mul3A_812 : i32
        %add3A_814 = arith.constant 5 : i32
        %add3A_815 = arith.addi %mul3A_813, %add3A_814 : i32
        %swap3A_816 = arith.index_cast %add3A_815 : i32 to index
        %swap3A_817 = arith.constant 32 : index
        %swap3A_818 = tpu.vector_load %arg10[%swap3A_816, %swap3A_817] {strides = array<i32>} : memref<64x128xf32, #tpu.memory_space<vmem>>, vector<1x16xf32>,
        %swap3A_819 = vector.shape_cast %swap3A_818 : vector<1x16xf32> to vector<16xf32>
        %swap3A_820 = vector.shape_cast %get3A_811 : vector<16xf32> to vector<1x16xf32>
        tpu.vector_store %arg10[%swap3A_816, %swap3A_817], %swap3A_820 {strides = array<i32>} : memref<64x128xf32, #tpu.memory_space<vmem>>, vector<1x16xf32>,
        %add3A_821 = arith.constant 48 : i32
        %add3A_822 = arith.addi %multiple_of3A_771, %add3A_821 : i32
        %get3A_823 = arith.index_cast %add3A_775 : i32 to index
        %get3A_824 = arith.index_cast %add3A_822 : i32 to index
        %get3A_825 = tpu.vector_load %arg8[%get3A_823, %get3A_824] {strides = array<i32>} : memref<128x128xf32, #tpu.memory_space<vmem>>, vector<1x16xf32>,
        %get3A_826 = vector.shape_cast %get3A_825 : vector<1x16xf32> to vector<16xf32>
        %mul3A_827 = arith.constant 8 : i32
        %mul3A_828 = arith.muli %add3A_96, %mul3A_827 : i32
        %add3A_829 = arith.constant 5 : i32
        %add3A_830 = arith.addi %mul3A_828, %add3A_829 : i32
        %swap3A_831 = arith.index_cast %add3A_830 : i32 to index
        %swap3A_832 = arith.constant 48 : index
        %swap3A_833 = tpu.vector_load %arg10[%swap3A_831, %swap3A_832] {strides = array<i32>} : memref<64x128xf32, #tpu.memory_space<vmem>>, vector<1x16xf32>,
        %swap3A_834 = vector.shape_cast %swap3A_833 : vector<1x16xf32> to vector<16xf32>
        %swap3A_835 = vector.shape_cast %get3A_826 : vector<16xf32> to vector<1x16xf32>
        tpu.vector_store %arg10[%swap3A_831, %swap3A_832], %swap3A_835 {strides = array<i32>} : memref<64x128xf32, #tpu.memory_space<vmem>>, vector<1x16xf32>,
        %slice3A_836 = vector.extract_strided_slice %get3A_101 {offsets = [11], sizes = [1], strides = [1]} : vector<16xi32> to vector<1xi32>
        %squeeze3A_837 = vector.extract %slice3A_836[0] : i32 from vector<1xi32>
        %multiple_of3A_838 = tpu.assume_multiple %squeeze3A_837, 16 : i32
        %mul3A_839 = arith.constant 16 : i32
        %mul3A_840 = arith.muli %add3A_96, %mul3A_839 : i32
        %add3A_841 = arith.constant 11 : i32
        %add3A_842 = arith.addi %mul3A_840, %add3A_841 : i32
        %add3A_843 = arith.constant 0 : i32
        %add3A_844 = arith.addi %multiple_of3A_838, %add3A_843 : i32
        %get3A_845 = arith.index_cast %add3A_842 : i32 to index
        %get3A_846 = arith.index_cast %add3A_844 : i32 to index
        %get3A_847 = tpu.vector_load %arg8[%get3A_845, %get3A_846] {strides = array<i32>} : memref<128x128xf32, #tpu.memory_space<vmem>>, vector<1x16xf32>,
        %get3A_848 = vector.shape_cast %get3A_847 : vector<1x16xf32> to vector<16xf32>
        %mul3A_849 = arith.constant 8 : i32
        %mul3A_850 = arith.muli %add3A_96, %mul3A_849 : i32
        %add3A_851 = arith.constant 5 : i32
        %add3A_852 = arith.addi %mul3A_850, %add3A_851 : i32
        %swap3A_853 = arith.index_cast %add3A_852 : i32 to index
        %swap3A_854 = arith.constant 64 : index
        %swap3A_855 = tpu.vector_load %arg10[%swap3A_853, %swap3A_854] {strides = array<i32>} : memref<64x128xf32, #tpu.memory_space<vmem>>, vector<1x16xf32>,
        %swap3A_856 = vector.shape_cast %swap3A_855 : vector<1x16xf32> to vector<16xf32>
        %swap3A_857 = vector.shape_cast %get3A_848 : vector<16xf32> to vector<1x16xf32>
        tpu.vector_store %arg10[%swap3A_853, %swap3A_854], %swap3A_857 {strides = array<i32>} : memref<64x128xf32, #tpu.memory_space<vmem>>, vector<1x16xf32>,
        %add3A_858 = arith.constant 16 : i32
        %add3A_859 = arith.addi %multiple_of3A_838, %add3A_858 : i32
        %get3A_860 = arith.index_cast %add3A_842 : i32 to index
        %get3A_861 = arith.index_cast %add3A_859 : i32 to index
        %get3A_862 = tpu.vector_load %arg8[%get3A_860, %get3A_861] {strides = array<i32>} : memref<128x128xf32, #tpu.memory_space<vmem>>, vector<1x16xf32>,
        %get3A_863 = vector.shape_cast %get3A_862 : vector<1x16xf32> to vector<16xf32>
        %mul3A_864 = arith.constant 8 : i32
        %mul3A_865 = arith.muli %add3A_96, %mul3A_864 : i32
        %add3A_866 = arith.constant 5 : i32
        %add3A_867 = arith.addi %mul3A_865, %add3A_866 : i32
        %swap3A_868 = arith.index_cast %add3A_867 : i32 to index
        %swap3A_869 = arith.constant 80 : index
        %swap3A_870 = tpu.vector_load %arg10[%swap3A_868, %swap3A_869] {strides = array<i32>} : memref<64x128xf32, #tpu.memory_space<vmem>>, vector<1x16xf32>,
        %swap3A_871 = vector.shape_cast %swap3A_870 : vector<1x16xf32> to vector<16xf32>
        %swap3A_872 = vector.shape_cast %get3A_863 : vector<16xf32> to vector<1x16xf32>
        tpu.vector_store %arg10[%swap3A_868, %swap3A_869], %swap3A_872 {strides = array<i32>} : memref<64x128xf32, #tpu.memory_space<vmem>>, vector<1x16xf32>,
        %add3A_873 = arith.constant 32 : i32
        %add3A_874 = arith.addi %multiple_of3A_838, %add3A_873 : i32
        %get3A_875 = arith.index_cast %add3A_842 : i32 to index
        %get3A_876 = arith.index_cast %add3A_874 : i32 to index
        %get3A_877 = tpu.vector_load %arg8[%get3A_875, %get3A_876] {strides = array<i32>} : memref<128x128xf32, #tpu.memory_space<vmem>>, vector<1x16xf32>,
        %get3A_878 = vector.shape_cast %get3A_877 : vector<1x16xf32> to vector<16xf32>
        %mul3A_879 = arith.constant 8 : i32
        %mul3A_880 = arith.muli %add3A_96, %mul3A_879 : i32
        %add3A_881 = arith.constant 5 : i32
        %add3A_882 = arith.addi %mul3A_880, %add3A_881 : i32
        %swap3A_883 = arith.index_cast %add3A_882 : i32 to index
        %swap3A_884 = arith.constant 96 : index
        %swap3A_885 = tpu.vector_load %arg10[%swap3A_883, %swap3A_884] {strides = array<i32>} : memref<64x128xf32, #tpu.memory_space<vmem>>, vector<1x16xf32>,
        %swap3A_886 = vector.shape_cast %swap3A_885 : vector<1x16xf32> to vector<16xf32>
        %swap3A_887 = vector.shape_cast %get3A_878 : vector<16xf32> to vector<1x16xf32>
        tpu.vector_store %arg10[%swap3A_883, %swap3A_884], %swap3A_887 {strides = array<i32>} : memref<64x128xf32, #tpu.memory_space<vmem>>, vector<1x16xf32>,
        %add3A_888 = arith.constant 48 : i32
        %add3A_889 = arith.addi %multiple_of3A_838, %add3A_888 : i32
        %get3A_890 = arith.index_cast %add3A_842 : i32 to index
        %get3A_891 = arith.index_cast %add3A_889 : i32 to index
        %get3A_892 = tpu.vector_load %arg8[%get3A_890, %get3A_891] {strides = array<i32>} : memref<128x128xf32, #tpu.memory_space<vmem>>, vector<1x16xf32>,
        %get3A_893 = vector.shape_cast %get3A_892 : vector<1x16xf32> to vector<16xf32>
        %mul3A_894 = arith.constant 8 : i32
        %mul3A_895 = arith.muli %add3A_96, %mul3A_894 : i32
        %add3A_896 = arith.constant 5 : i32
        %add3A_897 = arith.addi %mul3A_895, %add3A_896 : i32
        %swap3A_898 = arith.index_cast %add3A_897 : i32 to index
        %swap3A_899 = arith.constant 112 : index
        %swap3A_900 = tpu.vector_load %arg10[%swap3A_898, %swap3A_899] {strides = array<i32>} : memref<64x128xf32, #tpu.memory_space<vmem>>, vector<1x16xf32>,
        %swap3A_901 = vector.shape_cast %swap3A_900 : vector<1x16xf32> to vector<16xf32>
        %swap3A_902 = vector.shape_cast %get3A_893 : vector<16xf32> to vector<1x16xf32>
        tpu.vector_store %arg10[%swap3A_898, %swap3A_899], %swap3A_902 {strides = array<i32>} : memref<64x128xf32, #tpu.memory_space<vmem>>, vector<1x16xf32>,
        %slice3A_903 = vector.extract_strided_slice %get3A_101 {offsets = [12], sizes = [1], strides = [1]} : vector<16xi32> to vector<1xi32>
        %squeeze3A_904 = vector.extract %slice3A_903[0] : i32 from vector<1xi32>
        %multiple_of3A_905 = tpu.assume_multiple %squeeze3A_904, 16 : i32
        %mul3A_906 = arith.constant 16 : i32
        %mul3A_907 = arith.muli %add3A_96, %mul3A_906 : i32
        %add3A_908 = arith.constant 12 : i32
        %add3A_909 = arith.addi %mul3A_907, %add3A_908 : i32
        %add3A_910 = arith.constant 0 : i32
        %add3A_911 = arith.addi %multiple_of3A_905, %add3A_910 : i32
        %get3A_912 = arith.index_cast %add3A_909 : i32 to index
        %get3A_913 = arith.index_cast %add3A_911 : i32 to index
        %get3A_914 = tpu.vector_load %arg8[%get3A_912, %get3A_913] {strides = array<i32>} : memref<128x128xf32, #tpu.memory_space<vmem>>, vector<1x16xf32>,
        %get3A_915 = vector.shape_cast %get3A_914 : vector<1x16xf32> to vector<16xf32>
        %mul3A_916 = arith.constant 8 : i32
        %mul3A_917 = arith.muli %add3A_96, %mul3A_916 : i32
        %add3A_918 = arith.constant 6 : i32
        %add3A_919 = arith.addi %mul3A_917, %add3A_918 : i32
        %swap3A_920 = arith.index_cast %add3A_919 : i32 to index
        %swap3A_921 = arith.constant 0 : index
        %swap3A_922 = tpu.vector_load %arg10[%swap3A_920, %swap3A_921] {strides = array<i32>} : memref<64x128xf32, #tpu.memory_space<vmem>>, vector<1x16xf32>,
        %swap3A_923 = vector.shape_cast %swap3A_922 : vector<1x16xf32> to vector<16xf32>
        %swap3A_924 = vector.shape_cast %get3A_915 : vector<16xf32> to vector<1x16xf32>
        tpu.vector_store %arg10[%swap3A_920, %swap3A_921], %swap3A_924 {strides = array<i32>} : memref<64x128xf32, #tpu.memory_space<vmem>>, vector<1x16xf32>,
        %add3A_925 = arith.constant 16 : i32
        %add3A_926 = arith.addi %multiple_of3A_905, %add3A_925 : i32
        %get3A_927 = arith.index_cast %add3A_909 : i32 to index
        %get3A_928 = arith.index_cast %add3A_926 : i32 to index
        %get3A_929 = tpu.vector_load %arg8[%get3A_927, %get3A_928] {strides = array<i32>} : memref<128x128xf32, #tpu.memory_space<vmem>>, vector<1x16xf32>,
        %get3A_930 = vector.shape_cast %get3A_929 : vector<1x16xf32> to vector<16xf32>
        %mul3A_931 = arith.constant 8 : i32
        %mul3A_932 = arith.muli %add3A_96, %mul3A_931 : i32
        %add3A_933 = arith.constant 6 : i32
        %add3A_934 = arith.addi %mul3A_932, %add3A_933 : i32
        %swap3A_935 = arith.index_cast %add3A_934 : i32 to index
        %swap3A_936 = arith.constant 16 : index
        %swap3A_937 = tpu.vector_load %arg10[%swap3A_935, %swap3A_936] {strides = array<i32>} : memref<64x128xf32, #tpu.memory_space<vmem>>, vector<1x16xf32>,
        %swap3A_938 = vector.shape_cast %swap3A_937 : vector<1x16xf32> to vector<16xf32>
        %swap3A_939 = vector.shape_cast %get3A_930 : vector<16xf32> to vector<1x16xf32>
        tpu.vector_store %arg10[%swap3A_935, %swap3A_936], %swap3A_939 {strides = array<i32>} : memref<64x128xf32, #tpu.memory_space<vmem>>, vector<1x16xf32>,
        %add3A_940 = arith.constant 32 : i32
        %add3A_941 = arith.addi %multiple_of3A_905, %add3A_940 : i32
        %get3A_942 = arith.index_cast %add3A_909 : i32 to index
        %get3A_943 = arith.index_cast %add3A_941 : i32 to index
        %get3A_944 = tpu.vector_load %arg8[%get3A_942, %get3A_943] {strides = array<i32>} : memref<128x128xf32, #tpu.memory_space<vmem>>, vector<1x16xf32>,
        %get3A_945 = vector.shape_cast %get3A_944 : vector<1x16xf32> to vector<16xf32>
        %mul3A_946 = arith.constant 8 : i32
        %mul3A_947 = arith.muli %add3A_96, %mul3A_946 : i32
        %add3A_948 = arith.constant 6 : i32
        %add3A_949 = arith.addi %mul3A_947, %add3A_948 : i32
        %swap3A_950 = arith.index_cast %add3A_949 : i32 to index
        %swap3A_951 = arith.constant 32 : index
        %swap3A_952 = tpu.vector_load %arg10[%swap3A_950, %swap3A_951] {strides = array<i32>} : memref<64x128xf32, #tpu.memory_space<vmem>>, vector<1x16xf32>,
        %swap3A_953 = vector.shape_cast %swap3A_952 : vector<1x16xf32> to vector<16xf32>
        %swap3A_954 = vector.shape_cast %get3A_945 : vector<16xf32> to vector<1x16xf32>
        tpu.vector_store %arg10[%swap3A_950, %swap3A_951], %swap3A_954 {strides = array<i32>} : memref<64x128xf32, #tpu.memory_space<vmem>>, vector<1x16xf32>,
        %add3A_955 = arith.constant 48 : i32
        %add3A_956 = arith.addi %multiple_of3A_905, %add3A_955 : i32
        %get3A_957 = arith.index_cast %add3A_909 : i32 to index
        %get3A_958 = arith.index_cast %add3A_956 : i32 to index
        %get3A_959 = tpu.vector_load %arg8[%get3A_957, %get3A_958] {strides = array<i32>} : memref<128x128xf32, #tpu.memory_space<vmem>>, vector<1x16xf32>,
        %get3A_960 = vector.shape_cast %get3A_959 : vector<1x16xf32> to vector<16xf32>
        %mul3A_961 = arith.constant 8 : i32
        %mul3A_962 = arith.muli %add3A_96, %mul3A_961 : i32
        %add3A_963 = arith.constant 6 : i32
        %add3A_964 = arith.addi %mul3A_962, %add3A_963 : i32
        %swap3A_965 = arith.index_cast %add3A_964 : i32 to index
        %swap3A_966 = arith.constant 48 : index
        %swap3A_967 = tpu.vector_load %arg10[%swap3A_965, %swap3A_966] {strides = array<i32>} : memref<64x128xf32, #tpu.memory_space<vmem>>, vector<1x16xf32>,
        %swap3A_968 = vector.shape_cast %swap3A_967 : vector<1x16xf32> to vector<16xf32>
        %swap3A_969 = vector.shape_cast %get3A_960 : vector<16xf32> to vector<1x16xf32>
        tpu.vector_store %arg10[%swap3A_965, %swap3A_966], %swap3A_969 {strides = array<i32>} : memref<64x128xf32, #tpu.memory_space<vmem>>, vector<1x16xf32>,
        %slice3A_970 = vector.extract_strided_slice %get3A_101 {offsets = [13], sizes = [1], strides = [1]} : vector<16xi32> to vector<1xi32>
        %squeeze3A_971 = vector.extract %slice3A_970[0] : i32 from vector<1xi32>
        %multiple_of3A_972 = tpu.assume_multiple %squeeze3A_971, 16 : i32
        %mul3A_973 = arith.constant 16 : i32
        %mul3A_974 = arith.muli %add3A_96, %mul3A_973 : i32
        %add3A_975 = arith.constant 13 : i32
        %add3A_976 = arith.addi %mul3A_974, %add3A_975 : i32
        %add3A_977 = arith.constant 0 : i32
        %add3A_978 = arith.addi %multiple_of3A_972, %add3A_977 : i32
        %get3A_979 = arith.index_cast %add3A_976 : i32 to index
        %get3A_980 = arith.index_cast %add3A_978 : i32 to index
        %get3A_981 = tpu.vector_load %arg8[%get3A_979, %get3A_980] {strides = array<i32>} : memref<128x128xf32, #tpu.memory_space<vmem>>, vector<1x16xf32>,
        %get3A_982 = vector.shape_cast %get3A_981 : vector<1x16xf32> to vector<16xf32>
        %mul3A_983 = arith.constant 8 : i32
        %mul3A_984 = arith.muli %add3A_96, %mul3A_983 : i32
        %add3A_985 = arith.constant 6 : i32
        %add3A_986 = arith.addi %mul3A_984, %add3A_985 : i32
        %swap3A_987 = arith.index_cast %add3A_986 : i32 to index
        %swap3A_988 = arith.constant 64 : index
        %swap3A_989 = tpu.vector_load %arg10[%swap3A_987, %swap3A_988] {strides = array<i32>} : memref<64x128xf32, #tpu.memory_space<vmem>>, vector<1x16xf32>,
        %swap3A_990 = vector.shape_cast %swap3A_989 : vector<1x16xf32> to vector<16xf32>
        %swap3A_991 = vector.shape_cast %get3A_982 : vector<16xf32> to vector<1x16xf32>
        tpu.vector_store %arg10[%swap3A_987, %swap3A_988], %swap3A_991 {strides = array<i32>} : memref<64x128xf32, #tpu.memory_space<vmem>>, vector<1x16xf32>,
        %add3A_992 = arith.constant 16 : i32
        %add3A_993 = arith.addi %multiple_of3A_972, %add3A_992 : i32
        %get3A_994 = arith.index_cast %add3A_976 : i32 to index
        %get3A_995 = arith.index_cast %add3A_993 : i32 to index
        %get3A_996 = tpu.vector_load %arg8[%get3A_994, %get3A_995] {strides = array<i32>} : memref<128x128xf32, #tpu.memory_space<vmem>>, vector<1x16xf32>,
        %get3A_997 = vector.shape_cast %get3A_996 : vector<1x16xf32> to vector<16xf32>
        %mul3A_998 = arith.constant 8 : i32
        %mul3A_999 = arith.muli %add3A_96, %mul3A_998 : i32
        %add3A_1000 = arith.constant 6 : i32
        %add3A_1001 = arith.addi %mul3A_999, %add3A_1000 : i32
        %swap3A_1002 = arith.index_cast %add3A_1001 : i32 to index
        %swap3A_1003 = arith.constant 80 : index
        %swap3A_1004 = tpu.vector_load %arg10[%swap3A_1002, %swap3A_1003] {strides = array<i32>} : memref<64x128xf32, #tpu.memory_space<vmem>>, vector<1x16xf32>,
        %swap3A_1005 = vector.shape_cast %swap3A_1004 : vector<1x16xf32> to vector<16xf32>
        %swap3A_1006 = vector.shape_cast %get3A_997 : vector<16xf32> to vector<1x16xf32>
        tpu.vector_store %arg10[%swap3A_1002, %swap3A_1003], %swap3A_1006 {strides = array<i32>} : memref<64x128xf32, #tpu.memory_space<vmem>>, vector<1x16xf32>,
        %add3A_1007 = arith.constant 32 : i32
        %add3A_1008 = arith.addi %multiple_of3A_972, %add3A_1007 : i32
        %get3A_1009 = arith.index_cast %add3A_976 : i32 to index
        %get3A_1010 = arith.index_cast %add3A_1008 : i32 to index
        %get3A_1011 = tpu.vector_load %arg8[%get3A_1009, %get3A_1010] {strides = array<i32>} : memref<128x128xf32, #tpu.memory_space<vmem>>, vector<1x16xf32>,
        %get3A_1012 = vector.shape_cast %get3A_1011 : vector<1x16xf32> to vector<16xf32>
        %mul3A_1013 = arith.constant 8 : i32
        %mul3A_1014 = arith.muli %add3A_96, %mul3A_1013 : i32
        %add3A_1015 = arith.constant 6 : i32
        %add3A_1016 = arith.addi %mul3A_1014, %add3A_1015 : i32
        %swap3A_1017 = arith.index_cast %add3A_1016 : i32 to index
        %swap3A_1018 = arith.constant 96 : index
        %swap3A_1019 = tpu.vector_load %arg10[%swap3A_1017, %swap3A_1018] {strides = array<i32>} : memref<64x128xf32, #tpu.memory_space<vmem>>, vector<1x16xf32>,
        %swap3A_1020 = vector.shape_cast %swap3A_1019 : vector<1x16xf32> to vector<16xf32>
        %swap3A_1021 = vector.shape_cast %get3A_1012 : vector<16xf32> to vector<1x16xf32>
        tpu.vector_store %arg10[%swap3A_1017, %swap3A_1018], %swap3A_1021 {strides = array<i32>} : memref<64x128xf32, #tpu.memory_space<vmem>>, vector<1x16xf32>,
        %add3A_1022 = arith.constant 48 : i32
        %add3A_1023 = arith.addi %multiple_of3A_972, %add3A_1022 : i32
        %get3A_1024 = arith.index_cast %add3A_976 : i32 to index
        %get3A_1025 = arith.index_cast %add3A_1023 : i32 to index
        %get3A_1026 = tpu.vector_load %arg8[%get3A_1024, %get3A_1025] {strides = array<i32>} : memref<128x128xf32, #tpu.memory_space<vmem>>, vector<1x16xf32>,
        %get3A_1027 = vector.shape_cast %get3A_1026 : vector<1x16xf32> to vector<16xf32>
        %mul3A_1028 = arith.constant 8 : i32
        %mul3A_1029 = arith.muli %add3A_96, %mul3A_1028 : i32
        %add3A_1030 = arith.constant 6 : i32
        %add3A_1031 = arith.addi %mul3A_1029, %add3A_1030 : i32
        %swap3A_1032 = arith.index_cast %add3A_1031 : i32 to index
        %swap3A_1033 = arith.constant 112 : index
        %swap3A_1034 = tpu.vector_load %arg10[%swap3A_1032, %swap3A_1033] {strides = array<i32>} : memref<64x128xf32, #tpu.memory_space<vmem>>, vector<1x16xf32>,
        %swap3A_1035 = vector.shape_cast %swap3A_1034 : vector<1x16xf32> to vector<16xf32>
        %swap3A_1036 = vector.shape_cast %get3A_1027 : vector<16xf32> to vector<1x16xf32>
        tpu.vector_store %arg10[%swap3A_1032, %swap3A_1033], %swap3A_1036 {strides = array<i32>} : memref<64x128xf32, #tpu.memory_space<vmem>>, vector<1x16xf32>,
        %slice3A_1037 = vector.extract_strided_slice %get3A_101 {offsets = [14], sizes = [1], strides = [1]} : vector<16xi32> to vector<1xi32>
        %squeeze3A_1038 = vector.extract %slice3A_1037[0] : i32 from vector<1xi32>
        %multiple_of3A_1039 = tpu.assume_multiple %squeeze3A_1038, 16 : i32
        %mul3A_1040 = arith.constant 16 : i32
        %mul3A_1041 = arith.muli %add3A_96, %mul3A_1040 : i32
        %add3A_1042 = arith.constant 14 : i32
        %add3A_1043 = arith.addi %mul3A_1041, %add3A_1042 : i32
        %add3A_1044 = arith.constant 0 : i32
        %add3A_1045 = arith.addi %multiple_of3A_1039, %add3A_1044 : i32
        %get3A_1046 = arith.index_cast %add3A_1043 : i32 to index
        %get3A_1047 = arith.index_cast %add3A_1045 : i32 to index
        %get3A_1048 = tpu.vector_load %arg8[%get3A_1046, %get3A_1047] {strides = array<i32>} : memref<128x128xf32, #tpu.memory_space<vmem>>, vector<1x16xf32>,
        %get3A_1049 = vector.shape_cast %get3A_1048 : vector<1x16xf32> to vector<16xf32>
        %mul3A_1050 = arith.constant 8 : i32
        %mul3A_1051 = arith.muli %add3A_96, %mul3A_1050 : i32
        %add3A_1052 = arith.constant 7 : i32
        %add3A_1053 = arith.addi %mul3A_1051, %add3A_1052 : i32
        %swap3A_1054 = arith.index_cast %add3A_1053 : i32 to index
        %swap3A_1055 = arith.constant 0 : index
        %swap3A_1056 = tpu.vector_load %arg10[%swap3A_1054, %swap3A_1055] {strides = array<i32>} : memref<64x128xf32, #tpu.memory_space<vmem>>, vector<1x16xf32>,
        %swap3A_1057 = vector.shape_cast %swap3A_1056 : vector<1x16xf32> to vector<16xf32>
        %swap3A_1058 = vector.shape_cast %get3A_1049 : vector<16xf32> to vector<1x16xf32>
        tpu.vector_store %arg10[%swap3A_1054, %swap3A_1055], %swap3A_1058 {strides = array<i32>} : memref<64x128xf32, #tpu.memory_space<vmem>>, vector<1x16xf32>,
        %add3A_1059 = arith.constant 16 : i32
        %add3A_1060 = arith.addi %multiple_of3A_1039, %add3A_1059 : i32
        %get3A_1061 = arith.index_cast %add3A_1043 : i32 to index
        %get3A_1062 = arith.index_cast %add3A_1060 : i32 to index
        %get3A_1063 = tpu.vector_load %arg8[%get3A_1061, %get3A_1062] {strides = array<i32>} : memref<128x128xf32, #tpu.memory_space<vmem>>, vector<1x16xf32>,
        %get3A_1064 = vector.shape_cast %get3A_1063 : vector<1x16xf32> to vector<16xf32>
        %mul3A_1065 = arith.constant 8 : i32
        %mul3A_1066 = arith.muli %add3A_96, %mul3A_1065 : i32
        %add3A_1067 = arith.constant 7 : i32
        %add3A_1068 = arith.addi %mul3A_1066, %add3A_1067 : i32
        %swap3A_1069 = arith.index_cast %add3A_1068 : i32 to index
        %swap3A_1070 = arith.constant 16 : index
        %swap3A_1071 = tpu.vector_load %arg10[%swap3A_1069, %swap3A_1070] {strides = array<i32>} : memref<64x128xf32, #tpu.memory_space<vmem>>, vector<1x16xf32>,
        %swap3A_1072 = vector.shape_cast %swap3A_1071 : vector<1x16xf32> to vector<16xf32>
        %swap3A_1073 = vector.shape_cast %get3A_1064 : vector<16xf32> to vector<1x16xf32>
        tpu.vector_store %arg10[%swap3A_1069, %swap3A_1070], %swap3A_1073 {strides = array<i32>} : memref<64x128xf32, #tpu.memory_space<vmem>>, vector<1x16xf32>,
        %add3A_1074 = arith.constant 32 : i32
        %add3A_1075 = arith.addi %multiple_of3A_1039, %add3A_1074 : i32
        %get3A_1076 = arith.index_cast %add3A_1043 : i32 to index
        %get3A_1077 = arith.index_cast %add3A_1075 : i32 to index
        %get3A_1078 = tpu.vector_load %arg8[%get3A_1076, %get3A_1077] {strides = array<i32>} : memref<128x128xf32, #tpu.memory_space<vmem>>, vector<1x16xf32>,
        %get3A_1079 = vector.shape_cast %get3A_1078 : vector<1x16xf32> to vector<16xf32>
        %mul3A_1080 = arith.constant 8 : i32
        %mul3A_1081 = arith.muli %add3A_96, %mul3A_1080 : i32
        %add3A_1082 = arith.constant 7 : i32
        %add3A_1083 = arith.addi %mul3A_1081, %add3A_1082 : i32
        %swap3A_1084 = arith.index_cast %add3A_1083 : i32 to index
        %swap3A_1085 = arith.constant 32 : index
        %swap3A_1086 = tpu.vector_load %arg10[%swap3A_1084, %swap3A_1085] {strides = array<i32>} : memref<64x128xf32, #tpu.memory_space<vmem>>, vector<1x16xf32>,
        %swap3A_1087 = vector.shape_cast %swap3A_1086 : vector<1x16xf32> to vector<16xf32>
        %swap3A_1088 = vector.shape_cast %get3A_1079 : vector<16xf32> to vector<1x16xf32>
        tpu.vector_store %arg10[%swap3A_1084, %swap3A_1085], %swap3A_1088 {strides = array<i32>} : memref<64x128xf32, #tpu.memory_space<vmem>>, vector<1x16xf32>,
        %add3A_1089 = arith.constant 48 : i32
        %add3A_1090 = arith.addi %multiple_of3A_1039, %add3A_1089 : i32
        %get3A_1091 = arith.index_cast %add3A_1043 : i32 to index
        %get3A_1092 = arith.index_cast %add3A_1090 : i32 to index
        %get3A_1093 = tpu.vector_load %arg8[%get3A_1091, %get3A_1092] {strides = array<i32>} : memref<128x128xf32, #tpu.memory_space<vmem>>, vector<1x16xf32>,
        %get3A_1094 = vector.shape_cast %get3A_1093 : vector<1x16xf32> to vector<16xf32>
        %mul3A_1095 = arith.constant 8 : i32
        %mul3A_1096 = arith.muli %add3A_96, %mul3A_1095 : i32
        %add3A_1097 = arith.constant 7 : i32
        %add3A_1098 = arith.addi %mul3A_1096, %add3A_1097 : i32
        %swap3A_1099 = arith.index_cast %add3A_1098 : i32 to index
        %swap3A_1100 = arith.constant 48 : index
        %swap3A_1101 = tpu.vector_load %arg10[%swap3A_1099, %swap3A_1100] {strides = array<i32>} : memref<64x128xf32, #tpu.memory_space<vmem>>, vector<1x16xf32>,
        %swap3A_1102 = vector.shape_cast %swap3A_1101 : vector<1x16xf32> to vector<16xf32>
        %swap3A_1103 = vector.shape_cast %get3A_1094 : vector<16xf32> to vector<1x16xf32>
        tpu.vector_store %arg10[%swap3A_1099, %swap3A_1100], %swap3A_1103 {strides = array<i32>} : memref<64x128xf32, #tpu.memory_space<vmem>>, vector<1x16xf32>,
        %slice3A_1104 = vector.extract_strided_slice %get3A_101 {offsets = [15], sizes = [1], strides = [1]} : vector<16xi32> to vector<1xi32>
        %squeeze3A_1105 = vector.extract %slice3A_1104[0] : i32 from vector<1xi32>
        %multiple_of3A_1106 = tpu.assume_multiple %squeeze3A_1105, 16 : i32
        %mul3A_1107 = arith.constant 16 : i32
        %mul3A_1108 = arith.muli %add3A_96, %mul3A_1107 : i32
        %add3A_1109 = arith.constant 15 : i32
        %add3A_1110 = arith.addi %mul3A_1108, %add3A_1109 : i32
        %add3A_1111 = arith.constant 0 : i32
        %add3A_1112 = arith.addi %multiple_of3A_1106, %add3A_1111 : i32
        %get3A_1113 = arith.index_cast %add3A_1110 : i32 to index
        %get3A_1114 = arith.index_cast %add3A_1112 : i32 to index
        %get3A_1115 = tpu.vector_load %arg8[%get3A_1113, %get3A_1114] {strides = array<i32>} : memref<128x128xf32, #tpu.memory_space<vmem>>, vector<1x16xf32>,
        %get3A_1116 = vector.shape_cast %get3A_1115 : vector<1x16xf32> to vector<16xf32>
        %mul3A_1117 = arith.constant 8 : i32
        %mul3A_1118 = arith.muli %add3A_96, %mul3A_1117 : i32
        %add3A_1119 = arith.constant 7 : i32
        %add3A_1120 = arith.addi %mul3A_1118, %add3A_1119 : i32
        %swap3A_1121 = arith.index_cast %add3A_1120 : i32 to index
        %swap3A_1122 = arith.constant 64 : index
        %swap3A_1123 = tpu.vector_load %arg10[%swap3A_1121, %swap3A_1122] {strides = array<i32>} : memref<64x128xf32, #tpu.memory_space<vmem>>, vector<1x16xf32>,
        %swap3A_1124 = vector.shape_cast %swap3A_1123 : vector<1x16xf32> to vector<16xf32>
        %swap3A_1125 = vector.shape_cast %get3A_1116 : vector<16xf32> to vector<1x16xf32>
        tpu.vector_store %arg10[%swap3A_1121, %swap3A_1122], %swap3A_1125 {strides = array<i32>} : memref<64x128xf32, #tpu.memory_space<vmem>>, vector<1x16xf32>,
        %add3A_1126 = arith.constant 16 : i32
        %add3A_1127 = arith.addi %multiple_of3A_1106, %add3A_1126 : i32
        %get3A_1128 = arith.index_cast %add3A_1110 : i32 to index
        %get3A_1129 = arith.index_cast %add3A_1127 : i32 to index
        %get3A_1130 = tpu.vector_load %arg8[%get3A_1128, %get3A_1129] {strides = array<i32>} : memref<128x128xf32, #tpu.memory_space<vmem>>, vector<1x16xf32>,
        %get3A_1131 = vector.shape_cast %get3A_1130 : vector<1x16xf32> to vector<16xf32>
        %mul3A_1132 = arith.constant 8 : i32
        %mul3A_1133 = arith.muli %add3A_96, %mul3A_1132 : i32
        %add3A_1134 = arith.constant 7 : i32
        %add3A_1135 = arith.addi %mul3A_1133, %add3A_1134 : i32
        %swap3A_1136 = arith.index_cast %add3A_1135 : i32 to index
        %swap3A_1137 = arith.constant 80 : index
        %swap3A_1138 = tpu.vector_load %arg10[%swap3A_1136, %swap3A_1137] {strides = array<i32>} : memref<64x128xf32, #tpu.memory_space<vmem>>, vector<1x16xf32>,
        %swap3A_1139 = vector.shape_cast %swap3A_1138 : vector<1x16xf32> to vector<16xf32>
        %swap3A_1140 = vector.shape_cast %get3A_1131 : vector<16xf32> to vector<1x16xf32>
        tpu.vector_store %arg10[%swap3A_1136, %swap3A_1137], %swap3A_1140 {strides = array<i32>} : memref<64x128xf32, #tpu.memory_space<vmem>>, vector<1x16xf32>,
        %add3A_1141 = arith.constant 32 : i32
        %add3A_1142 = arith.addi %multiple_of3A_1106, %add3A_1141 : i32
        %get3A_1143 = arith.index_cast %add3A_1110 : i32 to index
        %get3A_1144 = arith.index_cast %add3A_1142 : i32 to index
        %get3A_1145 = tpu.vector_load %arg8[%get3A_1143, %get3A_1144] {strides = array<i32>} : memref<128x128xf32, #tpu.memory_space<vmem>>, vector<1x16xf32>,
        %get3A_1146 = vector.shape_cast %get3A_1145 : vector<1x16xf32> to vector<16xf32>
        %mul3A_1147 = arith.constant 8 : i32
        %mul3A_1148 = arith.muli %add3A_96, %mul3A_1147 : i32
        %add3A_1149 = arith.constant 7 : i32
        %add3A_1150 = arith.addi %mul3A_1148, %add3A_1149 : i32
        %swap3A_1151 = arith.index_cast %add3A_1150 : i32 to index
        %swap3A_1152 = arith.constant 96 : index
        %swap3A_1153 = tpu.vector_load %arg10[%swap3A_1151, %swap3A_1152] {strides = array<i32>} : memref<64x128xf32, #tpu.memory_space<vmem>>, vector<1x16xf32>,
        %swap3A_1154 = vector.shape_cast %swap3A_1153 : vector<1x16xf32> to vector<16xf32>
        %swap3A_1155 = vector.shape_cast %get3A_1146 : vector<16xf32> to vector<1x16xf32>
        tpu.vector_store %arg10[%swap3A_1151, %swap3A_1152], %swap3A_1155 {strides = array<i32>} : memref<64x128xf32, #tpu.memory_space<vmem>>, vector<1x16xf32>,
        %add3A_1156 = arith.constant 48 : i32
        %add3A_1157 = arith.addi %multiple_of3A_1106, %add3A_1156 : i32
        %get3A_1158 = arith.index_cast %add3A_1110 : i32 to index
        %get3A_1159 = arith.index_cast %add3A_1157 : i32 to index
        %get3A_1160 = tpu.vector_load %arg8[%get3A_1158, %get3A_1159] {strides = array<i32>} : memref<128x128xf32, #tpu.memory_space<vmem>>, vector<1x16xf32>,
        %get3A_1161 = vector.shape_cast %get3A_1160 : vector<1x16xf32> to vector<16xf32>
        %mul3A_1162 = arith.constant 8 : i32
        %mul3A_1163 = arith.muli %add3A_96, %mul3A_1162 : i32
        %add3A_1164 = arith.constant 7 : i32
        %add3A_1165 = arith.addi %mul3A_1163, %add3A_1164 : i32
        %swap3A_1166 = arith.index_cast %add3A_1165 : i32 to index
        %swap3A_1167 = arith.constant 112 : index
        %swap3A_1168 = tpu.vector_load %arg10[%swap3A_1166, %swap3A_1167] {strides = array<i32>} : memref<64x128xf32, #tpu.memory_space<vmem>>, vector<1x16xf32>,
        %swap3A_1169 = vector.shape_cast %swap3A_1168 : vector<1x16xf32> to vector<16xf32>
        %swap3A_1170 = vector.shape_cast %get3A_1161 : vector<16xf32> to vector<1x16xf32>
        tpu.vector_store %arg10[%swap3A_1166, %swap3A_1167], %swap3A_1170 {strides = array<i32>} : memref<64x128xf32, #tpu.memory_space<vmem>>, vector<1x16xf32>,
      }
      %scan3A_50 = arith.constant 8 : i32
      %mul3A_51 = arith.constant 64 : i32
      %mul3A_52 = arith.muli %add3A_31, %mul3A_51 : i32
      %add3A_53 = arith.addi %mul3A_2, %mul3A_52 : i32
      %multiple_of3A_54 = tpu.assume_multiple %add3A_53, 8 : i32
      %dma_start3A_55 = arith.constant 0 : i32
      %dma_start3A_56 = tpu.memref_slice %arg5[%multiple_of3A_54, %dma_start3A_55] : memref<212992x128xf32, #tpu.memory_space<hbm>> -> memref<64x128xf32, #tpu.memory_space<hbm>>
      %dma_start3A_57 = arith.constant 0 : i32
      %dma_start3A_58 = tpu.memref_slice %arg5[%multiple_of3A_54, %dma_start3A_57] : memref<212992x128xf32, #tpu.memory_space<hbm>> -> memref<64x128xf32, #tpu.memory_space<hbm>>
      tpu.enqueue_dma source(%arg10 : memref<64x128xf32, #tpu.memory_space<vmem>>) target(%dma_start3A_58 : memref<64x128xf32, #tpu.memory_space<hbm>>) target_semaphore(%arg14 : memref<!tpu.dma_semaphore, #tpu.memory_space<semaphore_mem>>)
      %add3A_59 = arith.constant 1 : i32
      %add3A_60 = arith.addi %add3A_29, %add3A_59 : i32
      %dma_wait3A_61 = arith.constant 0 : i32
      %dma_wait3A_62 = tpu.memref_slice %arg6[%add3A_60, %dma_wait3A_61] : memref<104x128xi32, #tpu.memory_space<vmem>> -> memref<1x128xi32, #tpu.memory_space<vmem>>
      %dma_wait3A_63 = tpu.memref_squeeze %dma_wait3A_62 : memref<1x128xi32, #tpu.memory_space<vmem>> -> memref<128xi32, #tpu.memory_space<vmem>>
      %dma_wait3A_64 = arith.constant 0 : i32
      %dma_wait3A_65 = arith.constant 0 : i32
      %dma_wait3A_66 = tpu.memref_slice %arg2[%dma_wait3A_64, %dma_wait3A_65] : memref<1331200x128xf32, #tpu.memory_space<hbm>> -> memref<1331200x128xf32, #tpu.memory_space<hbm>>
      tpu.wait_indirect_dma semaphore(%arg13 : memref<!tpu.dma_semaphore, #tpu.memory_space<semaphore_mem>>) src(%dma_wait3A_66 : memref<1331200x128xf32, #tpu.memory_space<hbm>>) dst(%arg9 : memref<128x128xf32, #tpu.memory_space<vmem>>)
      %add3A_67 = arith.constant 1 : i32
      %add3A_68 = arith.addi %add3A_60, %add3A_67 : i32
      %lt3A_69 = arith.constant 104 : i32
      %lt3A_70 = arith.cmpi slt, %add3A_68, %lt3A_69 : i32
      %convert_element_type3A_71 = arith.extui %lt3A_70 : i1 to i32
      %cond3A_72 = arith.constant 0 : i32
      %cond3A_73 = arith.cmpi ne, %convert_element_type3A_71, %cond3A_72 : i32
      scf.if %cond3A_73 {
        %add3A_92 = arith.constant 1 : i32
        %add3A_93 = arith.addi %add3A_60, %add3A_92 : i32
        %dma_start3A_94 = arith.constant 0 : i32
        %dma_start3A_95 = tpu.memref_slice %arg6[%add3A_93, %dma_start3A_94] : memref<104x128xi32, #tpu.memory_space<vmem>> -> memref<1x128xi32, #tpu.memory_space<vmem>>
        %dma_start3A_96 = tpu.memref_squeeze %dma_start3A_95 : memref<1x128xi32, #tpu.memory_space<vmem>> -> memref<128xi32, #tpu.memory_space<vmem>>
        %dma_start3A_97 = arith.constant 0 : i32
        %dma_start3A_98 = arith.constant 0 : i32
        %dma_start3A_99 = tpu.memref_slice %arg2[%dma_start3A_97, %dma_start3A_98] : memref<1331200x128xf32, #tpu.memory_space<hbm>> -> memref<1331200x128xf32, #tpu.memory_space<hbm>>
        tpu.enqueue_indirect_dma source(%dma_start3A_99 : memref<1331200x128xf32, #tpu.memory_space<hbm>>) target(%arg8 : memref<128x128xf32, #tpu.memory_space<vmem>>) offsets(%dma_start3A_96 : memref<128xi32, #tpu.memory_space<vmem>>) semaphore(%arg12 : memref<!tpu.dma_semaphore, #tpu.memory_space<semaphore_mem>>)
      } else {
      }
      %ge3A_74 = arith.constant 2 : i32
      %ge3A_75 = arith.cmpi sge, %add3A_60, %ge3A_74 : i32
      %convert_element_type3A_76 = arith.extui %ge3A_75 : i1 to i32
      %cond3A_77 = arith.constant 0 : i32
      %cond3A_78 = arith.cmpi ne, %convert_element_type3A_76, %cond3A_77 : i32
      scf.if %cond3A_78 {
        %sub3A = arith.constant 2 : i32
        %sub3A_92 = arith.subi %add3A_60, %sub3A : i32
        %mul3A_93 = arith.constant 64 : i32
        %mul3A_94 = arith.muli %sub3A_92, %mul3A_93 : i32
        %add3A_95 = arith.addi %mul3A_2, %mul3A_94 : i32
        %multiple_of3A_96 = tpu.assume_multiple %add3A_95, 8 : i32
        %dma_wait3A_97 = arith.constant 0 : i32
        %dma_wait3A_98 = tpu.memref_slice %arg5[%multiple_of3A_96, %dma_wait3A_97] : memref<212992x128xf32, #tpu.memory_space<hbm>> -> memref<64x128xf32, #tpu.memory_space<hbm>>
        %dma_wait3A_99 = arith.constant 0 : i32
        %dma_wait3A_100 = tpu.memref_slice %arg5[%multiple_of3A_96, %dma_wait3A_99] : memref<212992x128xf32, #tpu.memory_space<hbm>> -> memref<64x128xf32, #tpu.memory_space<hbm>>
        tpu.wait_dma2 semaphore(%arg15 : memref<!tpu.dma_semaphore, #tpu.memory_space<semaphore_mem>>) src(%arg11 : memref<64x128xf32, #tpu.memory_space<vmem>>) dst(%dma_wait3A_100 : memref<64x128xf32, #tpu.memory_space<hbm>>)
      } else {
      }
      %scan3A_79 = arith.constant 0 : i32
      %scan3A_80 = arith.constant 8 : i32
      %scan3A_81 = arith.addi %scan3A_79, %scan3A_80 : i32
      %scan3A_82 = arith.constant 1 : i32
      scf.for %scan3A_92 = %scan3A_79 to %scan3A_81 step %scan3A_82  : i32 {
        %mul3A_93 = arith.constant 1 : i32
        %mul3A_94 = arith.muli %scan3A_92, %mul3A_93 : i32
        %add3A_95 = arith.constant 0 : i32
        %add3A_96 = arith.addi %add3A_95, %mul3A_94 : i32
        %mul3A_97 = arith.constant 16 : i32
        %mul3A_98 = arith.muli %add3A_96, %mul3A_97 : i32
        %get3A = arith.index_cast %add3A_60 : i32 to index
        %get3A_99 = arith.index_cast %mul3A_98 : i32 to index
        %get3A_100 = tpu.vector_load %arg7[%get3A, %get3A_99] {strides = array<i32>} : memref<104x128xi32, #tpu.memory_space<vmem>>, vector<1x16xi32>,
        %get3A_101 = vector.shape_cast %get3A_100 : vector<1x16xi32> to vector<16xi32>
        %slice3A = vector.extract_strided_slice %get3A_101 {offsets = [0], sizes = [1], strides = [1]} : vector<16xi32> to vector<1xi32>
        %squeeze3A = vector.extract %slice3A[0] : i32 from vector<1xi32>
        %multiple_of3A_102 = tpu.assume_multiple %squeeze3A, 16 : i32
        %mul3A_103 = arith.constant 16 : i32
        %mul3A_104 = arith.muli %add3A_96, %mul3A_103 : i32
        %add3A_105 = arith.constant 0 : i32
        %add3A_106 = arith.addi %mul3A_104, %add3A_105 : i32
        %add3A_107 = arith.constant 0 : i32
        %add3A_108 = arith.addi %multiple_of3A_102, %add3A_107 : i32
        %get3A_109 = arith.index_cast %add3A_106 : i32 to index
        %get3A_110 = arith.index_cast %add3A_108 : i32 to index
        %get3A_111 = tpu.vector_load %arg9[%get3A_109, %get3A_110] {strides = array<i32>} : memref<128x128xf32, #tpu.memory_space<vmem>>, vector<1x16xf32>,
        %get3A_112 = vector.shape_cast %get3A_111 : vector<1x16xf32> to vector<16xf32>
        %mul3A_113 = arith.constant 8 : i32
        %mul3A_114 = arith.muli %add3A_96, %mul3A_113 : i32
        %add3A_115 = arith.constant 0 : i32
        %add3A_116 = arith.addi %mul3A_114, %add3A_115 : i32
        %swap3A = arith.index_cast %add3A_116 : i32 to index
        %swap3A_117 = arith.constant 0 : index
        %swap3A_118 = tpu.vector_load %arg11[%swap3A, %swap3A_117] {strides = array<i32>} : memref<64x128xf32, #tpu.memory_space<vmem>>, vector<1x16xf32>,
        %swap3A_119 = vector.shape_cast %swap3A_118 : vector<1x16xf32> to vector<16xf32>
        %swap3A_120 = vector.shape_cast %get3A_112 : vector<16xf32> to vector<1x16xf32>
        tpu.vector_store %arg11[%swap3A, %swap3A_117], %swap3A_120 {strides = array<i32>} : memref<64x128xf32, #tpu.memory_space<vmem>>, vector<1x16xf32>,
        %add3A_121 = arith.constant 16 : i32
        %add3A_122 = arith.addi %multiple_of3A_102, %add3A_121 : i32
        %get3A_123 = arith.index_cast %add3A_106 : i32 to index
        %get3A_124 = arith.index_cast %add3A_122 : i32 to index
        %get3A_125 = tpu.vector_load %arg9[%get3A_123, %get3A_124] {strides = array<i32>} : memref<128x128xf32, #tpu.memory_space<vmem>>, vector<1x16xf32>,
        %get3A_126 = vector.shape_cast %get3A_125 : vector<1x16xf32> to vector<16xf32>
        %mul3A_127 = arith.constant 8 : i32
        %mul3A_128 = arith.muli %add3A_96, %mul3A_127 : i32
        %add3A_129 = arith.constant 0 : i32
        %add3A_130 = arith.addi %mul3A_128, %add3A_129 : i32
        %swap3A_131 = arith.index_cast %add3A_130 : i32 to index
        %swap3A_132 = arith.constant 16 : index
        %swap3A_133 = tpu.vector_load %arg11[%swap3A_131, %swap3A_132] {strides = array<i32>} : memref<64x128xf32, #tpu.memory_space<vmem>>, vector<1x16xf32>,
        %swap3A_134 = vector.shape_cast %swap3A_133 : vector<1x16xf32> to vector<16xf32>
        %swap3A_135 = vector.shape_cast %get3A_126 : vector<16xf32> to vector<1x16xf32>
        tpu.vector_store %arg11[%swap3A_131, %swap3A_132], %swap3A_135 {strides = array<i32>} : memref<64x128xf32, #tpu.memory_space<vmem>>, vector<1x16xf32>,
        %add3A_136 = arith.constant 32 : i32
        %add3A_137 = arith.addi %multiple_of3A_102, %add3A_136 : i32
        %get3A_138 = arith.index_cast %add3A_106 : i32 to index
        %get3A_139 = arith.index_cast %add3A_137 : i32 to index
        %get3A_140 = tpu.vector_load %arg9[%get3A_138, %get3A_139] {strides = array<i32>} : memref<128x128xf32, #tpu.memory_space<vmem>>, vector<1x16xf32>,
        %get3A_141 = vector.shape_cast %get3A_140 : vector<1x16xf32> to vector<16xf32>
        %mul3A_142 = arith.constant 8 : i32
        %mul3A_143 = arith.muli %add3A_96, %mul3A_142 : i32
        %add3A_144 = arith.constant 0 : i32
        %add3A_145 = arith.addi %mul3A_143, %add3A_144 : i32
        %swap3A_146 = arith.index_cast %add3A_145 : i32 to index
        %swap3A_147 = arith.constant 32 : index
        %swap3A_148 = tpu.vector_load %arg11[%swap3A_146, %swap3A_147] {strides = array<i32>} : memref<64x128xf32, #tpu.memory_space<vmem>>, vector<1x16xf32>,
        %swap3A_149 = vector.shape_cast %swap3A_148 : vector<1x16xf32> to vector<16xf32>
        %swap3A_150 = vector.shape_cast %get3A_141 : vector<16xf32> to vector<1x16xf32>
        tpu.vector_store %arg11[%swap3A_146, %swap3A_147], %swap3A_150 {strides = array<i32>} : memref<64x128xf32, #tpu.memory_space<vmem>>, vector<1x16xf32>,
        %add3A_151 = arith.constant 48 : i32
        %add3A_152 = arith.addi %multiple_of3A_102, %add3A_151 : i32
        %get3A_153 = arith.index_cast %add3A_106 : i32 to index
        %get3A_154 = arith.index_cast %add3A_152 : i32 to index
        %get3A_155 = tpu.vector_load %arg9[%get3A_153, %get3A_154] {strides = array<i32>} : memref<128x128xf32, #tpu.memory_space<vmem>>, vector<1x16xf32>,
        %get3A_156 = vector.shape_cast %get3A_155 : vector<1x16xf32> to vector<16xf32>
        %mul3A_157 = arith.constant 8 : i32
        %mul3A_158 = arith.muli %add3A_96, %mul3A_157 : i32
        %add3A_159 = arith.constant 0 : i32
        %add3A_160 = arith.addi %mul3A_158, %add3A_159 : i32
        %swap3A_161 = arith.index_cast %add3A_160 : i32 to index
        %swap3A_162 = arith.constant 48 : index
        %swap3A_163 = tpu.vector_load %arg11[%swap3A_161, %swap3A_162] {strides = array<i32>} : memref<64x128xf32, #tpu.memory_space<vmem>>, vector<1x16xf32>,
        %swap3A_164 = vector.shape_cast %swap3A_163 : vector<1x16xf32> to vector<16xf32>
        %swap3A_165 = vector.shape_cast %get3A_156 : vector<16xf32> to vector<1x16xf32>
        tpu.vector_store %arg11[%swap3A_161, %swap3A_162], %swap3A_165 {strides = array<i32>} : memref<64x128xf32, #tpu.memory_space<vmem>>, vector<1x16xf32>,
        %slice3A_166 = vector.extract_strided_slice %get3A_101 {offsets = [1], sizes = [1], strides = [1]} : vector<16xi32> to vector<1xi32>
        %squeeze3A_167 = vector.extract %slice3A_166[0] : i32 from vector<1xi32>
        %multiple_of3A_168 = tpu.assume_multiple %squeeze3A_167, 16 : i32
        %mul3A_169 = arith.constant 16 : i32
        %mul3A_170 = arith.muli %add3A_96, %mul3A_169 : i32
        %add3A_171 = arith.constant 1 : i32
        %add3A_172 = arith.addi %mul3A_170, %add3A_171 : i32
        %add3A_173 = arith.constant 0 : i32
        %add3A_174 = arith.addi %multiple_of3A_168, %add3A_173 : i32
        %get3A_175 = arith.index_cast %add3A_172 : i32 to index
        %get3A_176 = arith.index_cast %add3A_174 : i32 to index
        %get3A_177 = tpu.vector_load %arg9[%get3A_175, %get3A_176] {strides = array<i32>} : memref<128x128xf32, #tpu.memory_space<vmem>>, vector<1x16xf32>,
        %get3A_178 = vector.shape_cast %get3A_177 : vector<1x16xf32> to vector<16xf32>
        %mul3A_179 = arith.constant 8 : i32
        %mul3A_180 = arith.muli %add3A_96, %mul3A_179 : i32
        %add3A_181 = arith.constant 0 : i32
        %add3A_182 = arith.addi %mul3A_180, %add3A_181 : i32
        %swap3A_183 = arith.index_cast %add3A_182 : i32 to index
        %swap3A_184 = arith.constant 64 : index
        %swap3A_185 = tpu.vector_load %arg11[%swap3A_183, %swap3A_184] {strides = array<i32>} : memref<64x128xf32, #tpu.memory_space<vmem>>, vector<1x16xf32>,
        %swap3A_186 = vector.shape_cast %swap3A_185 : vector<1x16xf32> to vector<16xf32>
        %swap3A_187 = vector.shape_cast %get3A_178 : vector<16xf32> to vector<1x16xf32>
        tpu.vector_store %arg11[%swap3A_183, %swap3A_184], %swap3A_187 {strides = array<i32>} : memref<64x128xf32, #tpu.memory_space<vmem>>, vector<1x16xf32>,
        %add3A_188 = arith.constant 16 : i32
        %add3A_189 = arith.addi %multiple_of3A_168, %add3A_188 : i32
        %get3A_190 = arith.index_cast %add3A_172 : i32 to index
        %get3A_191 = arith.index_cast %add3A_189 : i32 to index
        %get3A_192 = tpu.vector_load %arg9[%get3A_190, %get3A_191] {strides = array<i32>} : memref<128x128xf32, #tpu.memory_space<vmem>>, vector<1x16xf32>,
        %get3A_193 = vector.shape_cast %get3A_192 : vector<1x16xf32> to vector<16xf32>
        %mul3A_194 = arith.constant 8 : i32
        %mul3A_195 = arith.muli %add3A_96, %mul3A_194 : i32
        %add3A_196 = arith.constant 0 : i32
        %add3A_197 = arith.addi %mul3A_195, %add3A_196 : i32
        %swap3A_198 = arith.index_cast %add3A_197 : i32 to index
        %swap3A_199 = arith.constant 80 : index
        %swap3A_200 = tpu.vector_load %arg11[%swap3A_198, %swap3A_199] {strides = array<i32>} : memref<64x128xf32, #tpu.memory_space<vmem>>, vector<1x16xf32>,
        %swap3A_201 = vector.shape_cast %swap3A_200 : vector<1x16xf32> to vector<16xf32>
        %swap3A_202 = vector.shape_cast %get3A_193 : vector<16xf32> to vector<1x16xf32>
        tpu.vector_store %arg11[%swap3A_198, %swap3A_199], %swap3A_202 {strides = array<i32>} : memref<64x128xf32, #tpu.memory_space<vmem>>, vector<1x16xf32>,
        %add3A_203 = arith.constant 32 : i32
        %add3A_204 = arith.addi %multiple_of3A_168, %add3A_203 : i32
        %get3A_205 = arith.index_cast %add3A_172 : i32 to index
        %get3A_206 = arith.index_cast %add3A_204 : i32 to index
        %get3A_207 = tpu.vector_load %arg9[%get3A_205, %get3A_206] {strides = array<i32>} : memref<128x128xf32, #tpu.memory_space<vmem>>, vector<1x16xf32>,
        %get3A_208 = vector.shape_cast %get3A_207 : vector<1x16xf32> to vector<16xf32>
        %mul3A_209 = arith.constant 8 : i32
        %mul3A_210 = arith.muli %add3A_96, %mul3A_209 : i32
        %add3A_211 = arith.constant 0 : i32
        %add3A_212 = arith.addi %mul3A_210, %add3A_211 : i32
        %swap3A_213 = arith.index_cast %add3A_212 : i32 to index
        %swap3A_214 = arith.constant 96 : index
        %swap3A_215 = tpu.vector_load %arg11[%swap3A_213, %swap3A_214] {strides = array<i32>} : memref<64x128xf32, #tpu.memory_space<vmem>>, vector<1x16xf32>,
        %swap3A_216 = vector.shape_cast %swap3A_215 : vector<1x16xf32> to vector<16xf32>
        %swap3A_217 = vector.shape_cast %get3A_208 : vector<16xf32> to vector<1x16xf32>
        tpu.vector_store %arg11[%swap3A_213, %swap3A_214], %swap3A_217 {strides = array<i32>} : memref<64x128xf32, #tpu.memory_space<vmem>>, vector<1x16xf32>,
        %add3A_218 = arith.constant 48 : i32
        %add3A_219 = arith.addi %multiple_of3A_168, %add3A_218 : i32
        %get3A_220 = arith.index_cast %add3A_172 : i32 to index
        %get3A_221 = arith.index_cast %add3A_219 : i32 to index
        %get3A_222 = tpu.vector_load %arg9[%get3A_220, %get3A_221] {strides = array<i32>} : memref<128x128xf32, #tpu.memory_space<vmem>>, vector<1x16xf32>,
        %get3A_223 = vector.shape_cast %get3A_222 : vector<1x16xf32> to vector<16xf32>
        %mul3A_224 = arith.constant 8 : i32
        %mul3A_225 = arith.muli %add3A_96, %mul3A_224 : i32
        %add3A_226 = arith.constant 0 : i32
        %add3A_227 = arith.addi %mul3A_225, %add3A_226 : i32
        %swap3A_228 = arith.index_cast %add3A_227 : i32 to index
        %swap3A_229 = arith.constant 112 : index
        %swap3A_230 = tpu.vector_load %arg11[%swap3A_228, %swap3A_229] {strides = array<i32>} : memref<64x128xf32, #tpu.memory_space<vmem>>, vector<1x16xf32>,
        %swap3A_231 = vector.shape_cast %swap3A_230 : vector<1x16xf32> to vector<16xf32>
        %swap3A_232 = vector.shape_cast %get3A_223 : vector<16xf32> to vector<1x16xf32>
        tpu.vector_store %arg11[%swap3A_228, %swap3A_229], %swap3A_232 {strides = array<i32>} : memref<64x128xf32, #tpu.memory_space<vmem>>, vector<1x16xf32>,
        %slice3A_233 = vector.extract_strided_slice %get3A_101 {offsets = [2], sizes = [1], strides = [1]} : vector<16xi32> to vector<1xi32>
        %squeeze3A_234 = vector.extract %slice3A_233[0] : i32 from vector<1xi32>
        %multiple_of3A_235 = tpu.assume_multiple %squeeze3A_234, 16 : i32
        %mul3A_236 = arith.constant 16 : i32
        %mul3A_237 = arith.muli %add3A_96, %mul3A_236 : i32
        %add3A_238 = arith.constant 2 : i32
        %add3A_239 = arith.addi %mul3A_237, %add3A_238 : i32
        %add3A_240 = arith.constant 0 : i32
        %add3A_241 = arith.addi %multiple_of3A_235, %add3A_240 : i32
        %get3A_242 = arith.index_cast %add3A_239 : i32 to index
        %get3A_243 = arith.index_cast %add3A_241 : i32 to index
        %get3A_244 = tpu.vector_load %arg9[%get3A_242, %get3A_243] {strides = array<i32>} : memref<128x128xf32, #tpu.memory_space<vmem>>, vector<1x16xf32>,
        %get3A_245 = vector.shape_cast %get3A_244 : vector<1x16xf32> to vector<16xf32>
        %mul3A_246 = arith.constant 8 : i32
        %mul3A_247 = arith.muli %add3A_96, %mul3A_246 : i32
        %add3A_248 = arith.constant 1 : i32
        %add3A_249 = arith.addi %mul3A_247, %add3A_248 : i32
        %swap3A_250 = arith.index_cast %add3A_249 : i32 to index
        %swap3A_251 = arith.constant 0 : index
        %swap3A_252 = tpu.vector_load %arg11[%swap3A_250, %swap3A_251] {strides = array<i32>} : memref<64x128xf32, #tpu.memory_space<vmem>>, vector<1x16xf32>,
        %swap3A_253 = vector.shape_cast %swap3A_252 : vector<1x16xf32> to vector<16xf32>
        %swap3A_254 = vector.shape_cast %get3A_245 : vector<16xf32> to vector<1x16xf32>
        tpu.vector_store %arg11[%swap3A_250, %swap3A_251], %swap3A_254 {strides = array<i32>} : memref<64x128xf32, #tpu.memory_space<vmem>>, vector<1x16xf32>,
        %add3A_255 = arith.constant 16 : i32
        %add3A_256 = arith.addi %multiple_of3A_235, %add3A_255 : i32
        %get3A_257 = arith.index_cast %add3A_239 : i32 to index
        %get3A_258 = arith.index_cast %add3A_256 : i32 to index
        %get3A_259 = tpu.vector_load %arg9[%get3A_257, %get3A_258] {strides = array<i32>} : memref<128x128xf32, #tpu.memory_space<vmem>>, vector<1x16xf32>,
        %get3A_260 = vector.shape_cast %get3A_259 : vector<1x16xf32> to vector<16xf32>
        %mul3A_261 = arith.constant 8 : i32
        %mul3A_262 = arith.muli %add3A_96, %mul3A_261 : i32
        %add3A_263 = arith.constant 1 : i32
        %add3A_264 = arith.addi %mul3A_262, %add3A_263 : i32
        %swap3A_265 = arith.index_cast %add3A_264 : i32 to index
        %swap3A_266 = arith.constant 16 : index
        %swap3A_267 = tpu.vector_load %arg11[%swap3A_265, %swap3A_266] {strides = array<i32>} : memref<64x128xf32, #tpu.memory_space<vmem>>, vector<1x16xf32>,
        %swap3A_268 = vector.shape_cast %swap3A_267 : vector<1x16xf32> to vector<16xf32>
        %swap3A_269 = vector.shape_cast %get3A_260 : vector<16xf32> to vector<1x16xf32>
        tpu.vector_store %arg11[%swap3A_265, %swap3A_266], %swap3A_269 {strides = array<i32>} : memref<64x128xf32, #tpu.memory_space<vmem>>, vector<1x16xf32>,
        %add3A_270 = arith.constant 32 : i32
        %add3A_271 = arith.addi %multiple_of3A_235, %add3A_270 : i32
        %get3A_272 = arith.index_cast %add3A_239 : i32 to index
        %get3A_273 = arith.index_cast %add3A_271 : i32 to index
        %get3A_274 = tpu.vector_load %arg9[%get3A_272, %get3A_273] {strides = array<i32>} : memref<128x128xf32, #tpu.memory_space<vmem>>, vector<1x16xf32>,
        %get3A_275 = vector.shape_cast %get3A_274 : vector<1x16xf32> to vector<16xf32>
        %mul3A_276 = arith.constant 8 : i32
        %mul3A_277 = arith.muli %add3A_96, %mul3A_276 : i32
        %add3A_278 = arith.constant 1 : i32
        %add3A_279 = arith.addi %mul3A_277, %add3A_278 : i32
        %swap3A_280 = arith.index_cast %add3A_279 : i32 to index
        %swap3A_281 = arith.constant 32 : index
        %swap3A_282 = tpu.vector_load %arg11[%swap3A_280, %swap3A_281] {strides = array<i32>} : memref<64x128xf32, #tpu.memory_space<vmem>>, vector<1x16xf32>,
        %swap3A_283 = vector.shape_cast %swap3A_282 : vector<1x16xf32> to vector<16xf32>
        %swap3A_284 = vector.shape_cast %get3A_275 : vector<16xf32> to vector<1x16xf32>
        tpu.vector_store %arg11[%swap3A_280, %swap3A_281], %swap3A_284 {strides = array<i32>} : memref<64x128xf32, #tpu.memory_space<vmem>>, vector<1x16xf32>,
        %add3A_285 = arith.constant 48 : i32
        %add3A_286 = arith.addi %multiple_of3A_235, %add3A_285 : i32
        %get3A_287 = arith.index_cast %add3A_239 : i32 to index
        %get3A_288 = arith.index_cast %add3A_286 : i32 to index
        %get3A_289 = tpu.vector_load %arg9[%get3A_287, %get3A_288] {strides = array<i32>} : memref<128x128xf32, #tpu.memory_space<vmem>>, vector<1x16xf32>,
        %get3A_290 = vector.shape_cast %get3A_289 : vector<1x16xf32> to vector<16xf32>
        %mul3A_291 = arith.constant 8 : i32
        %mul3A_292 = arith.muli %add3A_96, %mul3A_291 : i32
        %add3A_293 = arith.constant 1 : i32
        %add3A_294 = arith.addi %mul3A_292, %add3A_293 : i32
        %swap3A_295 = arith.index_cast %add3A_294 : i32 to index
        %swap3A_296 = arith.constant 48 : index
        %swap3A_297 = tpu.vector_load %arg11[%swap3A_295, %swap3A_296] {strides = array<i32>} : memref<64x128xf32, #tpu.memory_space<vmem>>, vector<1x16xf32>,
        %swap3A_298 = vector.shape_cast %swap3A_297 : vector<1x16xf32> to vector<16xf32>
        %swap3A_299 = vector.shape_cast %get3A_290 : vector<16xf32> to vector<1x16xf32>
        tpu.vector_store %arg11[%swap3A_295, %swap3A_296], %swap3A_299 {strides = array<i32>} : memref<64x128xf32, #tpu.memory_space<vmem>>, vector<1x16xf32>,
        %slice3A_300 = vector.extract_strided_slice %get3A_101 {offsets = [3], sizes = [1], strides = [1]} : vector<16xi32> to vector<1xi32>
        %squeeze3A_301 = vector.extract %slice3A_300[0] : i32 from vector<1xi32>
        %multiple_of3A_302 = tpu.assume_multiple %squeeze3A_301, 16 : i32
        %mul3A_303 = arith.constant 16 : i32
        %mul3A_304 = arith.muli %add3A_96, %mul3A_303 : i32
        %add3A_305 = arith.constant 3 : i32
        %add3A_306 = arith.addi %mul3A_304, %add3A_305 : i32
        %add3A_307 = arith.constant 0 : i32
        %add3A_308 = arith.addi %multiple_of3A_302, %add3A_307 : i32
        %get3A_309 = arith.index_cast %add3A_306 : i32 to index
        %get3A_310 = arith.index_cast %add3A_308 : i32 to index
        %get3A_311 = tpu.vector_load %arg9[%get3A_309, %get3A_310] {strides = array<i32>} : memref<128x128xf32, #tpu.memory_space<vmem>>, vector<1x16xf32>,
        %get3A_312 = vector.shape_cast %get3A_311 : vector<1x16xf32> to vector<16xf32>
        %mul3A_313 = arith.constant 8 : i32
        %mul3A_314 = arith.muli %add3A_96, %mul3A_313 : i32
        %add3A_315 = arith.constant 1 : i32
        %add3A_316 = arith.addi %mul3A_314, %add3A_315 : i32
        %swap3A_317 = arith.index_cast %add3A_316 : i32 to index
        %swap3A_318 = arith.constant 64 : index
        %swap3A_319 = tpu.vector_load %arg11[%swap3A_317, %swap3A_318] {strides = array<i32>} : memref<64x128xf32, #tpu.memory_space<vmem>>, vector<1x16xf32>,
        %swap3A_320 = vector.shape_cast %swap3A_319 : vector<1x16xf32> to vector<16xf32>
        %swap3A_321 = vector.shape_cast %get3A_312 : vector<16xf32> to vector<1x16xf32>
        tpu.vector_store %arg11[%swap3A_317, %swap3A_318], %swap3A_321 {strides = array<i32>} : memref<64x128xf32, #tpu.memory_space<vmem>>, vector<1x16xf32>,
        %add3A_322 = arith.constant 16 : i32
        %add3A_323 = arith.addi %multiple_of3A_302, %add3A_322 : i32
        %get3A_324 = arith.index_cast %add3A_306 : i32 to index
        %get3A_325 = arith.index_cast %add3A_323 : i32 to index
        %get3A_326 = tpu.vector_load %arg9[%get3A_324, %get3A_325] {strides = array<i32>} : memref<128x128xf32, #tpu.memory_space<vmem>>, vector<1x16xf32>,
        %get3A_327 = vector.shape_cast %get3A_326 : vector<1x16xf32> to vector<16xf32>
        %mul3A_328 = arith.constant 8 : i32
        %mul3A_329 = arith.muli %add3A_96, %mul3A_328 : i32
        %add3A_330 = arith.constant 1 : i32
        %add3A_331 = arith.addi %mul3A_329, %add3A_330 : i32
        %swap3A_332 = arith.index_cast %add3A_331 : i32 to index
        %swap3A_333 = arith.constant 80 : index
        %swap3A_334 = tpu.vector_load %arg11[%swap3A_332, %swap3A_333] {strides = array<i32>} : memref<64x128xf32, #tpu.memory_space<vmem>>, vector<1x16xf32>,
        %swap3A_335 = vector.shape_cast %swap3A_334 : vector<1x16xf32> to vector<16xf32>
        %swap3A_336 = vector.shape_cast %get3A_327 : vector<16xf32> to vector<1x16xf32>
        tpu.vector_store %arg11[%swap3A_332, %swap3A_333], %swap3A_336 {strides = array<i32>} : memref<64x128xf32, #tpu.memory_space<vmem>>, vector<1x16xf32>,
        %add3A_337 = arith.constant 32 : i32
        %add3A_338 = arith.addi %multiple_of3A_302, %add3A_337 : i32
        %get3A_339 = arith.index_cast %add3A_306 : i32 to index
        %get3A_340 = arith.index_cast %add3A_338 : i32 to index
        %get3A_341 = tpu.vector_load %arg9[%get3A_339, %get3A_340] {strides = array<i32>} : memref<128x128xf32, #tpu.memory_space<vmem>>, vector<1x16xf32>,
        %get3A_342 = vector.shape_cast %get3A_341 : vector<1x16xf32> to vector<16xf32>
        %mul3A_343 = arith.constant 8 : i32
        %mul3A_344 = arith.muli %add3A_96, %mul3A_343 : i32
        %add3A_345 = arith.constant 1 : i32
        %add3A_346 = arith.addi %mul3A_344, %add3A_345 : i32
        %swap3A_347 = arith.index_cast %add3A_346 : i32 to index
        %swap3A_348 = arith.constant 96 : index
        %swap3A_349 = tpu.vector_load %arg11[%swap3A_347, %swap3A_348] {strides = array<i32>} : memref<64x128xf32, #tpu.memory_space<vmem>>, vector<1x16xf32>,
        %swap3A_350 = vector.shape_cast %swap3A_349 : vector<1x16xf32> to vector<16xf32>
        %swap3A_351 = vector.shape_cast %get3A_342 : vector<16xf32> to vector<1x16xf32>
        tpu.vector_store %arg11[%swap3A_347, %swap3A_348], %swap3A_351 {strides = array<i32>} : memref<64x128xf32, #tpu.memory_space<vmem>>, vector<1x16xf32>,
        %add3A_352 = arith.constant 48 : i32
        %add3A_353 = arith.addi %multiple_of3A_302, %add3A_352 : i32
        %get3A_354 = arith.index_cast %add3A_306 : i32 to index
        %get3A_355 = arith.index_cast %add3A_353 : i32 to index
        %get3A_356 = tpu.vector_load %arg9[%get3A_354, %get3A_355] {strides = array<i32>} : memref<128x128xf32, #tpu.memory_space<vmem>>, vector<1x16xf32>,
        %get3A_357 = vector.shape_cast %get3A_356 : vector<1x16xf32> to vector<16xf32>
        %mul3A_358 = arith.constant 8 : i32
        %mul3A_359 = arith.muli %add3A_96, %mul3A_358 : i32
        %add3A_360 = arith.constant 1 : i32
        %add3A_361 = arith.addi %mul3A_359, %add3A_360 : i32
        %swap3A_362 = arith.index_cast %add3A_361 : i32 to index
        %swap3A_363 = arith.constant 112 : index
        %swap3A_364 = tpu.vector_load %arg11[%swap3A_362, %swap3A_363] {strides = array<i32>} : memref<64x128xf32, #tpu.memory_space<vmem>>, vector<1x16xf32>,
        %swap3A_365 = vector.shape_cast %swap3A_364 : vector<1x16xf32> to vector<16xf32>
        %swap3A_366 = vector.shape_cast %get3A_357 : vector<16xf32> to vector<1x16xf32>
        tpu.vector_store %arg11[%swap3A_362, %swap3A_363], %swap3A_366 {strides = array<i32>} : memref<64x128xf32, #tpu.memory_space<vmem>>, vector<1x16xf32>,
        %slice3A_367 = vector.extract_strided_slice %get3A_101 {offsets = [4], sizes = [1], strides = [1]} : vector<16xi32> to vector<1xi32>
        %squeeze3A_368 = vector.extract %slice3A_367[0] : i32 from vector<1xi32>
        %multiple_of3A_369 = tpu.assume_multiple %squeeze3A_368, 16 : i32
        %mul3A_370 = arith.constant 16 : i32
        %mul3A_371 = arith.muli %add3A_96, %mul3A_370 : i32
        %add3A_372 = arith.constant 4 : i32
        %add3A_373 = arith.addi %mul3A_371, %add3A_372 : i32
        %add3A_374 = arith.constant 0 : i32
        %add3A_375 = arith.addi %multiple_of3A_369, %add3A_374 : i32
        %get3A_376 = arith.index_cast %add3A_373 : i32 to index
        %get3A_377 = arith.index_cast %add3A_375 : i32 to index
        %get3A_378 = tpu.vector_load %arg9[%get3A_376, %get3A_377] {strides = array<i32>} : memref<128x128xf32, #tpu.memory_space<vmem>>, vector<1x16xf32>,
        %get3A_379 = vector.shape_cast %get3A_378 : vector<1x16xf32> to vector<16xf32>
        %mul3A_380 = arith.constant 8 : i32
        %mul3A_381 = arith.muli %add3A_96, %mul3A_380 : i32
        %add3A_382 = arith.constant 2 : i32
        %add3A_383 = arith.addi %mul3A_381, %add3A_382 : i32
        %swap3A_384 = arith.index_cast %add3A_383 : i32 to index
        %swap3A_385 = arith.constant 0 : index
        %swap3A_386 = tpu.vector_load %arg11[%swap3A_384, %swap3A_385] {strides = array<i32>} : memref<64x128xf32, #tpu.memory_space<vmem>>, vector<1x16xf32>,
        %swap3A_387 = vector.shape_cast %swap3A_386 : vector<1x16xf32> to vector<16xf32>
        %swap3A_388 = vector.shape_cast %get3A_379 : vector<16xf32> to vector<1x16xf32>
        tpu.vector_store %arg11[%swap3A_384, %swap3A_385], %swap3A_388 {strides = array<i32>} : memref<64x128xf32, #tpu.memory_space<vmem>>, vector<1x16xf32>,
        %add3A_389 = arith.constant 16 : i32
        %add3A_390 = arith.addi %multiple_of3A_369, %add3A_389 : i32
        %get3A_391 = arith.index_cast %add3A_373 : i32 to index
        %get3A_392 = arith.index_cast %add3A_390 : i32 to index
        %get3A_393 = tpu.vector_load %arg9[%get3A_391, %get3A_392] {strides = array<i32>} : memref<128x128xf32, #tpu.memory_space<vmem>>, vector<1x16xf32>,
        %get3A_394 = vector.shape_cast %get3A_393 : vector<1x16xf32> to vector<16xf32>
        %mul3A_395 = arith.constant 8 : i32
        %mul3A_396 = arith.muli %add3A_96, %mul3A_395 : i32
        %add3A_397 = arith.constant 2 : i32
        %add3A_398 = arith.addi %mul3A_396, %add3A_397 : i32
        %swap3A_399 = arith.index_cast %add3A_398 : i32 to index
        %swap3A_400 = arith.constant 16 : index
        %swap3A_401 = tpu.vector_load %arg11[%swap3A_399, %swap3A_400] {strides = array<i32>} : memref<64x128xf32, #tpu.memory_space<vmem>>, vector<1x16xf32>,
        %swap3A_402 = vector.shape_cast %swap3A_401 : vector<1x16xf32> to vector<16xf32>
        %swap3A_403 = vector.shape_cast %get3A_394 : vector<16xf32> to vector<1x16xf32>
        tpu.vector_store %arg11[%swap3A_399, %swap3A_400], %swap3A_403 {strides = array<i32>} : memref<64x128xf32, #tpu.memory_space<vmem>>, vector<1x16xf32>,
        %add3A_404 = arith.constant 32 : i32
        %add3A_405 = arith.addi %multiple_of3A_369, %add3A_404 : i32
        %get3A_406 = arith.index_cast %add3A_373 : i32 to index
        %get3A_407 = arith.index_cast %add3A_405 : i32 to index
        %get3A_408 = tpu.vector_load %arg9[%get3A_406, %get3A_407] {strides = array<i32>} : memref<128x128xf32, #tpu.memory_space<vmem>>, vector<1x16xf32>,
        %get3A_409 = vector.shape_cast %get3A_408 : vector<1x16xf32> to vector<16xf32>
        %mul3A_410 = arith.constant 8 : i32
        %mul3A_411 = arith.muli %add3A_96, %mul3A_410 : i32
        %add3A_412 = arith.constant 2 : i32
        %add3A_413 = arith.addi %mul3A_411, %add3A_412 : i32
        %swap3A_414 = arith.index_cast %add3A_413 : i32 to index
        %swap3A_415 = arith.constant 32 : index
        %swap3A_416 = tpu.vector_load %arg11[%swap3A_414, %swap3A_415] {strides = array<i32>} : memref<64x128xf32, #tpu.memory_space<vmem>>, vector<1x16xf32>,
        %swap3A_417 = vector.shape_cast %swap3A_416 : vector<1x16xf32> to vector<16xf32>
        %swap3A_418 = vector.shape_cast %get3A_409 : vector<16xf32> to vector<1x16xf32>
        tpu.vector_store %arg11[%swap3A_414, %swap3A_415], %swap3A_418 {strides = array<i32>} : memref<64x128xf32, #tpu.memory_space<vmem>>, vector<1x16xf32>,
        %add3A_419 = arith.constant 48 : i32
        %add3A_420 = arith.addi %multiple_of3A_369, %add3A_419 : i32
        %get3A_421 = arith.index_cast %add3A_373 : i32 to index
        %get3A_422 = arith.index_cast %add3A_420 : i32 to index
        %get3A_423 = tpu.vector_load %arg9[%get3A_421, %get3A_422] {strides = array<i32>} : memref<128x128xf32, #tpu.memory_space<vmem>>, vector<1x16xf32>,
        %get3A_424 = vector.shape_cast %get3A_423 : vector<1x16xf32> to vector<16xf32>
        %mul3A_425 = arith.constant 8 : i32
        %mul3A_426 = arith.muli %add3A_96, %mul3A_425 : i32
        %add3A_427 = arith.constant 2 : i32
        %add3A_428 = arith.addi %mul3A_426, %add3A_427 : i32
        %swap3A_429 = arith.index_cast %add3A_428 : i32 to index
        %swap3A_430 = arith.constant 48 : index
        %swap3A_431 = tpu.vector_load %arg11[%swap3A_429, %swap3A_430] {strides = array<i32>} : memref<64x128xf32, #tpu.memory_space<vmem>>, vector<1x16xf32>,
        %swap3A_432 = vector.shape_cast %swap3A_431 : vector<1x16xf32> to vector<16xf32>
        %swap3A_433 = vector.shape_cast %get3A_424 : vector<16xf32> to vector<1x16xf32>
        tpu.vector_store %arg11[%swap3A_429, %swap3A_430], %swap3A_433 {strides = array<i32>} : memref<64x128xf32, #tpu.memory_space<vmem>>, vector<1x16xf32>,
        %slice3A_434 = vector.extract_strided_slice %get3A_101 {offsets = [5], sizes = [1], strides = [1]} : vector<16xi32> to vector<1xi32>
        %squeeze3A_435 = vector.extract %slice3A_434[0] : i32 from vector<1xi32>
        %multiple_of3A_436 = tpu.assume_multiple %squeeze3A_435, 16 : i32
        %mul3A_437 = arith.constant 16 : i32
        %mul3A_438 = arith.muli %add3A_96, %mul3A_437 : i32
        %add3A_439 = arith.constant 5 : i32
        %add3A_440 = arith.addi %mul3A_438, %add3A_439 : i32
        %add3A_441 = arith.constant 0 : i32
        %add3A_442 = arith.addi %multiple_of3A_436, %add3A_441 : i32
        %get3A_443 = arith.index_cast %add3A_440 : i32 to index
        %get3A_444 = arith.index_cast %add3A_442 : i32 to index
        %get3A_445 = tpu.vector_load %arg9[%get3A_443, %get3A_444] {strides = array<i32>} : memref<128x128xf32, #tpu.memory_space<vmem>>, vector<1x16xf32>,
        %get3A_446 = vector.shape_cast %get3A_445 : vector<1x16xf32> to vector<16xf32>
        %mul3A_447 = arith.constant 8 : i32
        %mul3A_448 = arith.muli %add3A_96, %mul3A_447 : i32
        %add3A_449 = arith.constant 2 : i32
        %add3A_450 = arith.addi %mul3A_448, %add3A_449 : i32
        %swap3A_451 = arith.index_cast %add3A_450 : i32 to index
        %swap3A_452 = arith.constant 64 : index
        %swap3A_453 = tpu.vector_load %arg11[%swap3A_451, %swap3A_452] {strides = array<i32>} : memref<64x128xf32, #tpu.memory_space<vmem>>, vector<1x16xf32>,
        %swap3A_454 = vector.shape_cast %swap3A_453 : vector<1x16xf32> to vector<16xf32>
        %swap3A_455 = vector.shape_cast %get3A_446 : vector<16xf32> to vector<1x16xf32>
        tpu.vector_store %arg11[%swap3A_451, %swap3A_452], %swap3A_455 {strides = array<i32>} : memref<64x128xf32, #tpu.memory_space<vmem>>, vector<1x16xf32>,
        %add3A_456 = arith.constant 16 : i32
        %add3A_457 = arith.addi %multiple_of3A_436, %add3A_456 : i32
        %get3A_458 = arith.index_cast %add3A_440 : i32 to index
        %get3A_459 = arith.index_cast %add3A_457 : i32 to index
        %get3A_460 = tpu.vector_load %arg9[%get3A_458, %get3A_459] {strides = array<i32>} : memref<128x128xf32, #tpu.memory_space<vmem>>, vector<1x16xf32>,
        %get3A_461 = vector.shape_cast %get3A_460 : vector<1x16xf32> to vector<16xf32>
        %mul3A_462 = arith.constant 8 : i32
        %mul3A_463 = arith.muli %add3A_96, %mul3A_462 : i32
        %add3A_464 = arith.constant 2 : i32
        %add3A_465 = arith.addi %mul3A_463, %add3A_464 : i32
        %swap3A_466 = arith.index_cast %add3A_465 : i32 to index
        %swap3A_467 = arith.constant 80 : index
        %swap3A_468 = tpu.vector_load %arg11[%swap3A_466, %swap3A_467] {strides = array<i32>} : memref<64x128xf32, #tpu.memory_space<vmem>>, vector<1x16xf32>,
        %swap3A_469 = vector.shape_cast %swap3A_468 : vector<1x16xf32> to vector<16xf32>
        %swap3A_470 = vector.shape_cast %get3A_461 : vector<16xf32> to vector<1x16xf32>
        tpu.vector_store %arg11[%swap3A_466, %swap3A_467], %swap3A_470 {strides = array<i32>} : memref<64x128xf32, #tpu.memory_space<vmem>>, vector<1x16xf32>,
        %add3A_471 = arith.constant 32 : i32
        %add3A_472 = arith.addi %multiple_of3A_436, %add3A_471 : i32
        %get3A_473 = arith.index_cast %add3A_440 : i32 to index
        %get3A_474 = arith.index_cast %add3A_472 : i32 to index
        %get3A_475 = tpu.vector_load %arg9[%get3A_473, %get3A_474] {strides = array<i32>} : memref<128x128xf32, #tpu.memory_space<vmem>>, vector<1x16xf32>,
        %get3A_476 = vector.shape_cast %get3A_475 : vector<1x16xf32> to vector<16xf32>
        %mul3A_477 = arith.constant 8 : i32
        %mul3A_478 = arith.muli %add3A_96, %mul3A_477 : i32
        %add3A_479 = arith.constant 2 : i32
        %add3A_480 = arith.addi %mul3A_478, %add3A_479 : i32
        %swap3A_481 = arith.index_cast %add3A_480 : i32 to index
        %swap3A_482 = arith.constant 96 : index
        %swap3A_483 = tpu.vector_load %arg11[%swap3A_481, %swap3A_482] {strides = array<i32>} : memref<64x128xf32, #tpu.memory_space<vmem>>, vector<1x16xf32>,
        %swap3A_484 = vector.shape_cast %swap3A_483 : vector<1x16xf32> to vector<16xf32>
        %swap3A_485 = vector.shape_cast %get3A_476 : vector<16xf32> to vector<1x16xf32>
        tpu.vector_store %arg11[%swap3A_481, %swap3A_482], %swap3A_485 {strides = array<i32>} : memref<64x128xf32, #tpu.memory_space<vmem>>, vector<1x16xf32>,
        %add3A_486 = arith.constant 48 : i32
        %add3A_487 = arith.addi %multiple_of3A_436, %add3A_486 : i32
        %get3A_488 = arith.index_cast %add3A_440 : i32 to index
        %get3A_489 = arith.index_cast %add3A_487 : i32 to index
        %get3A_490 = tpu.vector_load %arg9[%get3A_488, %get3A_489] {strides = array<i32>} : memref<128x128xf32, #tpu.memory_space<vmem>>, vector<1x16xf32>,
        %get3A_491 = vector.shape_cast %get3A_490 : vector<1x16xf32> to vector<16xf32>
        %mul3A_492 = arith.constant 8 : i32
        %mul3A_493 = arith.muli %add3A_96, %mul3A_492 : i32
        %add3A_494 = arith.constant 2 : i32
        %add3A_495 = arith.addi %mul3A_493, %add3A_494 : i32
        %swap3A_496 = arith.index_cast %add3A_495 : i32 to index
        %swap3A_497 = arith.constant 112 : index
        %swap3A_498 = tpu.vector_load %arg11[%swap3A_496, %swap3A_497] {strides = array<i32>} : memref<64x128xf32, #tpu.memory_space<vmem>>, vector<1x16xf32>,
        %swap3A_499 = vector.shape_cast %swap3A_498 : vector<1x16xf32> to vector<16xf32>
        %swap3A_500 = vector.shape_cast %get3A_491 : vector<16xf32> to vector<1x16xf32>
        tpu.vector_store %arg11[%swap3A_496, %swap3A_497], %swap3A_500 {strides = array<i32>} : memref<64x128xf32, #tpu.memory_space<vmem>>, vector<1x16xf32>,
        %slice3A_501 = vector.extract_strided_slice %get3A_101 {offsets = [6], sizes = [1], strides = [1]} : vector<16xi32> to vector<1xi32>
        %squeeze3A_502 = vector.extract %slice3A_501[0] : i32 from vector<1xi32>
        %multiple_of3A_503 = tpu.assume_multiple %squeeze3A_502, 16 : i32
        %mul3A_504 = arith.constant 16 : i32
        %mul3A_505 = arith.muli %add3A_96, %mul3A_504 : i32
        %add3A_506 = arith.constant 6 : i32
        %add3A_507 = arith.addi %mul3A_505, %add3A_506 : i32
        %add3A_508 = arith.constant 0 : i32
        %add3A_509 = arith.addi %multiple_of3A_503, %add3A_508 : i32
        %get3A_510 = arith.index_cast %add3A_507 : i32 to index
        %get3A_511 = arith.index_cast %add3A_509 : i32 to index
        %get3A_512 = tpu.vector_load %arg9[%get3A_510, %get3A_511] {strides = array<i32>} : memref<128x128xf32, #tpu.memory_space<vmem>>, vector<1x16xf32>,
        %get3A_513 = vector.shape_cast %get3A_512 : vector<1x16xf32> to vector<16xf32>
        %mul3A_514 = arith.constant 8 : i32
        %mul3A_515 = arith.muli %add3A_96, %mul3A_514 : i32
        %add3A_516 = arith.constant 3 : i32
        %add3A_517 = arith.addi %mul3A_515, %add3A_516 : i32
        %swap3A_518 = arith.index_cast %add3A_517 : i32 to index
        %swap3A_519 = arith.constant 0 : index
        %swap3A_520 = tpu.vector_load %arg11[%swap3A_518, %swap3A_519] {strides = array<i32>} : memref<64x128xf32, #tpu.memory_space<vmem>>, vector<1x16xf32>,
        %swap3A_521 = vector.shape_cast %swap3A_520 : vector<1x16xf32> to vector<16xf32>
        %swap3A_522 = vector.shape_cast %get3A_513 : vector<16xf32> to vector<1x16xf32>
        tpu.vector_store %arg11[%swap3A_518, %swap3A_519], %swap3A_522 {strides = array<i32>} : memref<64x128xf32, #tpu.memory_space<vmem>>, vector<1x16xf32>,
        %add3A_523 = arith.constant 16 : i32
        %add3A_524 = arith.addi %multiple_of3A_503, %add3A_523 : i32
        %get3A_525 = arith.index_cast %add3A_507 : i32 to index
        %get3A_526 = arith.index_cast %add3A_524 : i32 to index
        %get3A_527 = tpu.vector_load %arg9[%get3A_525, %get3A_526] {strides = array<i32>} : memref<128x128xf32, #tpu.memory_space<vmem>>, vector<1x16xf32>,
        %get3A_528 = vector.shape_cast %get3A_527 : vector<1x16xf32> to vector<16xf32>
        %mul3A_529 = arith.constant 8 : i32
        %mul3A_530 = arith.muli %add3A_96, %mul3A_529 : i32
        %add3A_531 = arith.constant 3 : i32
        %add3A_532 = arith.addi %mul3A_530, %add3A_531 : i32
        %swap3A_533 = arith.index_cast %add3A_532 : i32 to index
        %swap3A_534 = arith.constant 16 : index
        %swap3A_535 = tpu.vector_load %arg11[%swap3A_533, %swap3A_534] {strides = array<i32>} : memref<64x128xf32, #tpu.memory_space<vmem>>, vector<1x16xf32>,
        %swap3A_536 = vector.shape_cast %swap3A_535 : vector<1x16xf32> to vector<16xf32>
        %swap3A_537 = vector.shape_cast %get3A_528 : vector<16xf32> to vector<1x16xf32>
        tpu.vector_store %arg11[%swap3A_533, %swap3A_534], %swap3A_537 {strides = array<i32>} : memref<64x128xf32, #tpu.memory_space<vmem>>, vector<1x16xf32>,
        %add3A_538 = arith.constant 32 : i32
        %add3A_539 = arith.addi %multiple_of3A_503, %add3A_538 : i32
        %get3A_540 = arith.index_cast %add3A_507 : i32 to index
        %get3A_541 = arith.index_cast %add3A_539 : i32 to index
        %get3A_542 = tpu.vector_load %arg9[%get3A_540, %get3A_541] {strides = array<i32>} : memref<128x128xf32, #tpu.memory_space<vmem>>, vector<1x16xf32>,
        %get3A_543 = vector.shape_cast %get3A_542 : vector<1x16xf32> to vector<16xf32>
        %mul3A_544 = arith.constant 8 : i32
        %mul3A_545 = arith.muli %add3A_96, %mul3A_544 : i32
        %add3A_546 = arith.constant 3 : i32
        %add3A_547 = arith.addi %mul3A_545, %add3A_546 : i32
        %swap3A_548 = arith.index_cast %add3A_547 : i32 to index
        %swap3A_549 = arith.constant 32 : index
        %swap3A_550 = tpu.vector_load %arg11[%swap3A_548, %swap3A_549] {strides = array<i32>} : memref<64x128xf32, #tpu.memory_space<vmem>>, vector<1x16xf32>,
        %swap3A_551 = vector.shape_cast %swap3A_550 : vector<1x16xf32> to vector<16xf32>
        %swap3A_552 = vector.shape_cast %get3A_543 : vector<16xf32> to vector<1x16xf32>
        tpu.vector_store %arg11[%swap3A_548, %swap3A_549], %swap3A_552 {strides = array<i32>} : memref<64x128xf32, #tpu.memory_space<vmem>>, vector<1x16xf32>,
        %add3A_553 = arith.constant 48 : i32
        %add3A_554 = arith.addi %multiple_of3A_503, %add3A_553 : i32
        %get3A_555 = arith.index_cast %add3A_507 : i32 to index
        %get3A_556 = arith.index_cast %add3A_554 : i32 to index
        %get3A_557 = tpu.vector_load %arg9[%get3A_555, %get3A_556] {strides = array<i32>} : memref<128x128xf32, #tpu.memory_space<vmem>>, vector<1x16xf32>,
        %get3A_558 = vector.shape_cast %get3A_557 : vector<1x16xf32> to vector<16xf32>
        %mul3A_559 = arith.constant 8 : i32
        %mul3A_560 = arith.muli %add3A_96, %mul3A_559 : i32
        %add3A_561 = arith.constant 3 : i32
        %add3A_562 = arith.addi %mul3A_560, %add3A_561 : i32
        %swap3A_563 = arith.index_cast %add3A_562 : i32 to index
        %swap3A_564 = arith.constant 48 : index
        %swap3A_565 = tpu.vector_load %arg11[%swap3A_563, %swap3A_564] {strides = array<i32>} : memref<64x128xf32, #tpu.memory_space<vmem>>, vector<1x16xf32>,
        %swap3A_566 = vector.shape_cast %swap3A_565 : vector<1x16xf32> to vector<16xf32>
        %swap3A_567 = vector.shape_cast %get3A_558 : vector<16xf32> to vector<1x16xf32>
        tpu.vector_store %arg11[%swap3A_563, %swap3A_564], %swap3A_567 {strides = array<i32>} : memref<64x128xf32, #tpu.memory_space<vmem>>, vector<1x16xf32>,
        %slice3A_568 = vector.extract_strided_slice %get3A_101 {offsets = [7], sizes = [1], strides = [1]} : vector<16xi32> to vector<1xi32>
        %squeeze3A_569 = vector.extract %slice3A_568[0] : i32 from vector<1xi32>
        %multiple_of3A_570 = tpu.assume_multiple %squeeze3A_569, 16 : i32
        %mul3A_571 = arith.constant 16 : i32
        %mul3A_572 = arith.muli %add3A_96, %mul3A_571 : i32
        %add3A_573 = arith.constant 7 : i32
        %add3A_574 = arith.addi %mul3A_572, %add3A_573 : i32
        %add3A_575 = arith.constant 0 : i32
        %add3A_576 = arith.addi %multiple_of3A_570, %add3A_575 : i32
        %get3A_577 = arith.index_cast %add3A_574 : i32 to index
        %get3A_578 = arith.index_cast %add3A_576 : i32 to index
        %get3A_579 = tpu.vector_load %arg9[%get3A_577, %get3A_578] {strides = array<i32>} : memref<128x128xf32, #tpu.memory_space<vmem>>, vector<1x16xf32>,
        %get3A_580 = vector.shape_cast %get3A_579 : vector<1x16xf32> to vector<16xf32>
        %mul3A_581 = arith.constant 8 : i32
        %mul3A_582 = arith.muli %add3A_96, %mul3A_581 : i32
        %add3A_583 = arith.constant 3 : i32
        %add3A_584 = arith.addi %mul3A_582, %add3A_583 : i32
        %swap3A_585 = arith.index_cast %add3A_584 : i32 to index
        %swap3A_586 = arith.constant 64 : index
        %swap3A_587 = tpu.vector_load %arg11[%swap3A_585, %swap3A_586] {strides = array<i32>} : memref<64x128xf32, #tpu.memory_space<vmem>>, vector<1x16xf32>,
        %swap3A_588 = vector.shape_cast %swap3A_587 : vector<1x16xf32> to vector<16xf32>
        %swap3A_589 = vector.shape_cast %get3A_580 : vector<16xf32> to vector<1x16xf32>
        tpu.vector_store %arg11[%swap3A_585, %swap3A_586], %swap3A_589 {strides = array<i32>} : memref<64x128xf32, #tpu.memory_space<vmem>>, vector<1x16xf32>,
        %add3A_590 = arith.constant 16 : i32
        %add3A_591 = arith.addi %multiple_of3A_570, %add3A_590 : i32
        %get3A_592 = arith.index_cast %add3A_574 : i32 to index
        %get3A_593 = arith.index_cast %add3A_591 : i32 to index
        %get3A_594 = tpu.vector_load %arg9[%get3A_592, %get3A_593] {strides = array<i32>} : memref<128x128xf32, #tpu.memory_space<vmem>>, vector<1x16xf32>,
        %get3A_595 = vector.shape_cast %get3A_594 : vector<1x16xf32> to vector<16xf32>
        %mul3A_596 = arith.constant 8 : i32
        %mul3A_597 = arith.muli %add3A_96, %mul3A_596 : i32
        %add3A_598 = arith.constant 3 : i32
        %add3A_599 = arith.addi %mul3A_597, %add3A_598 : i32
        %swap3A_600 = arith.index_cast %add3A_599 : i32 to index
        %swap3A_601 = arith.constant 80 : index
        %swap3A_602 = tpu.vector_load %arg11[%swap3A_600, %swap3A_601] {strides = array<i32>} : memref<64x128xf32, #tpu.memory_space<vmem>>, vector<1x16xf32>,
        %swap3A_603 = vector.shape_cast %swap3A_602 : vector<1x16xf32> to vector<16xf32>
        %swap3A_604 = vector.shape_cast %get3A_595 : vector<16xf32> to vector<1x16xf32>
        tpu.vector_store %arg11[%swap3A_600, %swap3A_601], %swap3A_604 {strides = array<i32>} : memref<64x128xf32, #tpu.memory_space<vmem>>, vector<1x16xf32>,
        %add3A_605 = arith.constant 32 : i32
        %add3A_606 = arith.addi %multiple_of3A_570, %add3A_605 : i32
        %get3A_607 = arith.index_cast %add3A_574 : i32 to index
        %get3A_608 = arith.index_cast %add3A_606 : i32 to index
        %get3A_609 = tpu.vector_load %arg9[%get3A_607, %get3A_608] {strides = array<i32>} : memref<128x128xf32, #tpu.memory_space<vmem>>, vector<1x16xf32>,
        %get3A_610 = vector.shape_cast %get3A_609 : vector<1x16xf32> to vector<16xf32>
        %mul3A_611 = arith.constant 8 : i32
        %mul3A_612 = arith.muli %add3A_96, %mul3A_611 : i32
        %add3A_613 = arith.constant 3 : i32
        %add3A_614 = arith.addi %mul3A_612, %add3A_613 : i32
        %swap3A_615 = arith.index_cast %add3A_614 : i32 to index
        %swap3A_616 = arith.constant 96 : index
        %swap3A_617 = tpu.vector_load %arg11[%swap3A_615, %swap3A_616] {strides = array<i32>} : memref<64x128xf32, #tpu.memory_space<vmem>>, vector<1x16xf32>,
        %swap3A_618 = vector.shape_cast %swap3A_617 : vector<1x16xf32> to vector<16xf32>
        %swap3A_619 = vector.shape_cast %get3A_610 : vector<16xf32> to vector<1x16xf32>
        tpu.vector_store %arg11[%swap3A_615, %swap3A_616], %swap3A_619 {strides = array<i32>} : memref<64x128xf32, #tpu.memory_space<vmem>>, vector<1x16xf32>,
        %add3A_620 = arith.constant 48 : i32
        %add3A_621 = arith.addi %multiple_of3A_570, %add3A_620 : i32
        %get3A_622 = arith.index_cast %add3A_574 : i32 to index
        %get3A_623 = arith.index_cast %add3A_621 : i32 to index
        %get3A_624 = tpu.vector_load %arg9[%get3A_622, %get3A_623] {strides = array<i32>} : memref<128x128xf32, #tpu.memory_space<vmem>>, vector<1x16xf32>,
        %get3A_625 = vector.shape_cast %get3A_624 : vector<1x16xf32> to vector<16xf32>
        %mul3A_626 = arith.constant 8 : i32
        %mul3A_627 = arith.muli %add3A_96, %mul3A_626 : i32
        %add3A_628 = arith.constant 3 : i32
        %add3A_629 = arith.addi %mul3A_627, %add3A_628 : i32
        %swap3A_630 = arith.index_cast %add3A_629 : i32 to index
        %swap3A_631 = arith.constant 112 : index
        %swap3A_632 = tpu.vector_load %arg11[%swap3A_630, %swap3A_631] {strides = array<i32>} : memref<64x128xf32, #tpu.memory_space<vmem>>, vector<1x16xf32>,
        %swap3A_633 = vector.shape_cast %swap3A_632 : vector<1x16xf32> to vector<16xf32>
        %swap3A_634 = vector.shape_cast %get3A_625 : vector<16xf32> to vector<1x16xf32>
        tpu.vector_store %arg11[%swap3A_630, %swap3A_631], %swap3A_634 {strides = array<i32>} : memref<64x128xf32, #tpu.memory_space<vmem>>, vector<1x16xf32>,
        %slice3A_635 = vector.extract_strided_slice %get3A_101 {offsets = [8], sizes = [1], strides = [1]} : vector<16xi32> to vector<1xi32>
        %squeeze3A_636 = vector.extract %slice3A_635[0] : i32 from vector<1xi32>
        %multiple_of3A_637 = tpu.assume_multiple %squeeze3A_636, 16 : i32
        %mul3A_638 = arith.constant 16 : i32
        %mul3A_639 = arith.muli %add3A_96, %mul3A_638 : i32
        %add3A_640 = arith.constant 8 : i32
        %add3A_641 = arith.addi %mul3A_639, %add3A_640 : i32
        %add3A_642 = arith.constant 0 : i32
        %add3A_643 = arith.addi %multiple_of3A_637, %add3A_642 : i32
        %get3A_644 = arith.index_cast %add3A_641 : i32 to index
        %get3A_645 = arith.index_cast %add3A_643 : i32 to index
        %get3A_646 = tpu.vector_load %arg9[%get3A_644, %get3A_645] {strides = array<i32>} : memref<128x128xf32, #tpu.memory_space<vmem>>, vector<1x16xf32>,
        %get3A_647 = vector.shape_cast %get3A_646 : vector<1x16xf32> to vector<16xf32>
        %mul3A_648 = arith.constant 8 : i32
        %mul3A_649 = arith.muli %add3A_96, %mul3A_648 : i32
        %add3A_650 = arith.constant 4 : i32
        %add3A_651 = arith.addi %mul3A_649, %add3A_650 : i32
        %swap3A_652 = arith.index_cast %add3A_651 : i32 to index
        %swap3A_653 = arith.constant 0 : index
        %swap3A_654 = tpu.vector_load %arg11[%swap3A_652, %swap3A_653] {strides = array<i32>} : memref<64x128xf32, #tpu.memory_space<vmem>>, vector<1x16xf32>,
        %swap3A_655 = vector.shape_cast %swap3A_654 : vector<1x16xf32> to vector<16xf32>
        %swap3A_656 = vector.shape_cast %get3A_647 : vector<16xf32> to vector<1x16xf32>
        tpu.vector_store %arg11[%swap3A_652, %swap3A_653], %swap3A_656 {strides = array<i32>} : memref<64x128xf32, #tpu.memory_space<vmem>>, vector<1x16xf32>,
        %add3A_657 = arith.constant 16 : i32
        %add3A_658 = arith.addi %multiple_of3A_637, %add3A_657 : i32
        %get3A_659 = arith.index_cast %add3A_641 : i32 to index
        %get3A_660 = arith.index_cast %add3A_658 : i32 to index
        %get3A_661 = tpu.vector_load %arg9[%get3A_659, %get3A_660] {strides = array<i32>} : memref<128x128xf32, #tpu.memory_space<vmem>>, vector<1x16xf32>,
        %get3A_662 = vector.shape_cast %get3A_661 : vector<1x16xf32> to vector<16xf32>
        %mul3A_663 = arith.constant 8 : i32
        %mul3A_664 = arith.muli %add3A_96, %mul3A_663 : i32
        %add3A_665 = arith.constant 4 : i32
        %add3A_666 = arith.addi %mul3A_664, %add3A_665 : i32
        %swap3A_667 = arith.index_cast %add3A_666 : i32 to index
        %swap3A_668 = arith.constant 16 : index
        %swap3A_669 = tpu.vector_load %arg11[%swap3A_667, %swap3A_668] {strides = array<i32>} : memref<64x128xf32, #tpu.memory_space<vmem>>, vector<1x16xf32>,
        %swap3A_670 = vector.shape_cast %swap3A_669 : vector<1x16xf32> to vector<16xf32>
        %swap3A_671 = vector.shape_cast %get3A_662 : vector<16xf32> to vector<1x16xf32>
        tpu.vector_store %arg11[%swap3A_667, %swap3A_668], %swap3A_671 {strides = array<i32>} : memref<64x128xf32, #tpu.memory_space<vmem>>, vector<1x16xf32>,
        %add3A_672 = arith.constant 32 : i32
        %add3A_673 = arith.addi %multiple_of3A_637, %add3A_672 : i32
        %get3A_674 = arith.index_cast %add3A_641 : i32 to index
        %get3A_675 = arith.index_cast %add3A_673 : i32 to index
        %get3A_676 = tpu.vector_load %arg9[%get3A_674, %get3A_675] {strides = array<i32>} : memref<128x128xf32, #tpu.memory_space<vmem>>, vector<1x16xf32>,
        %get3A_677 = vector.shape_cast %get3A_676 : vector<1x16xf32> to vector<16xf32>
        %mul3A_678 = arith.constant 8 : i32
        %mul3A_679 = arith.muli %add3A_96, %mul3A_678 : i32
        %add3A_680 = arith.constant 4 : i32
        %add3A_681 = arith.addi %mul3A_679, %add3A_680 : i32
        %swap3A_682 = arith.index_cast %add3A_681 : i32 to index
        %swap3A_683 = arith.constant 32 : index
        %swap3A_684 = tpu.vector_load %arg11[%swap3A_682, %swap3A_683] {strides = array<i32>} : memref<64x128xf32, #tpu.memory_space<vmem>>, vector<1x16xf32>,
        %swap3A_685 = vector.shape_cast %swap3A_684 : vector<1x16xf32> to vector<16xf32>
        %swap3A_686 = vector.shape_cast %get3A_677 : vector<16xf32> to vector<1x16xf32>
        tpu.vector_store %arg11[%swap3A_682, %swap3A_683], %swap3A_686 {strides = array<i32>} : memref<64x128xf32, #tpu.memory_space<vmem>>, vector<1x16xf32>,
        %add3A_687 = arith.constant 48 : i32
        %add3A_688 = arith.addi %multiple_of3A_637, %add3A_687 : i32
        %get3A_689 = arith.index_cast %add3A_641 : i32 to index
        %get3A_690 = arith.index_cast %add3A_688 : i32 to index
        %get3A_691 = tpu.vector_load %arg9[%get3A_689, %get3A_690] {strides = array<i32>} : memref<128x128xf32, #tpu.memory_space<vmem>>, vector<1x16xf32>,
        %get3A_692 = vector.shape_cast %get3A_691 : vector<1x16xf32> to vector<16xf32>
        %mul3A_693 = arith.constant 8 : i32
        %mul3A_694 = arith.muli %add3A_96, %mul3A_693 : i32
        %add3A_695 = arith.constant 4 : i32
        %add3A_696 = arith.addi %mul3A_694, %add3A_695 : i32
        %swap3A_697 = arith.index_cast %add3A_696 : i32 to index
        %swap3A_698 = arith.constant 48 : index
        %swap3A_699 = tpu.vector_load %arg11[%swap3A_697, %swap3A_698] {strides = array<i32>} : memref<64x128xf32, #tpu.memory_space<vmem>>, vector<1x16xf32>,
        %swap3A_700 = vector.shape_cast %swap3A_699 : vector<1x16xf32> to vector<16xf32>
        %swap3A_701 = vector.shape_cast %get3A_692 : vector<16xf32> to vector<1x16xf32>
        tpu.vector_store %arg11[%swap3A_697, %swap3A_698], %swap3A_701 {strides = array<i32>} : memref<64x128xf32, #tpu.memory_space<vmem>>, vector<1x16xf32>,
        %slice3A_702 = vector.extract_strided_slice %get3A_101 {offsets = [9], sizes = [1], strides = [1]} : vector<16xi32> to vector<1xi32>
        %squeeze3A_703 = vector.extract %slice3A_702[0] : i32 from vector<1xi32>
        %multiple_of3A_704 = tpu.assume_multiple %squeeze3A_703, 16 : i32
        %mul3A_705 = arith.constant 16 : i32
        %mul3A_706 = arith.muli %add3A_96, %mul3A_705 : i32
        %add3A_707 = arith.constant 9 : i32
        %add3A_708 = arith.addi %mul3A_706, %add3A_707 : i32
        %add3A_709 = arith.constant 0 : i32
        %add3A_710 = arith.addi %multiple_of3A_704, %add3A_709 : i32
        %get3A_711 = arith.index_cast %add3A_708 : i32 to index
        %get3A_712 = arith.index_cast %add3A_710 : i32 to index
        %get3A_713 = tpu.vector_load %arg9[%get3A_711, %get3A_712] {strides = array<i32>} : memref<128x128xf32, #tpu.memory_space<vmem>>, vector<1x16xf32>,
        %get3A_714 = vector.shape_cast %get3A_713 : vector<1x16xf32> to vector<16xf32>
        %mul3A_715 = arith.constant 8 : i32
        %mul3A_716 = arith.muli %add3A_96, %mul3A_715 : i32
        %add3A_717 = arith.constant 4 : i32
        %add3A_718 = arith.addi %mul3A_716, %add3A_717 : i32
        %swap3A_719 = arith.index_cast %add3A_718 : i32 to index
        %swap3A_720 = arith.constant 64 : index
        %swap3A_721 = tpu.vector_load %arg11[%swap3A_719, %swap3A_720] {strides = array<i32>} : memref<64x128xf32, #tpu.memory_space<vmem>>, vector<1x16xf32>,
        %swap3A_722 = vector.shape_cast %swap3A_721 : vector<1x16xf32> to vector<16xf32>
        %swap3A_723 = vector.shape_cast %get3A_714 : vector<16xf32> to vector<1x16xf32>
        tpu.vector_store %arg11[%swap3A_719, %swap3A_720], %swap3A_723 {strides = array<i32>} : memref<64x128xf32, #tpu.memory_space<vmem>>, vector<1x16xf32>,
        %add3A_724 = arith.constant 16 : i32
        %add3A_725 = arith.addi %multiple_of3A_704, %add3A_724 : i32
        %get3A_726 = arith.index_cast %add3A_708 : i32 to index
        %get3A_727 = arith.index_cast %add3A_725 : i32 to index
        %get3A_728 = tpu.vector_load %arg9[%get3A_726, %get3A_727] {strides = array<i32>} : memref<128x128xf32, #tpu.memory_space<vmem>>, vector<1x16xf32>,
        %get3A_729 = vector.shape_cast %get3A_728 : vector<1x16xf32> to vector<16xf32>
        %mul3A_730 = arith.constant 8 : i32
        %mul3A_731 = arith.muli %add3A_96, %mul3A_730 : i32
        %add3A_732 = arith.constant 4 : i32
        %add3A_733 = arith.addi %mul3A_731, %add3A_732 : i32
        %swap3A_734 = arith.index_cast %add3A_733 : i32 to index
        %swap3A_735 = arith.constant 80 : index
        %swap3A_736 = tpu.vector_load %arg11[%swap3A_734, %swap3A_735] {strides = array<i32>} : memref<64x128xf32, #tpu.memory_space<vmem>>, vector<1x16xf32>,
        %swap3A_737 = vector.shape_cast %swap3A_736 : vector<1x16xf32> to vector<16xf32>
        %swap3A_738 = vector.shape_cast %get3A_729 : vector<16xf32> to vector<1x16xf32>
        tpu.vector_store %arg11[%swap3A_734, %swap3A_735], %swap3A_738 {strides = array<i32>} : memref<64x128xf32, #tpu.memory_space<vmem>>, vector<1x16xf32>,
        %add3A_739 = arith.constant 32 : i32
        %add3A_740 = arith.addi %multiple_of3A_704, %add3A_739 : i32
        %get3A_741 = arith.index_cast %add3A_708 : i32 to index
        %get3A_742 = arith.index_cast %add3A_740 : i32 to index
        %get3A_743 = tpu.vector_load %arg9[%get3A_741, %get3A_742] {strides = array<i32>} : memref<128x128xf32, #tpu.memory_space<vmem>>, vector<1x16xf32>,
        %get3A_744 = vector.shape_cast %get3A_743 : vector<1x16xf32> to vector<16xf32>
        %mul3A_745 = arith.constant 8 : i32
        %mul3A_746 = arith.muli %add3A_96, %mul3A_745 : i32
        %add3A_747 = arith.constant 4 : i32
        %add3A_748 = arith.addi %mul3A_746, %add3A_747 : i32
        %swap3A_749 = arith.index_cast %add3A_748 : i32 to index
        %swap3A_750 = arith.constant 96 : index
        %swap3A_751 = tpu.vector_load %arg11[%swap3A_749, %swap3A_750] {strides = array<i32>} : memref<64x128xf32, #tpu.memory_space<vmem>>, vector<1x16xf32>,
        %swap3A_752 = vector.shape_cast %swap3A_751 : vector<1x16xf32> to vector<16xf32>
        %swap3A_753 = vector.shape_cast %get3A_744 : vector<16xf32> to vector<1x16xf32>
        tpu.vector_store %arg11[%swap3A_749, %swap3A_750], %swap3A_753 {strides = array<i32>} : memref<64x128xf32, #tpu.memory_space<vmem>>, vector<1x16xf32>,
        %add3A_754 = arith.constant 48 : i32
        %add3A_755 = arith.addi %multiple_of3A_704, %add3A_754 : i32
        %get3A_756 = arith.index_cast %add3A_708 : i32 to index
        %get3A_757 = arith.index_cast %add3A_755 : i32 to index
        %get3A_758 = tpu.vector_load %arg9[%get3A_756, %get3A_757] {strides = array<i32>} : memref<128x128xf32, #tpu.memory_space<vmem>>, vector<1x16xf32>,
        %get3A_759 = vector.shape_cast %get3A_758 : vector<1x16xf32> to vector<16xf32>
        %mul3A_760 = arith.constant 8 : i32
        %mul3A_761 = arith.muli %add3A_96, %mul3A_760 : i32
        %add3A_762 = arith.constant 4 : i32
        %add3A_763 = arith.addi %mul3A_761, %add3A_762 : i32
        %swap3A_764 = arith.index_cast %add3A_763 : i32 to index
        %swap3A_765 = arith.constant 112 : index
        %swap3A_766 = tpu.vector_load %arg11[%swap3A_764, %swap3A_765] {strides = array<i32>} : memref<64x128xf32, #tpu.memory_space<vmem>>, vector<1x16xf32>,
        %swap3A_767 = vector.shape_cast %swap3A_766 : vector<1x16xf32> to vector<16xf32>
        %swap3A_768 = vector.shape_cast %get3A_759 : vector<16xf32> to vector<1x16xf32>
        tpu.vector_store %arg11[%swap3A_764, %swap3A_765], %swap3A_768 {strides = array<i32>} : memref<64x128xf32, #tpu.memory_space<vmem>>, vector<1x16xf32>,
        %slice3A_769 = vector.extract_strided_slice %get3A_101 {offsets = [10], sizes = [1], strides = [1]} : vector<16xi32> to vector<1xi32>
        %squeeze3A_770 = vector.extract %slice3A_769[0] : i32 from vector<1xi32>
        %multiple_of3A_771 = tpu.assume_multiple %squeeze3A_770, 16 : i32
        %mul3A_772 = arith.constant 16 : i32
        %mul3A_773 = arith.muli %add3A_96, %mul3A_772 : i32
        %add3A_774 = arith.constant 10 : i32
        %add3A_775 = arith.addi %mul3A_773, %add3A_774 : i32
        %add3A_776 = arith.constant 0 : i32
        %add3A_777 = arith.addi %multiple_of3A_771, %add3A_776 : i32
        %get3A_778 = arith.index_cast %add3A_775 : i32 to index
        %get3A_779 = arith.index_cast %add3A_777 : i32 to index
        %get3A_780 = tpu.vector_load %arg9[%get3A_778, %get3A_779] {strides = array<i32>} : memref<128x128xf32, #tpu.memory_space<vmem>>, vector<1x16xf32>,
        %get3A_781 = vector.shape_cast %get3A_780 : vector<1x16xf32> to vector<16xf32>
        %mul3A_782 = arith.constant 8 : i32
        %mul3A_783 = arith.muli %add3A_96, %mul3A_782 : i32
        %add3A_784 = arith.constant 5 : i32
        %add3A_785 = arith.addi %mul3A_783, %add3A_784 : i32
        %swap3A_786 = arith.index_cast %add3A_785 : i32 to index
        %swap3A_787 = arith.constant 0 : index
        %swap3A_788 = tpu.vector_load %arg11[%swap3A_786, %swap3A_787] {strides = array<i32>} : memref<64x128xf32, #tpu.memory_space<vmem>>, vector<1x16xf32>,
        %swap3A_789 = vector.shape_cast %swap3A_788 : vector<1x16xf32> to vector<16xf32>
        %swap3A_790 = vector.shape_cast %get3A_781 : vector<16xf32> to vector<1x16xf32>
        tpu.vector_store %arg11[%swap3A_786, %swap3A_787], %swap3A_790 {strides = array<i32>} : memref<64x128xf32, #tpu.memory_space<vmem>>, vector<1x16xf32>,
        %add3A_791 = arith.constant 16 : i32
        %add3A_792 = arith.addi %multiple_of3A_771, %add3A_791 : i32
        %get3A_793 = arith.index_cast %add3A_775 : i32 to index
        %get3A_794 = arith.index_cast %add3A_792 : i32 to index
        %get3A_795 = tpu.vector_load %arg9[%get3A_793, %get3A_794] {strides = array<i32>} : memref<128x128xf32, #tpu.memory_space<vmem>>, vector<1x16xf32>,
        %get3A_796 = vector.shape_cast %get3A_795 : vector<1x16xf32> to vector<16xf32>
        %mul3A_797 = arith.constant 8 : i32
        %mul3A_798 = arith.muli %add3A_96, %mul3A_797 : i32
        %add3A_799 = arith.constant 5 : i32
        %add3A_800 = arith.addi %mul3A_798, %add3A_799 : i32
        %swap3A_801 = arith.index_cast %add3A_800 : i32 to index
        %swap3A_802 = arith.constant 16 : index
        %swap3A_803 = tpu.vector_load %arg11[%swap3A_801, %swap3A_802] {strides = array<i32>} : memref<64x128xf32, #tpu.memory_space<vmem>>, vector<1x16xf32>,
        %swap3A_804 = vector.shape_cast %swap3A_803 : vector<1x16xf32> to vector<16xf32>
        %swap3A_805 = vector.shape_cast %get3A_796 : vector<16xf32> to vector<1x16xf32>
        tpu.vector_store %arg11[%swap3A_801, %swap3A_802], %swap3A_805 {strides = array<i32>} : memref<64x128xf32, #tpu.memory_space<vmem>>, vector<1x16xf32>,
        %add3A_806 = arith.constant 32 : i32
        %add3A_807 = arith.addi %multiple_of3A_771, %add3A_806 : i32
        %get3A_808 = arith.index_cast %add3A_775 : i32 to index
        %get3A_809 = arith.index_cast %add3A_807 : i32 to index
        %get3A_810 = tpu.vector_load %arg9[%get3A_808, %get3A_809] {strides = array<i32>} : memref<128x128xf32, #tpu.memory_space<vmem>>, vector<1x16xf32>,
        %get3A_811 = vector.shape_cast %get3A_810 : vector<1x16xf32> to vector<16xf32>
        %mul3A_812 = arith.constant 8 : i32
        %mul3A_813 = arith.muli %add3A_96, %mul3A_812 : i32
        %add3A_814 = arith.constant 5 : i32
        %add3A_815 = arith.addi %mul3A_813, %add3A_814 : i32
        %swap3A_816 = arith.index_cast %add3A_815 : i32 to index
        %swap3A_817 = arith.constant 32 : index
        %swap3A_818 = tpu.vector_load %arg11[%swap3A_816, %swap3A_817] {strides = array<i32>} : memref<64x128xf32, #tpu.memory_space<vmem>>, vector<1x16xf32>,
        %swap3A_819 = vector.shape_cast %swap3A_818 : vector<1x16xf32> to vector<16xf32>
        %swap3A_820 = vector.shape_cast %get3A_811 : vector<16xf32> to vector<1x16xf32>
        tpu.vector_store %arg11[%swap3A_816, %swap3A_817], %swap3A_820 {strides = array<i32>} : memref<64x128xf32, #tpu.memory_space<vmem>>, vector<1x16xf32>,
        %add3A_821 = arith.constant 48 : i32
        %add3A_822 = arith.addi %multiple_of3A_771, %add3A_821 : i32
        %get3A_823 = arith.index_cast %add3A_775 : i32 to index
        %get3A_824 = arith.index_cast %add3A_822 : i32 to index
        %get3A_825 = tpu.vector_load %arg9[%get3A_823, %get3A_824] {strides = array<i32>} : memref<128x128xf32, #tpu.memory_space<vmem>>, vector<1x16xf32>,
        %get3A_826 = vector.shape_cast %get3A_825 : vector<1x16xf32> to vector<16xf32>
        %mul3A_827 = arith.constant 8 : i32
        %mul3A_828 = arith.muli %add3A_96, %mul3A_827 : i32
        %add3A_829 = arith.constant 5 : i32
        %add3A_830 = arith.addi %mul3A_828, %add3A_829 : i32
        %swap3A_831 = arith.index_cast %add3A_830 : i32 to index
        %swap3A_832 = arith.constant 48 : index
        %swap3A_833 = tpu.vector_load %arg11[%swap3A_831, %swap3A_832] {strides = array<i32>} : memref<64x128xf32, #tpu.memory_space<vmem>>, vector<1x16xf32>,
        %swap3A_834 = vector.shape_cast %swap3A_833 : vector<1x16xf32> to vector<16xf32>
        %swap3A_835 = vector.shape_cast %get3A_826 : vector<16xf32> to vector<1x16xf32>
        tpu.vector_store %arg11[%swap3A_831, %swap3A_832], %swap3A_835 {strides = array<i32>} : memref<64x128xf32, #tpu.memory_space<vmem>>, vector<1x16xf32>,
        %slice3A_836 = vector.extract_strided_slice %get3A_101 {offsets = [11], sizes = [1], strides = [1]} : vector<16xi32> to vector<1xi32>
        %squeeze3A_837 = vector.extract %slice3A_836[0] : i32 from vector<1xi32>
        %multiple_of3A_838 = tpu.assume_multiple %squeeze3A_837, 16 : i32
        %mul3A_839 = arith.constant 16 : i32
        %mul3A_840 = arith.muli %add3A_96, %mul3A_839 : i32
        %add3A_841 = arith.constant 11 : i32
        %add3A_842 = arith.addi %mul3A_840, %add3A_841 : i32
        %add3A_843 = arith.constant 0 : i32
        %add3A_844 = arith.addi %multiple_of3A_838, %add3A_843 : i32
        %get3A_845 = arith.index_cast %add3A_842 : i32 to index
        %get3A_846 = arith.index_cast %add3A_844 : i32 to index
        %get3A_847 = tpu.vector_load %arg9[%get3A_845, %get3A_846] {strides = array<i32>} : memref<128x128xf32, #tpu.memory_space<vmem>>, vector<1x16xf32>,
        %get3A_848 = vector.shape_cast %get3A_847 : vector<1x16xf32> to vector<16xf32>
        %mul3A_849 = arith.constant 8 : i32
        %mul3A_850 = arith.muli %add3A_96, %mul3A_849 : i32
        %add3A_851 = arith.constant 5 : i32
        %add3A_852 = arith.addi %mul3A_850, %add3A_851 : i32
        %swap3A_853 = arith.index_cast %add3A_852 : i32 to index
        %swap3A_854 = arith.constant 64 : index
        %swap3A_855 = tpu.vector_load %arg11[%swap3A_853, %swap3A_854] {strides = array<i32>} : memref<64x128xf32, #tpu.memory_space<vmem>>, vector<1x16xf32>,
        %swap3A_856 = vector.shape_cast %swap3A_855 : vector<1x16xf32> to vector<16xf32>
        %swap3A_857 = vector.shape_cast %get3A_848 : vector<16xf32> to vector<1x16xf32>
        tpu.vector_store %arg11[%swap3A_853, %swap3A_854], %swap3A_857 {strides = array<i32>} : memref<64x128xf32, #tpu.memory_space<vmem>>, vector<1x16xf32>,
        %add3A_858 = arith.constant 16 : i32
        %add3A_859 = arith.addi %multiple_of3A_838, %add3A_858 : i32
        %get3A_860 = arith.index_cast %add3A_842 : i32 to index
        %get3A_861 = arith.index_cast %add3A_859 : i32 to index
        %get3A_862 = tpu.vector_load %arg9[%get3A_860, %get3A_861] {strides = array<i32>} : memref<128x128xf32, #tpu.memory_space<vmem>>, vector<1x16xf32>,
        %get3A_863 = vector.shape_cast %get3A_862 : vector<1x16xf32> to vector<16xf32>
        %mul3A_864 = arith.constant 8 : i32
        %mul3A_865 = arith.muli %add3A_96, %mul3A_864 : i32
        %add3A_866 = arith.constant 5 : i32
        %add3A_867 = arith.addi %mul3A_865, %add3A_866 : i32
        %swap3A_868 = arith.index_cast %add3A_867 : i32 to index
        %swap3A_869 = arith.constant 80 : index
        %swap3A_870 = tpu.vector_load %arg11[%swap3A_868, %swap3A_869] {strides = array<i32>} : memref<64x128xf32, #tpu.memory_space<vmem>>, vector<1x16xf32>,
        %swap3A_871 = vector.shape_cast %swap3A_870 : vector<1x16xf32> to vector<16xf32>
        %swap3A_872 = vector.shape_cast %get3A_863 : vector<16xf32> to vector<1x16xf32>
        tpu.vector_store %arg11[%swap3A_868, %swap3A_869], %swap3A_872 {strides = array<i32>} : memref<64x128xf32, #tpu.memory_space<vmem>>, vector<1x16xf32>,
        %add3A_873 = arith.constant 32 : i32
        %add3A_874 = arith.addi %multiple_of3A_838, %add3A_873 : i32
        %get3A_875 = arith.index_cast %add3A_842 : i32 to index
        %get3A_876 = arith.index_cast %add3A_874 : i32 to index
        %get3A_877 = tpu.vector_load %arg9[%get3A_875, %get3A_876] {strides = array<i32>} : memref<128x128xf32, #tpu.memory_space<vmem>>, vector<1x16xf32>,
        %get3A_878 = vector.shape_cast %get3A_877 : vector<1x16xf32> to vector<16xf32>
        %mul3A_879 = arith.constant 8 : i32
        %mul3A_880 = arith.muli %add3A_96, %mul3A_879 : i32
        %add3A_881 = arith.constant 5 : i32
        %add3A_882 = arith.addi %mul3A_880, %add3A_881 : i32
        %swap3A_883 = arith.index_cast %add3A_882 : i32 to index
        %swap3A_884 = arith.constant 96 : index
        %swap3A_885 = tpu.vector_load %arg11[%swap3A_883, %swap3A_884] {strides = array<i32>} : memref<64x128xf32, #tpu.memory_space<vmem>>, vector<1x16xf32>,
        %swap3A_886 = vector.shape_cast %swap3A_885 : vector<1x16xf32> to vector<16xf32>
        %swap3A_887 = vector.shape_cast %get3A_878 : vector<16xf32> to vector<1x16xf32>
        tpu.vector_store %arg11[%swap3A_883, %swap3A_884], %swap3A_887 {strides = array<i32>} : memref<64x128xf32, #tpu.memory_space<vmem>>, vector<1x16xf32>,
        %add3A_888 = arith.constant 48 : i32
        %add3A_889 = arith.addi %multiple_of3A_838, %add3A_888 : i32
        %get3A_890 = arith.index_cast %add3A_842 : i32 to index
        %get3A_891 = arith.index_cast %add3A_889 : i32 to index
        %get3A_892 = tpu.vector_load %arg9[%get3A_890, %get3A_891] {strides = array<i32>} : memref<128x128xf32, #tpu.memory_space<vmem>>, vector<1x16xf32>,
        %get3A_893 = vector.shape_cast %get3A_892 : vector<1x16xf32> to vector<16xf32>
        %mul3A_894 = arith.constant 8 : i32
        %mul3A_895 = arith.muli %add3A_96, %mul3A_894 : i32
        %add3A_896 = arith.constant 5 : i32
        %add3A_897 = arith.addi %mul3A_895, %add3A_896 : i32
        %swap3A_898 = arith.index_cast %add3A_897 : i32 to index
        %swap3A_899 = arith.constant 112 : index
        %swap3A_900 = tpu.vector_load %arg11[%swap3A_898, %swap3A_899] {strides = array<i32>} : memref<64x128xf32, #tpu.memory_space<vmem>>, vector<1x16xf32>,
        %swap3A_901 = vector.shape_cast %swap3A_900 : vector<1x16xf32> to vector<16xf32>
        %swap3A_902 = vector.shape_cast %get3A_893 : vector<16xf32> to vector<1x16xf32>
        tpu.vector_store %arg11[%swap3A_898, %swap3A_899], %swap3A_902 {strides = array<i32>} : memref<64x128xf32, #tpu.memory_space<vmem>>, vector<1x16xf32>,
        %slice3A_903 = vector.extract_strided_slice %get3A_101 {offsets = [12], sizes = [1], strides = [1]} : vector<16xi32> to vector<1xi32>
        %squeeze3A_904 = vector.extract %slice3A_903[0] : i32 from vector<1xi32>
        %multiple_of3A_905 = tpu.assume_multiple %squeeze3A_904, 16 : i32
        %mul3A_906 = arith.constant 16 : i32
        %mul3A_907 = arith.muli %add3A_96, %mul3A_906 : i32
        %add3A_908 = arith.constant 12 : i32
        %add3A_909 = arith.addi %mul3A_907, %add3A_908 : i32
        %add3A_910 = arith.constant 0 : i32
        %add3A_911 = arith.addi %multiple_of3A_905, %add3A_910 : i32
        %get3A_912 = arith.index_cast %add3A_909 : i32 to index
        %get3A_913 = arith.index_cast %add3A_911 : i32 to index
        %get3A_914 = tpu.vector_load %arg9[%get3A_912, %get3A_913] {strides = array<i32>} : memref<128x128xf32, #tpu.memory_space<vmem>>, vector<1x16xf32>,
        %get3A_915 = vector.shape_cast %get3A_914 : vector<1x16xf32> to vector<16xf32>
        %mul3A_916 = arith.constant 8 : i32
        %mul3A_917 = arith.muli %add3A_96, %mul3A_916 : i32
        %add3A_918 = arith.constant 6 : i32
        %add3A_919 = arith.addi %mul3A_917, %add3A_918 : i32
        %swap3A_920 = arith.index_cast %add3A_919 : i32 to index
        %swap3A_921 = arith.constant 0 : index
        %swap3A_922 = tpu.vector_load %arg11[%swap3A_920, %swap3A_921] {strides = array<i32>} : memref<64x128xf32, #tpu.memory_space<vmem>>, vector<1x16xf32>,
        %swap3A_923 = vector.shape_cast %swap3A_922 : vector<1x16xf32> to vector<16xf32>
        %swap3A_924 = vector.shape_cast %get3A_915 : vector<16xf32> to vector<1x16xf32>
        tpu.vector_store %arg11[%swap3A_920, %swap3A_921], %swap3A_924 {strides = array<i32>} : memref<64x128xf32, #tpu.memory_space<vmem>>, vector<1x16xf32>,
        %add3A_925 = arith.constant 16 : i32
        %add3A_926 = arith.addi %multiple_of3A_905, %add3A_925 : i32
        %get3A_927 = arith.index_cast %add3A_909 : i32 to index
        %get3A_928 = arith.index_cast %add3A_926 : i32 to index
        %get3A_929 = tpu.vector_load %arg9[%get3A_927, %get3A_928] {strides = array<i32>} : memref<128x128xf32, #tpu.memory_space<vmem>>, vector<1x16xf32>,
        %get3A_930 = vector.shape_cast %get3A_929 : vector<1x16xf32> to vector<16xf32>
        %mul3A_931 = arith.constant 8 : i32
        %mul3A_932 = arith.muli %add3A_96, %mul3A_931 : i32
        %add3A_933 = arith.constant 6 : i32
        %add3A_934 = arith.addi %mul3A_932, %add3A_933 : i32
        %swap3A_935 = arith.index_cast %add3A_934 : i32 to index
        %swap3A_936 = arith.constant 16 : index
        %swap3A_937 = tpu.vector_load %arg11[%swap3A_935, %swap3A_936] {strides = array<i32>} : memref<64x128xf32, #tpu.memory_space<vmem>>, vector<1x16xf32>,
        %swap3A_938 = vector.shape_cast %swap3A_937 : vector<1x16xf32> to vector<16xf32>
        %swap3A_939 = vector.shape_cast %get3A_930 : vector<16xf32> to vector<1x16xf32>
        tpu.vector_store %arg11[%swap3A_935, %swap3A_936], %swap3A_939 {strides = array<i32>} : memref<64x128xf32, #tpu.memory_space<vmem>>, vector<1x16xf32>,
        %add3A_940 = arith.constant 32 : i32
        %add3A_941 = arith.addi %multiple_of3A_905, %add3A_940 : i32
        %get3A_942 = arith.index_cast %add3A_909 : i32 to index
        %get3A_943 = arith.index_cast %add3A_941 : i32 to index
        %get3A_944 = tpu.vector_load %arg9[%get3A_942, %get3A_943] {strides = array<i32>} : memref<128x128xf32, #tpu.memory_space<vmem>>, vector<1x16xf32>,
        %get3A_945 = vector.shape_cast %get3A_944 : vector<1x16xf32> to vector<16xf32>
        %mul3A_946 = arith.constant 8 : i32
        %mul3A_947 = arith.muli %add3A_96, %mul3A_946 : i32
        %add3A_948 = arith.constant 6 : i32
        %add3A_949 = arith.addi %mul3A_947, %add3A_948 : i32
        %swap3A_950 = arith.index_cast %add3A_949 : i32 to index
        %swap3A_951 = arith.constant 32 : index
        %swap3A_952 = tpu.vector_load %arg11[%swap3A_950, %swap3A_951] {strides = array<i32>} : memref<64x128xf32, #tpu.memory_space<vmem>>, vector<1x16xf32>,
        %swap3A_953 = vector.shape_cast %swap3A_952 : vector<1x16xf32> to vector<16xf32>
        %swap3A_954 = vector.shape_cast %get3A_945 : vector<16xf32> to vector<1x16xf32>
        tpu.vector_store %arg11[%swap3A_950, %swap3A_951], %swap3A_954 {strides = array<i32>} : memref<64x128xf32, #tpu.memory_space<vmem>>, vector<1x16xf32>,
        %add3A_955 = arith.constant 48 : i32
        %add3A_956 = arith.addi %multiple_of3A_905, %add3A_955 : i32
        %get3A_957 = arith.index_cast %add3A_909 : i32 to index
        %get3A_958 = arith.index_cast %add3A_956 : i32 to index
        %get3A_959 = tpu.vector_load %arg9[%get3A_957, %get3A_958] {strides = array<i32>} : memref<128x128xf32, #tpu.memory_space<vmem>>, vector<1x16xf32>,
        %get3A_960 = vector.shape_cast %get3A_959 : vector<1x16xf32> to vector<16xf32>
        %mul3A_961 = arith.constant 8 : i32
        %mul3A_962 = arith.muli %add3A_96, %mul3A_961 : i32
        %add3A_963 = arith.constant 6 : i32
        %add3A_964 = arith.addi %mul3A_962, %add3A_963 : i32
        %swap3A_965 = arith.index_cast %add3A_964 : i32 to index
        %swap3A_966 = arith.constant 48 : index
        %swap3A_967 = tpu.vector_load %arg11[%swap3A_965, %swap3A_966] {strides = array<i32>} : memref<64x128xf32, #tpu.memory_space<vmem>>, vector<1x16xf32>,
        %swap3A_968 = vector.shape_cast %swap3A_967 : vector<1x16xf32> to vector<16xf32>
        %swap3A_969 = vector.shape_cast %get3A_960 : vector<16xf32> to vector<1x16xf32>
        tpu.vector_store %arg11[%swap3A_965, %swap3A_966], %swap3A_969 {strides = array<i32>} : memref<64x128xf32, #tpu.memory_space<vmem>>, vector<1x16xf32>,
        %slice3A_970 = vector.extract_strided_slice %get3A_101 {offsets = [13], sizes = [1], strides = [1]} : vector<16xi32> to vector<1xi32>
        %squeeze3A_971 = vector.extract %slice3A_970[0] : i32 from vector<1xi32>
        %multiple_of3A_972 = tpu.assume_multiple %squeeze3A_971, 16 : i32
        %mul3A_973 = arith.constant 16 : i32
        %mul3A_974 = arith.muli %add3A_96, %mul3A_973 : i32
        %add3A_975 = arith.constant 13 : i32
        %add3A_976 = arith.addi %mul3A_974, %add3A_975 : i32
        %add3A_977 = arith.constant 0 : i32
        %add3A_978 = arith.addi %multiple_of3A_972, %add3A_977 : i32
        %get3A_979 = arith.index_cast %add3A_976 : i32 to index
        %get3A_980 = arith.index_cast %add3A_978 : i32 to index
        %get3A_981 = tpu.vector_load %arg9[%get3A_979, %get3A_980] {strides = array<i32>} : memref<128x128xf32, #tpu.memory_space<vmem>>, vector<1x16xf32>,
        %get3A_982 = vector.shape_cast %get3A_981 : vector<1x16xf32> to vector<16xf32>
        %mul3A_983 = arith.constant 8 : i32
        %mul3A_984 = arith.muli %add3A_96, %mul3A_983 : i32
        %add3A_985 = arith.constant 6 : i32
        %add3A_986 = arith.addi %mul3A_984, %add3A_985 : i32
        %swap3A_987 = arith.index_cast %add3A_986 : i32 to index
        %swap3A_988 = arith.constant 64 : index
        %swap3A_989 = tpu.vector_load %arg11[%swap3A_987, %swap3A_988] {strides = array<i32>} : memref<64x128xf32, #tpu.memory_space<vmem>>, vector<1x16xf32>,
        %swap3A_990 = vector.shape_cast %swap3A_989 : vector<1x16xf32> to vector<16xf32>
        %swap3A_991 = vector.shape_cast %get3A_982 : vector<16xf32> to vector<1x16xf32>
        tpu.vector_store %arg11[%swap3A_987, %swap3A_988], %swap3A_991 {strides = array<i32>} : memref<64x128xf32, #tpu.memory_space<vmem>>, vector<1x16xf32>,
        %add3A_992 = arith.constant 16 : i32
        %add3A_993 = arith.addi %multiple_of3A_972, %add3A_992 : i32
        %get3A_994 = arith.index_cast %add3A_976 : i32 to index
        %get3A_995 = arith.index_cast %add3A_993 : i32 to index
        %get3A_996 = tpu.vector_load %arg9[%get3A_994, %get3A_995] {strides = array<i32>} : memref<128x128xf32, #tpu.memory_space<vmem>>, vector<1x16xf32>,
        %get3A_997 = vector.shape_cast %get3A_996 : vector<1x16xf32> to vector<16xf32>
        %mul3A_998 = arith.constant 8 : i32
        %mul3A_999 = arith.muli %add3A_96, %mul3A_998 : i32
        %add3A_1000 = arith.constant 6 : i32
        %add3A_1001 = arith.addi %mul3A_999, %add3A_1000 : i32
        %swap3A_1002 = arith.index_cast %add3A_1001 : i32 to index
        %swap3A_1003 = arith.constant 80 : index
        %swap3A_1004 = tpu.vector_load %arg11[%swap3A_1002, %swap3A_1003] {strides = array<i32>} : memref<64x128xf32, #tpu.memory_space<vmem>>, vector<1x16xf32>,
        %swap3A_1005 = vector.shape_cast %swap3A_1004 : vector<1x16xf32> to vector<16xf32>
        %swap3A_1006 = vector.shape_cast %get3A_997 : vector<16xf32> to vector<1x16xf32>
        tpu.vector_store %arg11[%swap3A_1002, %swap3A_1003], %swap3A_1006 {strides = array<i32>} : memref<64x128xf32, #tpu.memory_space<vmem>>, vector<1x16xf32>,
        %add3A_1007 = arith.constant 32 : i32
        %add3A_1008 = arith.addi %multiple_of3A_972, %add3A_1007 : i32
        %get3A_1009 = arith.index_cast %add3A_976 : i32 to index
        %get3A_1010 = arith.index_cast %add3A_1008 : i32 to index
        %get3A_1011 = tpu.vector_load %arg9[%get3A_1009, %get3A_1010] {strides = array<i32>} : memref<128x128xf32, #tpu.memory_space<vmem>>, vector<1x16xf32>,
        %get3A_1012 = vector.shape_cast %get3A_1011 : vector<1x16xf32> to vector<16xf32>
        %mul3A_1013 = arith.constant 8 : i32
        %mul3A_1014 = arith.muli %add3A_96, %mul3A_1013 : i32
        %add3A_1015 = arith.constant 6 : i32
        %add3A_1016 = arith.addi %mul3A_1014, %add3A_1015 : i32
        %swap3A_1017 = arith.index_cast %add3A_1016 : i32 to index
        %swap3A_1018 = arith.constant 96 : index
        %swap3A_1019 = tpu.vector_load %arg11[%swap3A_1017, %swap3A_1018] {strides = array<i32>} : memref<64x128xf32, #tpu.memory_space<vmem>>, vector<1x16xf32>,
        %swap3A_1020 = vector.shape_cast %swap3A_1019 : vector<1x16xf32> to vector<16xf32>
        %swap3A_1021 = vector.shape_cast %get3A_1012 : vector<16xf32> to vector<1x16xf32>
        tpu.vector_store %arg11[%swap3A_1017, %swap3A_1018], %swap3A_1021 {strides = array<i32>} : memref<64x128xf32, #tpu.memory_space<vmem>>, vector<1x16xf32>,
        %add3A_1022 = arith.constant 48 : i32
        %add3A_1023 = arith.addi %multiple_of3A_972, %add3A_1022 : i32
        %get3A_1024 = arith.index_cast %add3A_976 : i32 to index
        %get3A_1025 = arith.index_cast %add3A_1023 : i32 to index
        %get3A_1026 = tpu.vector_load %arg9[%get3A_1024, %get3A_1025] {strides = array<i32>} : memref<128x128xf32, #tpu.memory_space<vmem>>, vector<1x16xf32>,
        %get3A_1027 = vector.shape_cast %get3A_1026 : vector<1x16xf32> to vector<16xf32>
        %mul3A_1028 = arith.constant 8 : i32
        %mul3A_1029 = arith.muli %add3A_96, %mul3A_1028 : i32
        %add3A_1030 = arith.constant 6 : i32
        %add3A_1031 = arith.addi %mul3A_1029, %add3A_1030 : i32
        %swap3A_1032 = arith.index_cast %add3A_1031 : i32 to index
        %swap3A_1033 = arith.constant 112 : index
        %swap3A_1034 = tpu.vector_load %arg11[%swap3A_1032, %swap3A_1033] {strides = array<i32>} : memref<64x128xf32, #tpu.memory_space<vmem>>, vector<1x16xf32>,
        %swap3A_1035 = vector.shape_cast %swap3A_1034 : vector<1x16xf32> to vector<16xf32>
        %swap3A_1036 = vector.shape_cast %get3A_1027 : vector<16xf32> to vector<1x16xf32>
        tpu.vector_store %arg11[%swap3A_1032, %swap3A_1033], %swap3A_1036 {strides = array<i32>} : memref<64x128xf32, #tpu.memory_space<vmem>>, vector<1x16xf32>,
        %slice3A_1037 = vector.extract_strided_slice %get3A_101 {offsets = [14], sizes = [1], strides = [1]} : vector<16xi32> to vector<1xi32>
        %squeeze3A_1038 = vector.extract %slice3A_1037[0] : i32 from vector<1xi32>
        %multiple_of3A_1039 = tpu.assume_multiple %squeeze3A_1038, 16 : i32
        %mul3A_1040 = arith.constant 16 : i32
        %mul3A_1041 = arith.muli %add3A_96, %mul3A_1040 : i32
        %add3A_1042 = arith.constant 14 : i32
        %add3A_1043 = arith.addi %mul3A_1041, %add3A_1042 : i32
        %add3A_1044 = arith.constant 0 : i32
        %add3A_1045 = arith.addi %multiple_of3A_1039, %add3A_1044 : i32
        %get3A_1046 = arith.index_cast %add3A_1043 : i32 to index
        %get3A_1047 = arith.index_cast %add3A_1045 : i32 to index
        %get3A_1048 = tpu.vector_load %arg9[%get3A_1046, %get3A_1047] {strides = array<i32>} : memref<128x128xf32, #tpu.memory_space<vmem>>, vector<1x16xf32>,
        %get3A_1049 = vector.shape_cast %get3A_1048 : vector<1x16xf32> to vector<16xf32>
        %mul3A_1050 = arith.constant 8 : i32
        %mul3A_1051 = arith.muli %add3A_96, %mul3A_1050 : i32
        %add3A_1052 = arith.constant 7 : i32
        %add3A_1053 = arith.addi %mul3A_1051, %add3A_1052 : i32
        %swap3A_1054 = arith.index_cast %add3A_1053 : i32 to index
        %swap3A_1055 = arith.constant 0 : index
        %swap3A_1056 = tpu.vector_load %arg11[%swap3A_1054, %swap3A_1055] {strides = array<i32>} : memref<64x128xf32, #tpu.memory_space<vmem>>, vector<1x16xf32>,
        %swap3A_1057 = vector.shape_cast %swap3A_1056 : vector<1x16xf32> to vector<16xf32>
        %swap3A_1058 = vector.shape_cast %get3A_1049 : vector<16xf32> to vector<1x16xf32>
        tpu.vector_store %arg11[%swap3A_1054, %swap3A_1055], %swap3A_1058 {strides = array<i32>} : memref<64x128xf32, #tpu.memory_space<vmem>>, vector<1x16xf32>,
        %add3A_1059 = arith.constant 16 : i32
        %add3A_1060 = arith.addi %multiple_of3A_1039, %add3A_1059 : i32
        %get3A_1061 = arith.index_cast %add3A_1043 : i32 to index
        %get3A_1062 = arith.index_cast %add3A_1060 : i32 to index
        %get3A_1063 = tpu.vector_load %arg9[%get3A_1061, %get3A_1062] {strides = array<i32>} : memref<128x128xf32, #tpu.memory_space<vmem>>, vector<1x16xf32>,
        %get3A_1064 = vector.shape_cast %get3A_1063 : vector<1x16xf32> to vector<16xf32>
        %mul3A_1065 = arith.constant 8 : i32
        %mul3A_1066 = arith.muli %add3A_96, %mul3A_1065 : i32
        %add3A_1067 = arith.constant 7 : i32
        %add3A_1068 = arith.addi %mul3A_1066, %add3A_1067 : i32
        %swap3A_1069 = arith.index_cast %add3A_1068 : i32 to index
        %swap3A_1070 = arith.constant 16 : index
        %swap3A_1071 = tpu.vector_load %arg11[%swap3A_1069, %swap3A_1070] {strides = array<i32>} : memref<64x128xf32, #tpu.memory_space<vmem>>, vector<1x16xf32>,
        %swap3A_1072 = vector.shape_cast %swap3A_1071 : vector<1x16xf32> to vector<16xf32>
        %swap3A_1073 = vector.shape_cast %get3A_1064 : vector<16xf32> to vector<1x16xf32>
        tpu.vector_store %arg11[%swap3A_1069, %swap3A_1070], %swap3A_1073 {strides = array<i32>} : memref<64x128xf32, #tpu.memory_space<vmem>>, vector<1x16xf32>,
        %add3A_1074 = arith.constant 32 : i32
        %add3A_1075 = arith.addi %multiple_of3A_1039, %add3A_1074 : i32
        %get3A_1076 = arith.index_cast %add3A_1043 : i32 to index
        %get3A_1077 = arith.index_cast %add3A_1075 : i32 to index
        %get3A_1078 = tpu.vector_load %arg9[%get3A_1076, %get3A_1077] {strides = array<i32>} : memref<128x128xf32, #tpu.memory_space<vmem>>, vector<1x16xf32>,
        %get3A_1079 = vector.shape_cast %get3A_1078 : vector<1x16xf32> to vector<16xf32>
        %mul3A_1080 = arith.constant 8 : i32
        %mul3A_1081 = arith.muli %add3A_96, %mul3A_1080 : i32
        %add3A_1082 = arith.constant 7 : i32
        %add3A_1083 = arith.addi %mul3A_1081, %add3A_1082 : i32
        %swap3A_1084 = arith.index_cast %add3A_1083 : i32 to index
        %swap3A_1085 = arith.constant 32 : index
        %swap3A_1086 = tpu.vector_load %arg11[%swap3A_1084, %swap3A_1085] {strides = array<i32>} : memref<64x128xf32, #tpu.memory_space<vmem>>, vector<1x16xf32>,
        %swap3A_1087 = vector.shape_cast %swap3A_1086 : vector<1x16xf32> to vector<16xf32>
        %swap3A_1088 = vector.shape_cast %get3A_1079 : vector<16xf32> to vector<1x16xf32>
        tpu.vector_store %arg11[%swap3A_1084, %swap3A_1085], %swap3A_1088 {strides = array<i32>} : memref<64x128xf32, #tpu.memory_space<vmem>>, vector<1x16xf32>,
        %add3A_1089 = arith.constant 48 : i32
        %add3A_1090 = arith.addi %multiple_of3A_1039, %add3A_1089 : i32
        %get3A_1091 = arith.index_cast %add3A_1043 : i32 to index
        %get3A_1092 = arith.index_cast %add3A_1090 : i32 to index
        %get3A_1093 = tpu.vector_load %arg9[%get3A_1091, %get3A_1092] {strides = array<i32>} : memref<128x128xf32, #tpu.memory_space<vmem>>, vector<1x16xf32>,
        %get3A_1094 = vector.shape_cast %get3A_1093 : vector<1x16xf32> to vector<16xf32>
        %mul3A_1095 = arith.constant 8 : i32
        %mul3A_1096 = arith.muli %add3A_96, %mul3A_1095 : i32
        %add3A_1097 = arith.constant 7 : i32
        %add3A_1098 = arith.addi %mul3A_1096, %add3A_1097 : i32
        %swap3A_1099 = arith.index_cast %add3A_1098 : i32 to index
        %swap3A_1100 = arith.constant 48 : index
        %swap3A_1101 = tpu.vector_load %arg11[%swap3A_1099, %swap3A_1100] {strides = array<i32>} : memref<64x128xf32, #tpu.memory_space<vmem>>, vector<1x16xf32>,
        %swap3A_1102 = vector.shape_cast %swap3A_1101 : vector<1x16xf32> to vector<16xf32>
        %swap3A_1103 = vector.shape_cast %get3A_1094 : vector<16xf32> to vector<1x16xf32>
        tpu.vector_store %arg11[%swap3A_1099, %swap3A_1100], %swap3A_1103 {strides = array<i32>} : memref<64x128xf32, #tpu.memory_space<vmem>>, vector<1x16xf32>,
        %slice3A_1104 = vector.extract_strided_slice %get3A_101 {offsets = [15], sizes = [1], strides = [1]} : vector<16xi32> to vector<1xi32>
        %squeeze3A_1105 = vector.extract %slice3A_1104[0] : i32 from vector<1xi32>
        %multiple_of3A_1106 = tpu.assume_multiple %squeeze3A_1105, 16 : i32
        %mul3A_1107 = arith.constant 16 : i32
        %mul3A_1108 = arith.muli %add3A_96, %mul3A_1107 : i32
        %add3A_1109 = arith.constant 15 : i32
        %add3A_1110 = arith.addi %mul3A_1108, %add3A_1109 : i32
        %add3A_1111 = arith.constant 0 : i32
        %add3A_1112 = arith.addi %multiple_of3A_1106, %add3A_1111 : i32
        %get3A_1113 = arith.index_cast %add3A_1110 : i32 to index
        %get3A_1114 = arith.index_cast %add3A_1112 : i32 to index
        %get3A_1115 = tpu.vector_load %arg9[%get3A_1113, %get3A_1114] {strides = array<i32>} : memref<128x128xf32, #tpu.memory_space<vmem>>, vector<1x16xf32>,
        %get3A_1116 = vector.shape_cast %get3A_1115 : vector<1x16xf32> to vector<16xf32>
        %mul3A_1117 = arith.constant 8 : i32
        %mul3A_1118 = arith.muli %add3A_96, %mul3A_1117 : i32
        %add3A_1119 = arith.constant 7 : i32
        %add3A_1120 = arith.addi %mul3A_1118, %add3A_1119 : i32
        %swap3A_1121 = arith.index_cast %add3A_1120 : i32 to index
        %swap3A_1122 = arith.constant 64 : index
        %swap3A_1123 = tpu.vector_load %arg11[%swap3A_1121, %swap3A_1122] {strides = array<i32>} : memref<64x128xf32, #tpu.memory_space<vmem>>, vector<1x16xf32>,
        %swap3A_1124 = vector.shape_cast %swap3A_1123 : vector<1x16xf32> to vector<16xf32>
        %swap3A_1125 = vector.shape_cast %get3A_1116 : vector<16xf32> to vector<1x16xf32>
        tpu.vector_store %arg11[%swap3A_1121, %swap3A_1122], %swap3A_1125 {strides = array<i32>} : memref<64x128xf32, #tpu.memory_space<vmem>>, vector<1x16xf32>,
        %add3A_1126 = arith.constant 16 : i32
        %add3A_1127 = arith.addi %multiple_of3A_1106, %add3A_1126 : i32
        %get3A_1128 = arith.index_cast %add3A_1110 : i32 to index
        %get3A_1129 = arith.index_cast %add3A_1127 : i32 to index
        %get3A_1130 = tpu.vector_load %arg9[%get3A_1128, %get3A_1129] {strides = array<i32>} : memref<128x128xf32, #tpu.memory_space<vmem>>, vector<1x16xf32>,
        %get3A_1131 = vector.shape_cast %get3A_1130 : vector<1x16xf32> to vector<16xf32>
        %mul3A_1132 = arith.constant 8 : i32
        %mul3A_1133 = arith.muli %add3A_96, %mul3A_1132 : i32
        %add3A_1134 = arith.constant 7 : i32
        %add3A_1135 = arith.addi %mul3A_1133, %add3A_1134 : i32
        %swap3A_1136 = arith.index_cast %add3A_1135 : i32 to index
        %swap3A_1137 = arith.constant 80 : index
        %swap3A_1138 = tpu.vector_load %arg11[%swap3A_1136, %swap3A_1137] {strides = array<i32>} : memref<64x128xf32, #tpu.memory_space<vmem>>, vector<1x16xf32>,
        %swap3A_1139 = vector.shape_cast %swap3A_1138 : vector<1x16xf32> to vector<16xf32>
        %swap3A_1140 = vector.shape_cast %get3A_1131 : vector<16xf32> to vector<1x16xf32>
        tpu.vector_store %arg11[%swap3A_1136, %swap3A_1137], %swap3A_1140 {strides = array<i32>} : memref<64x128xf32, #tpu.memory_space<vmem>>, vector<1x16xf32>,
        %add3A_1141 = arith.constant 32 : i32
        %add3A_1142 = arith.addi %multiple_of3A_1106, %add3A_1141 : i32
        %get3A_1143 = arith.index_cast %add3A_1110 : i32 to index
        %get3A_1144 = arith.index_cast %add3A_1142 : i32 to index
        %get3A_1145 = tpu.vector_load %arg9[%get3A_1143, %get3A_1144] {strides = array<i32>} : memref<128x128xf32, #tpu.memory_space<vmem>>, vector<1x16xf32>,
        %get3A_1146 = vector.shape_cast %get3A_1145 : vector<1x16xf32> to vector<16xf32>
        %mul3A_1147 = arith.constant 8 : i32
        %mul3A_1148 = arith.muli %add3A_96, %mul3A_1147 : i32
        %add3A_1149 = arith.constant 7 : i32
        %add3A_1150 = arith.addi %mul3A_1148, %add3A_1149 : i32
        %swap3A_1151 = arith.index_cast %add3A_1150 : i32 to index
        %swap3A_1152 = arith.constant 96 : index
        %swap3A_1153 = tpu.vector_load %arg11[%swap3A_1151, %swap3A_1152] {strides = array<i32>} : memref<64x128xf32, #tpu.memory_space<vmem>>, vector<1x16xf32>,
        %swap3A_1154 = vector.shape_cast %swap3A_1153 : vector<1x16xf32> to vector<16xf32>
        %swap3A_1155 = vector.shape_cast %get3A_1146 : vector<16xf32> to vector<1x16xf32>
        tpu.vector_store %arg11[%swap3A_1151, %swap3A_1152], %swap3A_1155 {strides = array<i32>} : memref<64x128xf32, #tpu.memory_space<vmem>>, vector<1x16xf32>,
        %add3A_1156 = arith.constant 48 : i32
        %add3A_1157 = arith.addi %multiple_of3A_1106, %add3A_1156 : i32
        %get3A_1158 = arith.index_cast %add3A_1110 : i32 to index
        %get3A_1159 = arith.index_cast %add3A_1157 : i32 to index
        %get3A_1160 = tpu.vector_load %arg9[%get3A_1158, %get3A_1159] {strides = array<i32>} : memref<128x128xf32, #tpu.memory_space<vmem>>, vector<1x16xf32>,
        %get3A_1161 = vector.shape_cast %get3A_1160 : vector<1x16xf32> to vector<16xf32>
        %mul3A_1162 = arith.constant 8 : i32
        %mul3A_1163 = arith.muli %add3A_96, %mul3A_1162 : i32
        %add3A_1164 = arith.constant 7 : i32
        %add3A_1165 = arith.addi %mul3A_1163, %add3A_1164 : i32
        %swap3A_1166 = arith.index_cast %add3A_1165 : i32 to index
        %swap3A_1167 = arith.constant 112 : index
        %swap3A_1168 = tpu.vector_load %arg11[%swap3A_1166, %swap3A_1167] {strides = array<i32>} : memref<64x128xf32, #tpu.memory_space<vmem>>, vector<1x16xf32>,
        %swap3A_1169 = vector.shape_cast %swap3A_1168 : vector<1x16xf32> to vector<16xf32>
        %swap3A_1170 = vector.shape_cast %get3A_1161 : vector<16xf32> to vector<1x16xf32>
        tpu.vector_store %arg11[%swap3A_1166, %swap3A_1167], %swap3A_1170 {strides = array<i32>} : memref<64x128xf32, #tpu.memory_space<vmem>>, vector<1x16xf32>,
      }
      %scan3A_83 = arith.constant 8 : i32
      %mul3A_84 = arith.constant 64 : i32
      %mul3A_85 = arith.muli %add3A_60, %mul3A_84 : i32
      %add3A_86 = arith.addi %mul3A_2, %mul3A_85 : i32
      %multiple_of3A_87 = tpu.assume_multiple %add3A_86, 8 : i32
      %dma_start3A_88 = arith.constant 0 : i32
      %dma_start3A_89 = tpu.memref_slice %arg5[%multiple_of3A_87, %dma_start3A_88] : memref<212992x128xf32, #tpu.memory_space<hbm>> -> memref<64x128xf32, #tpu.memory_space<hbm>>
      %dma_start3A_90 = arith.constant 0 : i32
      %dma_start3A_91 = tpu.memref_slice %arg5[%multiple_of3A_87, %dma_start3A_90] : memref<212992x128xf32, #tpu.memory_space<hbm>> -> memref<64x128xf32, #tpu.memory_space<hbm>>
      tpu.enqueue_dma source(%arg11 : memref<64x128xf32, #tpu.memory_space<vmem>>) target(%dma_start3A_91 : memref<64x128xf32, #tpu.memory_space<hbm>>) target_semaphore(%arg15 : memref<!tpu.dma_semaphore, #tpu.memory_space<semaphore_mem>>)
    }
    %scan3A_12 = arith.constant 52 : i32
    %add3A_13 = arith.constant 6528 : i32
    %add3A_14 = arith.addi %mul3A_2, %add3A_13 : i32
    %multiple_of3A = tpu.assume_multiple %add3A_14, 8 : i32
    %dma_wait3A = arith.constant 0 : i32
    %dma_wait3A_15 = tpu.memref_slice %arg5[%multiple_of3A, %dma_wait3A] : memref<212992x128xf32, #tpu.memory_space<hbm>> -> memref<64x128xf32, #tpu.memory_space<hbm>>
    %dma_wait3A_16 = arith.constant 0 : i32
    %dma_wait3A_17 = tpu.memref_slice %arg5[%multiple_of3A, %dma_wait3A_16] : memref<212992x128xf32, #tpu.memory_space<hbm>> -> memref<64x128xf32, #tpu.memory_space<hbm>>
    tpu.wait_dma2 semaphore(%arg14 : memref<!tpu.dma_semaphore, #tpu.memory_space<semaphore_mem>>) src(%arg10 : memref<64x128xf32, #tpu.memory_space<vmem>>) dst(%dma_wait3A_17 : memref<64x128xf32, #tpu.memory_space<hbm>>)
    %add3A_18 = arith.constant 6592 : i32
    %add3A_19 = arith.addi %mul3A_2, %add3A_18 : i32
    %multiple_of3A_20 = tpu.assume_multiple %add3A_19, 8 : i32
    %dma_wait3A_21 = arith.constant 0 : i32
    %dma_wait3A_22 = tpu.memref_slice %arg5[%multiple_of3A_20, %dma_wait3A_21] : memref<212992x128xf32, #tpu.memory_space<hbm>> -> memref<64x128xf32, #tpu.memory_space<hbm>>
    %dma_wait3A_23 = arith.constant 0 : i32
    %dma_wait3A_24 = tpu.memref_slice %arg5[%multiple_of3A_20, %dma_wait3A_23] : memref<212992x128xf32, #tpu.memory_space<hbm>> -> memref<64x128xf32, #tpu.memory_space<hbm>>
    tpu.wait_dma2 semaphore(%arg15 : memref<!tpu.dma_semaphore, #tpu.memory_space<semaphore_mem>>) src(%arg11 : memref<64x128xf32, #tpu.memory_space<vmem>>) dst(%dma_wait3A_24 : memref<64x128xf32, #tpu.memory_space<hbm>>)
    return
  }
}

module attributes {stable_mosaic.version = 14 : i64} {
  func.func @_repack_body(%arg0: i32, %arg1: i32, %arg2: memref<1x50x12800xf32, #tpu.memory_space<vmem>>, %arg3: memref<6400x128xf32, #tpu.memory_space<vmem>>) attributes {dimension_semantics = [#tpu.dimension_semantics<arbitrary>, #tpu.dimension_semantics<arbitrary>], iteration_bounds = array<i64: 26, 8>, scalar_prefetch = 0 : i64, scratch_operands = 0 : i64, tpu.core_type = #tpu.core_type<tc>, window_params = [{transform_indices = @transform_0, window_bounds = array<i64: 1, 50, 12800>}, {transform_indices = @transform_1, window_bounds = array<i64: 6400, 128>}]} {
    %get3A = arith.constant 0 : index
    %get3A_0 = arith.constant 0 : index
    %get3A_1 = arith.constant 0 : index
    %get3A_2 = vector.load %arg2[%get3A, %get3A_0, %get3A_1] : memref<1x50x12800xf32, #tpu.memory_space<vmem>>, vector<1x50x12800xf32>
    %get3A_3 = vector.shape_cast %get3A_2 : vector<1x50x12800xf32> to vector<50x12800xf32>
    %transpose3A = tpu.transpose %get3A_3, [1, 0] : vector<50x12800xf32> -> vector<12800x50xf32>
    %slice3A = vector.extract_strided_slice %transpose3A {offsets = [0, 0], sizes = [6400, 50], strides = [1, 1]} : vector<12800x50xf32> to vector<6400x50xf32>
    %swap3A = arith.constant 0 : index
    %swap3A_4 = arith.constant 0 : index
    %swap3A_5 = vector.load %arg3[%swap3A, %swap3A_4] : memref<6400x128xf32, #tpu.memory_space<vmem>>, vector<6400x50xf32>
    tpu.vector_store %arg3[%swap3A, %swap3A_4], %slice3A {strides = array<i32>} : memref<6400x128xf32, #tpu.memory_space<vmem>>, vector<6400x50xf32>,
    %broadcast_in_dim3A = arith.constant 0.000000e+00 : f32
    %broadcast_in_dim3A_6 = vector.broadcast %broadcast_in_dim3A : f32 to vector<6400x14xf32>
    %swap3A_7 = arith.constant 0 : index
    %swap3A_8 = arith.constant 50 : index
    %swap3A_9 = vector.load %arg3[%swap3A_7, %swap3A_8] : memref<6400x128xf32, #tpu.memory_space<vmem>>, vector<6400x14xf32>
    tpu.vector_store %arg3[%swap3A_7, %swap3A_8], %broadcast_in_dim3A_6 {strides = array<i32>} : memref<6400x128xf32, #tpu.memory_space<vmem>>, vector<6400x14xf32>,
    %slice3A_10 = vector.extract_strided_slice %transpose3A {offsets = [6400, 0], sizes = [6400, 50], strides = [1, 1]} : vector<12800x50xf32> to vector<6400x50xf32>
    %swap3A_11 = arith.constant 0 : index
    %swap3A_12 = arith.constant 64 : index
    %swap3A_13 = vector.load %arg3[%swap3A_11, %swap3A_12] : memref<6400x128xf32, #tpu.memory_space<vmem>>, vector<6400x50xf32>
    tpu.vector_store %arg3[%swap3A_11, %swap3A_12], %slice3A_10 {strides = array<i32>} : memref<6400x128xf32, #tpu.memory_space<vmem>>, vector<6400x50xf32>,
    %broadcast_in_dim3A_14 = arith.constant 0.000000e+00 : f32
    %broadcast_in_dim3A_15 = vector.broadcast %broadcast_in_dim3A_14 : f32 to vector<6400x14xf32>
    %swap3A_16 = arith.constant 0 : index
    %swap3A_17 = arith.constant 114 : index
    %swap3A_18 = vector.load %arg3[%swap3A_16, %swap3A_17] : memref<6400x128xf32, #tpu.memory_space<vmem>>, vector<6400x14xf32>
    tpu.vector_store %arg3[%swap3A_16, %swap3A_17], %broadcast_in_dim3A_15 {strides = array<i32>} : memref<6400x128xf32, #tpu.memory_space<vmem>>, vector<6400x14xf32>,
    return
  }
  func.func @transform_0(%arg0: i32, %arg1: i32) -> (i32, i32, i32) {
    %c0_i32 = arith.constant 0 : i32
    %c0_i32_0 = arith.constant 0 : i32
    return %arg0, %c0_i32, %arg1 : i32, i32, i32
  }
  func.func @transform_1(%arg0: i32, %arg1: i32) -> (i32, i32) {
    %mul3A = arith.constant 8 : i32
    %mul3A_0 = arith.muli %arg0, %mul3A : i32
    %add3A = arith.addi %mul3A_0, %arg1 : i32
    %c0_i32 = arith.constant 0 : i32
    %c0_i32_1 = arith.constant 0 : i32
    return %add3A, %c0_i32 : i32, i32
  }
}

module attributes {stable_mosaic.version = 14 : i64} {
  func.func @_mlp_body(%arg0: i32, %arg1: memref<1024x1664xf32, #tpu.memory_space<vmem>>, %arg2: memref<1024x13xf32, #tpu.memory_space<vmem>>, %arg3: memref<130x13xf32, #tpu.memory_space<vmem>>, %arg4: memref<1x130xf32, #tpu.memory_space<vmem>>, %arg5: memref<715x1664xf32, #tpu.memory_space<vmem>>, %arg6: memref<715x130xf32, #tpu.memory_space<vmem>>, %arg7: memref<1x715xf32, #tpu.memory_space<vmem>>, %arg8: memref<3x715xf32, #tpu.memory_space<vmem>>, %arg9: memref<1x3xf32, #tpu.memory_space<vmem>>, %arg10: memref<1024x3xf32, #tpu.memory_space<vmem>>) attributes {dimension_semantics = [#tpu.dimension_semantics<arbitrary>], iteration_bounds = array<i64: 16>, scalar_prefetch = 0 : i64, scratch_operands = 0 : i64, tpu.core_type = #tpu.core_type<tc>, window_params = [{transform_indices = @transform_0, window_bounds = array<i64: 1024, 1664>}, {transform_indices = @transform_1, window_bounds = array<i64: 1024, 13>}, {pipeline_mode = #tpu.pipeline_mode<synchronous>, transform_indices = @transform_2, window_bounds = array<i64: 130, 13>}, {pipeline_mode = #tpu.pipeline_mode<synchronous>, transform_indices = @transform_3, window_bounds = array<i64: 1, 130>}, {pipeline_mode = #tpu.pipeline_mode<synchronous>, transform_indices = @transform_4, window_bounds = array<i64: 715, 1664>}, {pipeline_mode = #tpu.pipeline_mode<synchronous>, transform_indices = @transform_5, window_bounds = array<i64: 715, 130>}, {pipeline_mode = #tpu.pipeline_mode<synchronous>, transform_indices = @transform_6, window_bounds = array<i64: 1, 715>}, {pipeline_mode = #tpu.pipeline_mode<synchronous>, transform_indices = @transform_7, window_bounds = array<i64: 3, 715>}, {pipeline_mode = #tpu.pipeline_mode<synchronous>, transform_indices = @transform_8, window_bounds = array<i64: 1, 3>}, {transform_indices = @transform_9, window_bounds = array<i64: 1024, 3>}]} {
    %get3A = arith.constant 0 : index
    %get3A_0 = arith.constant 0 : index
    %get3A_1 = vector.load %arg2[%get3A, %get3A_0] : memref<1024x13xf32, #tpu.memory_space<vmem>>, vector<1024x13xf32>
    %get3A_2 = arith.constant 0 : index
    %get3A_3 = arith.constant 0 : index
    %get3A_4 = vector.load %arg3[%get3A_2, %get3A_3] : memref<130x13xf32, #tpu.memory_space<vmem>>, vector<130x13xf32>
    %dot_general3A = arith.constant dense<0.000000e+00> : vector<1024x130xf32>
    %dot_general3A_5 = tpu.matmul %get3A_1, %get3A_4, %dot_general3A {dimension_numbers = #tpu.dot_dimension_numbers<[1], [1], [0], [0], [0, 0, 1, 0], [], []>, transpose_lhs_hint = false} : vector<1024x13xf32>, vector<130x13xf32>, vector<1024x130xf32> -> vector<1024x130xf32>
    %get3A_6 = arith.constant 0 : index
    %get3A_7 = arith.constant 0 : index
    %get3A_8 = vector.load %arg4[%get3A_6, %get3A_7] : memref<1x130xf32, #tpu.memory_space<vmem>>, vector<1x130xf32>
    %add3A = vector.broadcast %get3A_8 : vector<1x130xf32> to vector<1024x130xf32>
    %add3A_9 = arith.addf %dot_general3A_5, %add3A : vector<1024x130xf32>
    %get3A_10 = arith.constant 0 : index
    %get3A_11 = arith.constant 0 : index
    %get3A_12 = vector.load %arg1[%get3A_10, %get3A_11] : memref<1024x1664xf32, #tpu.memory_space<vmem>>, vector<1024x1664xf32>
    %get3A_13 = arith.constant 0 : index
    %get3A_14 = arith.constant 0 : index
    %get3A_15 = vector.load %arg5[%get3A_13, %get3A_14] : memref<715x1664xf32, #tpu.memory_space<vmem>>, vector<715x1664xf32>
    %dot_general3A_16 = arith.constant dense<0.000000e+00> : vector<1024x715xf32>
    %dot_general3A_17 = tpu.matmul %get3A_12, %get3A_15, %dot_general3A_16 {dimension_numbers = #tpu.dot_dimension_numbers<[1], [1], [0], [0], [0, 0, 1, 0], [], []>, transpose_lhs_hint = false} : vector<1024x1664xf32>, vector<715x1664xf32>, vector<1024x715xf32> -> vector<1024x715xf32>
    %get3A_18 = arith.constant 0 : index
    %get3A_19 = arith.constant 0 : index
    %get3A_20 = vector.load %arg6[%get3A_18, %get3A_19] : memref<715x130xf32, #tpu.memory_space<vmem>>, vector<715x130xf32>
    %dot_general3A_21 = arith.constant dense<0.000000e+00> : vector<1024x715xf32>
    %dot_general3A_22 = tpu.matmul %add3A_9, %get3A_20, %dot_general3A_21 {dimension_numbers = #tpu.dot_dimension_numbers<[1], [1], [0], [0], [0, 0, 1, 0], [], []>, transpose_lhs_hint = false} : vector<1024x130xf32>, vector<715x130xf32>, vector<1024x715xf32> -> vector<1024x715xf32>
    %add3A_23 = arith.addf %dot_general3A_17, %dot_general3A_22 : vector<1024x715xf32>
    %get3A_24 = arith.constant 0 : index
    %get3A_25 = arith.constant 0 : index
    %get3A_26 = vector.load %arg7[%get3A_24, %get3A_25] : memref<1x715xf32, #tpu.memory_space<vmem>>, vector<1x715xf32>
    %add3A_27 = vector.broadcast %get3A_26 : vector<1x715xf32> to vector<1024x715xf32>
    %add3A_28 = arith.addf %add3A_23, %add3A_27 : vector<1024x715xf32>
    %max3A = arith.constant 0.000000e+00 : f32
    %max3A_29 = vector.broadcast %max3A : f32 to vector<1024x715xf32>
    %max3A_30 = arith.maximumf %add3A_28, %max3A_29 : vector<1024x715xf32>
    %get3A_31 = arith.constant 0 : index
    %get3A_32 = arith.constant 0 : index
    %get3A_33 = vector.load %arg8[%get3A_31, %get3A_32] : memref<3x715xf32, #tpu.memory_space<vmem>>, vector<3x715xf32>
    %dot_general3A_34 = arith.constant dense<0.000000e+00> : vector<1024x3xf32>
    %dot_general3A_35 = tpu.matmul %max3A_30, %get3A_33, %dot_general3A_34 {dimension_numbers = #tpu.dot_dimension_numbers<[1], [1], [0], [0], [0, 0, 1, 0], [], []>, transpose_lhs_hint = false} : vector<1024x715xf32>, vector<3x715xf32>, vector<1024x3xf32> -> vector<1024x3xf32>
    %get3A_36 = arith.constant 0 : index
    %get3A_37 = arith.constant 0 : index
    %get3A_38 = vector.load %arg9[%get3A_36, %get3A_37] : memref<1x3xf32, #tpu.memory_space<vmem>>, vector<1x3xf32>
    %add3A_39 = vector.broadcast %get3A_38 : vector<1x3xf32> to vector<1024x3xf32>
    %add3A_40 = arith.addf %dot_general3A_35, %add3A_39 : vector<1024x3xf32>
    %swap3A = arith.constant 0 : index
    %swap3A_41 = arith.constant 0 : index
    %swap3A_42 = vector.load %arg10[%swap3A, %swap3A_41] : memref<1024x3xf32, #tpu.memory_space<vmem>>, vector<1024x3xf32>
    tpu.vector_store %arg10[%swap3A, %swap3A_41], %add3A_40 {strides = array<i32>} : memref<1024x3xf32, #tpu.memory_space<vmem>>, vector<1024x3xf32>,
    return
  }
  func.func @transform_0(%arg0: i32) -> (i32, i32) {
    %c0_i32 = arith.constant 0 : i32
    %c0_i32_0 = arith.constant 0 : i32
    return %arg0, %c0_i32 : i32, i32
  }
  func.func @transform_1(%arg0: i32) -> (i32, i32) {
    %c0_i32 = arith.constant 0 : i32
    %c0_i32_0 = arith.constant 0 : i32
    return %arg0, %c0_i32 : i32, i32
  }
  func.func @transform_2(%arg0: i32) -> (i32, i32) {
    %c0_i32 = arith.constant 0 : i32
    %c0_i32_0 = arith.constant 0 : i32
    %c0_i32_1 = arith.constant 0 : i32
    return %c0_i32, %c0_i32_0 : i32, i32
  }
  func.func @transform_3(%arg0: i32) -> (i32, i32) {
    %c0_i32 = arith.constant 0 : i32
    %c0_i32_0 = arith.constant 0 : i32
    %c0_i32_1 = arith.constant 0 : i32
    return %c0_i32, %c0_i32_0 : i32, i32
  }
  func.func @transform_4(%arg0: i32) -> (i32, i32) {
    %c0_i32 = arith.constant 0 : i32
    %c0_i32_0 = arith.constant 0 : i32
    %c0_i32_1 = arith.constant 0 : i32
    return %c0_i32, %c0_i32_0 : i32, i32
  }
  func.func @transform_5(%arg0: i32) -> (i32, i32) {
    %c0_i32 = arith.constant 0 : i32
    %c0_i32_0 = arith.constant 0 : i32
    %c0_i32_1 = arith.constant 0 : i32
    return %c0_i32, %c0_i32_0 : i32, i32
  }
  func.func @transform_6(%arg0: i32) -> (i32, i32) {
    %c0_i32 = arith.constant 0 : i32
    %c0_i32_0 = arith.constant 0 : i32
    %c0_i32_1 = arith.constant 0 : i32
    return %c0_i32, %c0_i32_0 : i32, i32
  }
  func.func @transform_7(%arg0: i32) -> (i32, i32) {
    %c0_i32 = arith.constant 0 : i32
    %c0_i32_0 = arith.constant 0 : i32
    %c0_i32_1 = arith.constant 0 : i32
    return %c0_i32, %c0_i32_0 : i32, i32
  }
  func.func @transform_8(%arg0: i32) -> (i32, i32) {
    %c0_i32 = arith.constant 0 : i32
    %c0_i32_0 = arith.constant 0 : i32
    %c0_i32_1 = arith.constant 0 : i32
    return %c0_i32, %c0_i32_0 : i32, i32
  }
  func.func @transform_9(%arg0: i32) -> (i32, i32) {
    %c0_i32 = arith.constant 0 : i32
    %c0_i32_0 = arith.constant 0 : i32
    return %arg0, %c0_i32 : i32, i32
  }
}

</mosaic_0001>

<sc_bundles>
// kernel: kernel.5.cloned.1.call-start
scs
__scs_entry_jumppad:
0x0: {  	(pc) =	sbr.rel $0x88, $3  }
0x1: {  	(tag) =	ssettag $0x0;
	lr =	simm.s32 $0x1  }
0x2: {  	[smem:$0x3F98] =	sst lr;
	_ =	strace $0xD0000000  }
0x3: {  	_ = 	snop  }
0x4: {  	_ = 	snop  }
0x5: {  	_ = 	snop  }
0x6: {  	_ = 	snop  }
0x7: {  	_ = 	snop  }
__scs_overlays_trampoline_lowered:
0x8: {  	[smem:$0x3FA7] =	sst s0  }
0x9: {  	[smem:$0x3FA8] =	sst s1  }
0xa: {  	[smem:$0x3FA9] =	sst s2  }
0xb: {  	[smem:$0x3FAA] =	sst s3  }
0xc: {  	[smem:$0x3FAB] =	sst s4  }
0xd: {  	[smem:$0x3FAC] =	sst s5  }
0xe: {  	[smem:$0x3FAD] =	sst s6  }
0xf: {  	[smem:$0x3FAE] =	sst s7  }
0x10: {  	[smem:$0x3FAF] =	sst s8  }
0x11: {  	[smem:$0x3FB0] =	sst s9;
	s0 =	simm.s32 @!p0 $0x0  }
0x12: {  	s1 =	sld [smem:$0x3F96];
	s0 =	simm.s32 @p0 $0x1  }
0x13: {  	[smem:$0x3FB1] =	sst s0;
	s0 =	simm.s32 @!p1 $0x0  }
0x14: {  	s2 =	sld [smem:$0x3F95];
	s0 =	simm.s32 @p1 $0x1  }
0x15: {  	[smem:$0x3FB2] =	sst s0;
	s0 =	simm.s32 @!p2 $0x0  }
0x16: {  	s3 =	sld [smem:$0x3FDB];
	s0 =	simm.s32 @p2 $0x1  }
0x17: {  	s4 =	simm.s32 $0x1BF5;
	[smem:$0x3FB4] =	sst s0  }
0x18: {  	s0 =	sld [smem:$0x3F97];
	_ =	swait.ge [sflag:s4], $0x0  }
0x19: {  	s7 =	sld [smem:$0x3F98]  }
0x1a: {  	s8 =	sadd.s32 $0xFFFFE003, lr  }
0x1b: {  	s9 =	sadd.s32 $0xFFFFFEF7, lr;
	s5 =	simm.s32 $0xFFFFFFFF;
	p2 =	slt.u32 s8, $0xFFFFF086  }
0x1c: {  	p1 =	slt.u32 s9, $0xF7A;
	s5 =	simm.s32 @!p2 $0x0  }
0x1d: {  	s5 =	simm.s32 @p1 $0x1;
	p0 =	seq.s32 s7, s2  }
0x1e: {  	s7 =	smul.u32 @!p0 $0xF7A, s2;
	p2 =	seq.s32 @!p0 s5, $0x0  }
0x1f: {  	s9 =	smul.u32 $0xF7A, s1;
	s8 =	simm.s32 @!p0 $0x1BF5;
	p2 =	por !p2, p0  }
0x20: {  	[sflag:s8] =	ssyncset.s32 @!p0 $0xFFFFF086;
	s6 =	sadd.s32 @!p0 s3, s7;
	s7 =	simm.s32 @!p0 $0x108  }
0x21: {  	s3 =	sadd.s32 s3, s9;
	s6 =	sadd.s32 @!p0 $0x88, s6;
	s7 =	simm.s32 @p2 $0x1082  }
0x22: {  	[simem:s7], [sflag:s8] =	dma.local @!p0 [hbm:s6], $0xF7A  }
0x23: {  	s9 =	sor.u32 $0xD0000000, s2;
	s6 =	simm.s32 $0x108;
	_ =	swait.ge @!p0 [sflag:s8], $0x0  }
0x24: {  	s3 =	sadd.s32 $0x88, s3;
	s6 =	simm.s32 @!p1 $0x1082;
	[sflag:s4] =	ssyncset.s32 $0xFFFFF086  }
0x25: {  	[simem:s6], [sflag:s4] =	dma.local [hbm:s3], $0xF7A  }
0x26: {  	[smem:$0x3F98] =	sst s1;
	(tag) =	ssettag s2;
	_ =	strace s9  }
0x27: {  	s1 =	sld [smem:$0x3FA8]  }
0x28: {  	s2 =	sld [smem:$0x3FA9]  }
0x29: {  	s4 =	sld [smem:$0x3FAB]  }
0x2a: {  	p0 =	seq.s32 s5, $0x0;
	s5 =	sld [smem:$0x3FAC]  }
0x2b: {  	s6 =	sld [smem:$0x3FAD]  }
0x2c: {  	s7 =	sld [smem:$0x3FAE]  }
0x2d: {  	s3 =	simm.s32 $0x108;
	s8 =	sld [smem:$0x3FAF]  }
0x2e: {  	s3 =	simm.s32 @!p0 $0x1082;
	s9 =	sld [smem:$0x3FB0]  }
0x2f: {  	lr =	sadd.s32 s0, s3;
	s0 =	sld [smem:$0x3FA7]  }
0x30: {  	s3 =	sld [smem:$0x3FAA]  }
0x31: {  	[smem:$0x3FB3] =	sst s10  }
0x32: {  	s10 =	sld [smem:$0x3FB1];
	_ =	sdelay $0x3  }
0x33: {  	p0 =	seq.s32 s10, $0x1;
	s10 =	sld [smem:$0x3FB3];
	_ =	sdelay $0x3  }
0x34: {  	[smem:$0x3FB3] =	sst s10  }
0x35: {  	s10 =	sld [smem:$0x3FB2];
	_ =	sdelay $0x3  }
0x36: {  	p1 =	seq.s32 s10, $0x1;
	s10 =	sld [smem:$0x3FB3];
	_ =	sdelay $0x3  }
0x37: {  	[smem:$0x3FB3] =	sst s10  }
0x38: {  	s10 =	sld [smem:$0x3FB4]  }
0x39: {  	_ = 	snop;
	(pc) =	sbr.ind lr, $3  }
0x3a: {  	_ = 	snop  }
0x3b: {  	_ = 	snop  }
0x3c: {  	p2 =	seq.s32 s10, $0x1;
	s10 =	sld [smem:$0x3FB3]  }
0x3d: {  	_ =	shalt  }
0x3e: {  	_ =	shalt  }
0x3f: {  	_ =	shalt  }
0x40: {  	_ =	shalt  }
0x41: {  	_ =	shalt  }
0x42: {  	_ =	shalt  }
0x43: {  	_ =	shalt  }
0x44: {  	_ =	shalt  }
0x45: {  	_ =	shalt  }
0x46: {  	_ =	shalt  }
0x47: {  	_ =	shalt  }
0x48: {  	_ =	shalt  }
0x49: {  	_ =	shalt  }
0x4a: {  	_ =	shalt  }
0x4b: {  	_ =	shalt  }
0x4c: {  	_ =	shalt  }
0x4d: {  	_ =	shalt  }
0x4e: {  	_ =	shalt  }
0x4f: {  	_ =	shalt  }
0x50: {  	_ =	shalt  }
0x51: {  	_ =	shalt  }
0x52: {  	_ =	shalt  }
0x53: {  	_ =	shalt  }
0x54: {  	_ =	shalt  }
0x55: {  	_ =	shalt  }
0x56: {  	_ =	shalt  }
0x57: {  	_ =	shalt  }
0x58: {  	_ =	shalt  }
0x59: {  	_ =	shalt  }
0x5a: {  	_ =	shalt  }
0x5b: {  	_ =	shalt  }
0x5c: {  	_ =	shalt  }
0x5d: {  	_ =	shalt  }
0x5e: {  	_ =	shalt  }
0x5f: {  	_ =	shalt  }
0x60: {  	_ =	shalt  }
0x61: {  	_ =	shalt  }
0x62: {  	_ =	shalt  }
0x63: {  	_ =	shalt  }
0x64: {  	_ =	shalt  }
0x65: {  	_ =	shalt  }
0x66: {  	_ =	shalt  }
0x67: {  	_ =	shalt  }
0x68: {  	_ =	shalt  }
0x69: {  	_ =	shalt  }
0x6a: {  	_ =	shalt  }
0x6b: {  	_ =	shalt  }
0x6c: {  	_ =	shalt  }
0x6d: {  	_ =	shalt  }
0x6e: {  	_ =	shalt  }
0x6f: {  	_ =	shalt  }
0x70: {  	_ =	shalt  }
0x71: {  	_ =	shalt  }
0x72: {  	_ =	shalt  }
0x73: {  	_ =	shalt  }
0x74: {  	_ =	shalt  }
0x75: {  	_ =	shalt  }
0x76: {  	_ =	shalt  }
0x77: {  	_ =	shalt  }
0x78: {  	_ =	shalt  }
0x79: {  	_ =	shalt  }
0x7a: {  	_ =	shalt  }
0x7b: {  	_ =	shalt  }
0x7c: {  	_ =	shalt  }
0x7d: {  	_ =	shalt  }
0x7e: {  	_ =	shalt  }
0x7f: {  	_ =	shalt  }
0x80: {  	_ =	shalt  }
0x81: {  	_ =	shalt  }
0x82: {  	_ =	shalt  }
0x83: {  	_ =	shalt  }
0x84: {  	_ =	shalt  }
0x85: {  	_ =	shalt  }
0x86: {  	_ =	shalt  }
0x87: {  	_ =	shalt  }
.Lfunc_end0:
.L_simem_size_0:
called_computation_lowered:
.L_overlay_start_0:
0x88: {  	s2 =	sld [smem:$0x3FD9]  }
0x89: {  	s3 =	sld [smem:$0x3FFE];
	_ =	sdelay $0x1  }
0x8a: {  	s1 =	srdreg.scid  }
0x8b: {  	s0 =	sand.u32 $0x1, s1  }
0x8c: {  	s16 =	sshll.u32 s0, $0xA;
	s2 =	sadd.s32 s3, s2  }
0x8d: {  	s2 =	sadd.s32 s2, s16  }
0x8e: {  	[smem:$0x3FBF] =	sst s2  }
0x8f: {  	_ = 	snop  }
0x90: {  	(tm) =	ssettm $0x1  }
0x91: {  	s17 =	sld [smem:$0x3FFB];
	_ =	sdelay $0x3  }
0x92: {  	_ =	strace s17  }
0x93: {  	s2 =	sld [smem:$0x3FFC];
	_ =	sdelay $0x3  }
0x94: {  	_ =	strace s2  }
0x95: {  	s2 =	sld [smem:$0x3FFD];
	_ =	sdelay $0x3  }
0x96: {  	_ =	strace s2  }
0x97: {  	_ =	strace $0x8FFFFFFF  }
0x98: {  	s18 =	sld [smem:$0x3FDB];
	_ =	sdelay $0x1  }
0x99: {  	s19 =	simm.s32 $_scs_section_size  }
0x9a: {  	s4 =	simm.s32 $_size__tile_overlayer_lowered;
	s5 =	simm.s32 $_tile_overlayer_lowered  }
0x9b: {  	s22 =	simm.s32 $0x1BFF;
	s21 =	sshll.u32 s5, $0x1;
	s2 =	sadd.s32 s19, s18  }
0x9c: {  	s6 =	simm.s32 $0x0;
	s20 =	sshll.u32 s4, $0x1;
	s4 =	sadd.s32 s21, s2  }
0x9d: {  	[timem:s6], [sflag:s22] =	dma.local [hbm:s4], s20  }
0x9e: {  	_ =	swait.ge [sflag:s22], s20  }
0x9f: {  	s3 =	ssub.s32 $0x0, s20;
	[sflag:s22] =	ssyncset.done $0x0  }
0xa0: {  	[sflag:s22] =	ssyncadd.s32 s3;
	_ =	sdelay $0x1  }
0xa1: {  	s23 =	simm.s32 $0x1B8B  }
0xa2: {  	_ =	swait.ge [sflag:s23], $0x1  }
0xa3: {  	[sflag:s23] =	ssyncset.done $0x0  }
0xa4: {  	s25 =	simm.s32 $0x1B8E;
	s24 =	sld [smem:$0x3FFE];
	[sflag:s23] =	ssyncadd.s32 $0xFFFFFFFF  }
0xa5: {  	s26 =	simm.s32 $execute0_lowered;
	[smem:$0x3FD2] =	sst s25  }
0xa6: {  	s4 =	sshll.u32 s26, $0x1;
	_ =	strace $0x80000046;
	[dreg:$0x1] =	wrdreg $0xFFFFFFFF  }
0xa7: {  	s28 =	simm.s32 $_size_execute0_lowered;
	s2 =	sadd.s32 s2, s4;
	[dreg:$0x0] =	wrdreg $0x0  }
0xa8: {  	s4 =	sshll.u32 s28, $0x1;
	[dreg:$0x2] =	wrdreg s2  }
0xa9: {  	[dreg:$0x3] =	wrdreg s4  }
0xaa: {  	[dreg:$0x4] =	wrdreg $0xC0  }
0xab: {  	_ =	task [dreg:s6], $0x5FFFF  }
0xac: {  	[dreg:$0x1] =	wrdreg $0xFFFFFFFF  }
0xad: {  	[dreg:$0x0] =	wrdreg $0x60  }
0xae: {  	[dreg:$0x2] =	wrdreg s24  }
0xaf: {  	[dreg:$0x3] =	wrdreg $0x9  }
0xb0: {  	_ =	task.clear_ibuf [dreg:s6], $0x4FFFF;
	_ =	strace $0x90000046  }
0xb1: {  	s29 =	simm.s32 $0x9;
	_ =	strace $0x80000048  }
0xb2: {  	_ =	swait.ge [sflag:s29], $0x1  }
0xb3: {  	[sflag:s29] =	ssyncadd.s32 $0xFFFFFFFF  }
0xb4: {  	_ =	strace $0x90000048  }
0xb5: {  	_ =	sfence  }
0xb6: {  	s30 =	sld [smem:$0x0];
	_ =	sdelay $0x2  }
0xb7: {  	s31 =	sshll.u32 s1, $0xD;
	s1 =	sshrl.u32 s1, $0x2  }
0xb8: {  	s3 =	sand.u32 $0x4000, s31;
	s1 =	sadd.s32 s1, s30  }
0xb9: {  	s0 =	sor.u32 s3, s0;
	s1 =	sshll.u32 s1, $0x11  }
0xba: {  	s0 =	sor.u32 s1, s0  }
0xbb: {  	s0 =	sadd.s32 $0x8F2B, s0  }
0xbc: {  	[sflag:s0] =	ssyncadd.remote.s32 $0x1  }
0xbd: {  	_ =	sfence.sel $0xFFFF  }
0xbe: {  	[dreg:$0x0] =	wrdreg $0xFFFFFFFF;
	(pc) =	sbr.abs _section_cstart, $3  }
0xbf: {  	[dreg:$0x1] =	wrdreg $0xFFFFFFFF  }
0xc0: {  	_ =	task.clear_ibuf [dreg:s6], $0x2FFFF;
	_ =	strace $0x9FFFFFFF  }
0xc1: {  	(tm) =	ssettm $0x7FFFFFFF  }
tec
execute0_lowered:
.L_overlay_start_1:
0x0: {  	(tag) =	ssettag $0x1  }
0x1: {  	s0 =	srdreg.scid;
	s2 =	stileid.u32  }
0x2: {  	s1 =	rddreg [dreg:$0x0];
	s0 =	sand.u32 $0x1, s0;
	s3 =	sshll.u32 s2, $0x1  }
0x3: {  	s12 =	simm.s32 $0x1;
	s5 =	sor.u32 s0, s3;
	s0 =	ssub.s32 $0x2, s0  }
0x4: {  	s2 =	simm.s32 $0x0;
	s4 =	smul.u32 $0x680, s5;
	s6 =	sshrl.u32 s0, $0x1  }
0x5: {  	s15 =	simm.s32 $0x2;
	[smem:$0x7FF] =	sst s2;
	s0 =	ssub.s32 s0, s6  }
0x6: {  	s3 =	sadd.s32 $0x1B800, s1;
	s7 =	sadd.s32 s4, s1;
	s0 =	smax.u32 s0, $0x1  }
0x7: {  	_ =	strace $0x80000047;
	s30 =	sadd.s32 $0x1800, s7;
	[dreg:$0x4] =	wrdreg s0  }
0x8: {  	s4 =	sadd.s32 $0x146B800, s1;
	s31 =	sadd.s32 $0xE800, s7;
	[dreg:$0x2] =	wrdreg s30  }
0x9: {  	s7 =	smul.u32 $0xD0000, s5;
	s5 =	simm.s32 $0x0;
	[dreg:$0x3] =	wrdreg s31  }
.LBB2_1:
0xa: {  	[dreg:$0x5] =	wrdreg s5  }
0xb: {  	s0 =	rddreg [dreg:$0x2];
	s1 =	simm.s32 $0x5  }
0xc: {  	[tilespmem:s2], [sflag:$0x5] =	stream.linear.gather [hbm4b:s0+s2], $0x3400, $0x38;
	[tilespmem:$0x12800] =	vst v63  }
0xd: {  	_ =	swait.ge [sflag:s1], $0x3400  }
0xe: {  	[sflag:s1] =	ssyncset.done $0x0  }
0xf: {  	s20 =	simm.s32 $0x3400;
	s29 =	rddreg [dreg:$0x3];
	[sflag:s1] =	ssyncadd.s32 $0xFFFFCC00  }
0x10: {  	[tilespmem:s20], [sflag:$0x5] =	stream.linear.gather [hbm4b:s29+s2], $0x3400, $0x38;
	[tilespmem:$0x12800] =	vst v63  }
0x11: {  	_ =	swait.ge [sflag:s1], $0x3400  }
0x12: {  	s30 =	simm.s32 $0x80;
	s31 =	simm.s32 $0x6800;
	[sflag:s1] =	ssyncset.done $0x0  }
0x13: {  	s21 =	simm.s32 $0x3480;
	s22 =	simm.s32 $0x0;
	[sflag:s1] =	ssyncadd.s32 $0xFFFFCC00  }
0x14: {  	[tilespmem:s31], [sflag:$0x1] =	stream.indirect.gather [hbm4b:s3+s30], $0x80, s2, s30, $0xb8;
	[tilespmem:$0x12800] =	vst v63  }
.LBB2_2:
0x15: {  	_ =	swait.ge [sflag:s12], $0x4000;
	s23 =	sshllo.u32 s22, $0x1;
	s1 =	simm.s32 $0x80  }
0x16: {  	s5 =	simm.s32 $0xA800;
	[sflag:s12] =	ssyncset.done $0x0;
	s0 =	sshll.u32 s23, $0x7  }
0x17: {  	p0 =	seq.s32 s22, $0x0;
	[sflag:s12] =	ssyncadd.s32 $0xFFFFC000;
	s0 =	sand.u32 $0x3FFFFF80, s0  }
0x18: {  	[tilespmem:s5], [sflag:$0x2] =	stream.indirect.gather [hbm4b:s3+s1], $0x80, s0, s1, $0xb8;
	[tilespmem:$0x12800] =	vst v63  }
0x19: {  	s0 =	simm.s32 @!p0 $0x3  }
0x1a: {  	_ =	swait.ge @!p0 [sflag:s0], $0x2000  }
0x1b: {  	s24 =	sshll.u32 s22, $0xA;
	s25 =	simm.s32 $0x0;
	[sflag:s0] =	ssyncset.done @!p0 $0x0  }
0x1c: {  	s26 =	simm.s32 $0xEA00;
	s28 =	smov.u32 s20;
	[sflag:s0] =	ssyncadd.s32 @!p0 $0xFFFFE000  }
.LBB2_3:
0x1d: {  	v0 =	vld [tilespmem:s28+$0x0];
	_ =	sdelay $0x4  }
0x1e: {  	v0 =	vshll.u32 v0, $0x2  }
0x1f: {  	(v2sf) =	vpush v0, $0x0;
	_ =	sdelay $0x9  }
0x20: {  	(v2sf) =	vpush v0, $0xF  }
0x21: {  	(v2sf) =	vpush v0, $0xE  }
0x22: {  	(v2sf) =	vpush v0, $0xD  }
0x23: {  	(v2sf) =	vpush v0, $0xC  }
0x24: {  	(v2sf) =	vpush v0, $0xB  }
0x25: {  	s9 =	spop (v2sf);
	(v2sf) =	vpush v0, $0xA  }
0x26: {  	s0 =	sshra.s32 s9, $0x2;
	(v2sf) =	vpush v0, $0x9  }
0x27: {  	s29 =	sshra.s32 s25, $0x2;
	s0 =	sand.u32 $0xFFFFFFF0, s0;
	(v2sf) =	vpush v0, $0x8  }
0x28: {  	s0 =	sadd.s32 s29, s0;
	(v2sf) =	vpush v0, $0x7  }
0x29: {  	v1 =	vld [tilespmem:s0+$0x6800];
	(v2sf) =	vpush v0, $0x6  }
0x2a: {  	(v2sf) =	vpush v0, $0x5  }
0x2b: {  	s17 =	sadd.s32 $0x40, s9;
	(v2sf) =	vpush v0, $0x4  }
0x2c: {  	s0 =	sand.u32 $0xFFFFFFC0, s17;
	(v2sf) =	vpush v0, $0x3  }
0x2d: {  	s0 =	sshra.s32 s0, $0x2;
	(v2sf) =	vpush v0, $0x2  }
0x2e: {  	s0 =	sadd.s32 s29, s0;
	[tilespmem:s26+$0xFFFFFE00] =	vst v1;
	(v2sf) =	vpush v0, $0x1  }
0x2f: {  	s30 =	spop (v2sf);
	v63 =	vld [tilespmem:s0+$0x6800]  }
0x30: {  	s31 =	spop (v2sf)  }
0x31: {  	s5 =	sadd.s32 $0x80, s9;
	s1 =	spop (v2sf)  }
0x32: {  	s5 =	sand.u32 $0xFFFFFFC0, s5;
	s0 =	spop (v2sf)  }
0x33: {  	s6 =	sshra.s32 s5, $0x2;
	s11 =	spop (v2sf)  }
0x34: {  	s8 =	sadd.s32 s29, s6;
	s5 =	spop (v2sf);
	[tilespmem:s26+$0xFFFFFE10] =	vst v63  }
0x35: {  	s6 =	spop (v2sf);
	v0 =	vld [tilespmem:s8+$0x6800]  }
0x36: {  	s8 =	spop (v2sf)  }
0x37: {  	s13 =	sadd.s32 $0xC0, s9;
	s17 =	spop (v2sf)  }
0x38: {  	s13 =	sand.u32 $0xFFFFFFC0, s13;
	s9 =	spop (v2sf)  }
0x39: {  	s14 =	sshra.s32 s13, $0x2;
	s19 =	spop (v2sf)  }
0x3a: {  	s16 =	sadd.s32 s29, s14;
	s13 =	spop (v2sf);
	[tilespmem:s26+$0xFFFFFE20] =	vst v0  }
0x3b: {  	s14 =	spop (v2sf);
	v0 =	vld [tilespmem:s16+$0x6800]  }
0x3c: {  	s16 =	spop (v2sf)  }
0x3d: {  	s10 =	spop (v2sf)  }
0x3e: {  	s18 =	sshra.s32 s10, $0x2  }
0x3f: {  	s18 =	sand.u32 $0xFFFFFFF0, s18  }
0x40: {  	[tilespmem:s26+$0xFFFFFE30] =	vst v0;
	s18 =	sadd.s32 s29, s18  }
0x41: {  	v0 =	vld [tilespmem:s18+$0x6880];
	_ =	sdelay $0x1  }
0x42: {  	s18 =	sadd.s32 $0x40, s10  }
0x43: {  	s18 =	sand.u32 $0xFFFFFFC0, s18  }
0x44: {  	s18 =	sshra.s32 s18, $0x2  }
0x45: {  	s18 =	sadd.s32 s29, s18;
	[tilespmem:s26+$0xFFFFFE40] =	vst v0  }
0x46: {  	v0 =	vld [tilespmem:s18+$0x6880];
	_ =	sdelay $0x1  }
0x47: {  	s18 =	sadd.s32 $0x80, s10  }
0x48: {  	s18 =	sand.u32 $0xFFFFFFC0, s18  }
0x49: {  	s18 =	sshra.s32 s18, $0x2  }
0x4a: {  	s18 =	sadd.s32 s29, s18;
	[tilespmem:s26+$0xFFFFFE50] =	vst v0  }
0x4b: {  	v0 =	vld [tilespmem:s18+$0x6880];
	_ =	sdelay $0x1  }
0x4c: {  	s10 =	sadd.s32 $0xC0, s10  }
0x4d: {  	s10 =	sand.u32 $0xFFFFFFC0, s10  }
0x4e: {  	s10 =	sshra.s32 s10, $0x2  }
0x4f: {  	s10 =	sadd.s32 s29, s10;
	[tilespmem:s26+$0xFFFFFE60] =	vst v0  }
0x50: {  	v0 =	vld [tilespmem:s10+$0x6880];
	_ =	sdelay $0x2  }
0x51: {  	s18 =	sshra.s32 s16, $0x2  }
0x52: {  	s10 =	sand.u32 $0xFFFFFFF0, s18  }
0x53: {  	s10 =	sadd.s32 s29, s10;
	[tilespmem:s26+$0xFFFFFE70] =	vst v0  }
0x54: {  	v0 =	vld [tilespmem:s10+$0x6900];
	_ =	sdelay $0x1  }
0x55: {  	s18 =	sadd.s32 $0x40, s16  }
0x56: {  	s10 =	sand.u32 $0xFFFFFFC0, s18  }
0x57: {  	s10 =	sshra.s32 s10, $0x2  }
0x58: {  	s10 =	sadd.s32 s29, s10;
	[tilespmem:s26+$0xFFFFFE80] =	vst v0  }
0x59: {  	v0 =	vld [tilespmem:s10+$0x6900];
	_ =	sdelay $0x1  }
0x5a: {  	s18 =	sadd.s32 $0x80, s16  }
0x5b: {  	s10 =	sand.u32 $0xFFFFFFC0, s18  }
0x5c: {  	s10 =	sshra.s32 s10, $0x2  }
0x5d: {  	s10 =	sadd.s32 s29, s10;
	[tilespmem:s26+$0xFFFFFE90] =	vst v0  }
0x5e: {  	v0 =	vld [tilespmem:s10+$0x6900];
	_ =	sdelay $0x1  }
0x5f: {  	s16 =	sadd.s32 $0xC0, s16  }
0x60: {  	s10 =	sand.u32 $0xFFFFFFC0, s16  }
0x61: {  	s10 =	sshra.s32 s10, $0x2  }
0x62: {  	s10 =	sadd.s32 s29, s10;
	[tilespmem:s26+$0xFFFFFEA0] =	vst v0  }
0x63: {  	v0 =	vld [tilespmem:s10+$0x6900];
	_ =	sdelay $0x2  }
0x64: {  	s18 =	sshra.s32 s14, $0x2  }
0x65: {  	s10 =	sand.u32 $0xFFFFFFF0, s18  }
0x66: {  	s10 =	sadd.s32 s29, s10;
	[tilespmem:s26+$0xFFFFFEB0] =	vst v0  }
0x67: {  	v0 =	vld [tilespmem:s10+$0x6980];
	_ =	sdelay $0x1  }
0x68: {  	s16 =	sadd.s32 $0x40, s14  }
0x69: {  	s10 =	sand.u32 $0xFFFFFFC0, s16  }
0x6a: {  	s10 =	sshra.s32 s10, $0x2  }
0x6b: {  	s10 =	sadd.s32 s29, s10;
	[tilespmem:s26+$0xFFFFFEC0] =	vst v0  }
0x6c: {  	v0 =	vld [tilespmem:s10+$0x6980];
	_ =	sdelay $0x1  }
0x6d: {  	s18 =	sadd.s32 $0x80, s14  }
0x6e: {  	s10 =	sand.u32 $0xFFFFFFC0, s18  }
0x6f: {  	s10 =	sshra.s32 s10, $0x2  }
0x70: {  	s10 =	sadd.s32 s29, s10;
	[tilespmem:s26+$0xFFFFFED0] =	vst v0  }
0x71: {  	v0 =	vld [tilespmem:s10+$0x6980];
	_ =	sdelay $0x1  }
0x72: {  	s14 =	sadd.s32 $0xC0, s14  }
0x73: {  	s10 =	sand.u32 $0xFFFFFFC0, s14  }
0x74: {  	s10 =	sshra.s32 s10, $0x2  }
0x75: {  	s10 =	sadd.s32 s29, s10;
	[tilespmem:s26+$0xFFFFFEE0] =	vst v0  }
0x76: {  	v0 =	vld [tilespmem:s10+$0x6980];
	_ =	sdelay $0x2  }
0x77: {  	s16 =	sshra.s32 s13, $0x2  }
0x78: {  	s10 =	sand.u32 $0xFFFFFFF0, s16  }
0x79: {  	s10 =	sadd.s32 s29, s10;
	[tilespmem:s26+$0xFFFFFEF0] =	vst v0  }
0x7a: {  	v0 =	vld [tilespmem:s10+$0x6A00];
	_ =	sdelay $0x1  }
0x7b: {  	s18 =	sadd.s32 $0x40, s13  }
0x7c: {  	s10 =	sand.u32 $0xFFFFFFC0, s18  }
0x7d: {  	s10 =	sshra.s32 s10, $0x2  }
0x7e: {  	s10 =	sadd.s32 s29, s10;
	[tilespmem:s26+$0xFFFFFF00] =	vst v0  }
0x7f: {  	v0 =	vld [tilespmem:s10+$0x6A00];
	_ =	sdelay $0x1  }
0x80: {  	s14 =	sadd.s32 $0x80, s13  }
0x81: {  	s10 =	sand.u32 $0xFFFFFFC0, s14  }
0x82: {  	s10 =	sshra.s32 s10, $0x2  }
0x83: {  	s10 =	sadd.s32 s29, s10;
	[tilespmem:s26+$0xFFFFFF10] =	vst v0  }
0x84: {  	v0 =	vld [tilespmem:s10+$0x6A00];
	_ =	sdelay $0x1  }
0x85: {  	s16 =	sadd.s32 $0xC0, s13  }
0x86: {  	s10 =	sand.u32 $0xFFFFFFC0, s16  }
0x87: {  	s10 =	sshra.s32 s10, $0x2  }
0x88: {  	s10 =	sadd.s32 s29, s10;
	[tilespmem:s26+$0xFFFFFF20] =	vst v0  }
0x89: {  	v0 =	vld [tilespmem:s10+$0x6A00];
	_ =	sdelay $0x2  }
0x8a: {  	s18 =	sshra.s32 s19, $0x2  }
0x8b: {  	s10 =	sand.u32 $0xFFFFFFF0, s18  }
0x8c: {  	s10 =	sadd.s32 s29, s10;
	[tilespmem:s26+$0xFFFFFF30] =	vst v0  }
0x8d: {  	v0 =	vld [tilespmem:s10+$0x6A80];
	_ =	sdelay $0x1  }
0x8e: {  	s13 =	sadd.s32 $0x40, s19  }
0x8f: {  	s10 =	sand.u32 $0xFFFFFFC0, s13  }
0x90: {  	s10 =	sshra.s32 s10, $0x2  }
0x91: {  	s10 =	sadd.s32 s29, s10;
	[tilespmem:s26+$0xFFFFFF40] =	vst v0  }
0x92: {  	v0 =	vld [tilespmem:s10+$0x6A80];
	_ =	sdelay $0x1  }
0x93: {  	s14 =	sadd.s32 $0x80, s19  }
0x94: {  	s10 =	sand.u32 $0xFFFFFFC0, s14  }
0x95: {  	s10 =	sshra.s32 s10, $0x2  }
0x96: {  	s10 =	sadd.s32 s29, s10;
	[tilespmem:s26+$0xFFFFFF50] =	vst v0  }
0x97: {  	v0 =	vld [tilespmem:s10+$0x6A80];
	_ =	sdelay $0x1  }
0x98: {  	s16 =	sadd.s32 $0xC0, s19  }
0x99: {  	s10 =	sand.u32 $0xFFFFFFC0, s16  }
0x9a: {  	s10 =	sshra.s32 s10, $0x2  }
0x9b: {  	s10 =	sadd.s32 s29, s10;
	[tilespmem:s26+$0xFFFFFF60] =	vst v0  }
0x9c: {  	v0 =	vld [tilespmem:s10+$0x6A80];
	_ =	sdelay $0x2  }
0x9d: {  	s18 =	sshra.s32 s9, $0x2  }
0x9e: {  	s10 =	sand.u32 $0xFFFFFFF0, s18  }
0x9f: {  	s10 =	sadd.s32 s29, s10;
	[tilespmem:s26+$0xFFFFFF70] =	vst v0  }
0xa0: {  	v0 =	vld [tilespmem:s10+$0x6B00];
	_ =	sdelay $0x1  }
0xa1: {  	s19 =	sadd.s32 $0x40, s9  }
0xa2: {  	s10 =	sand.u32 $0xFFFFFFC0, s19  }
0xa3: {  	s10 =	sshra.s32 s10, $0x2  }
0xa4: {  	s10 =	sadd.s32 s29, s10;
	[tilespmem:s26+$0xFFFFFF80] =	vst v0  }
0xa5: {  	v0 =	vld [tilespmem:s10+$0x6B00];
	_ =	sdelay $0x1  }
0xa6: {  	s13 =	sadd.s32 $0x80, s9  }
0xa7: {  	s10 =	sand.u32 $0xFFFFFFC0, s13  }
0xa8: {  	s10 =	sshra.s32 s10, $0x2  }
0xa9: {  	s10 =	sadd.s32 s29, s10;
	[tilespmem:s26+$0xFFFFFF90] =	vst v0  }
0xaa: {  	v0 =	vld [tilespmem:s10+$0x6B00];
	_ =	sdelay $0x1  }
0xab: {  	s9 =	sadd.s32 $0xC0, s9  }
0xac: {  	s9 =	sand.u32 $0xFFFFFFC0, s9  }
0xad: {  	s9 =	sshra.s32 s9, $0x2  }
0xae: {  	s9 =	sadd.s32 s29, s9;
	[tilespmem:s26+$0xFFFFFFA0] =	vst v0  }
0xaf: {  	v0 =	vld [tilespmem:s9+$0x6B00];
	_ =	sdelay $0x2  }
0xb0: {  	s14 =	sshra.s32 s17, $0x2  }
0xb1: {  	s9 =	sand.u32 $0xFFFFFFF0, s14  }
0xb2: {  	s9 =	sadd.s32 s29, s9;
	[tilespmem:s26+$0xFFFFFFB0] =	vst v0  }
0xb3: {  	v0 =	vld [tilespmem:s9+$0x6B80];
	_ =	sdelay $0x1  }
0xb4: {  	s16 =	sadd.s32 $0x40, s17  }
0xb5: {  	s9 =	sand.u32 $0xFFFFFFC0, s16  }
0xb6: {  	s9 =	sshra.s32 s9, $0x2  }
0xb7: {  	s9 =	sadd.s32 s29, s9;
	[tilespmem:s26+$0xFFFFFFC0] =	vst v0  }
0xb8: {  	v0 =	vld [tilespmem:s9+$0x6B80];
	_ =	sdelay $0x1  }
0xb9: {  	s18 =	sadd.s32 $0x80, s17  }
0xba: {  	s9 =	sand.u32 $0xFFFFFFC0, s18  }
0xbb: {  	s9 =	sshra.s32 s9, $0x2  }
0xbc: {  	s9 =	sadd.s32 s29, s9;
	[tilespmem:s26+$0xFFFFFFD0] =	vst v0  }
0xbd: {  	v0 =	vld [tilespmem:s9+$0x6B80];
	_ =	sdelay $0x1  }
0xbe: {  	s19 =	sadd.s32 $0xC0, s17  }
0xbf: {  	s9 =	sand.u32 $0xFFFFFFC0, s19  }
0xc0: {  	s9 =	sshra.s32 s9, $0x2  }
0xc1: {  	s9 =	sadd.s32 s29, s9;
	[tilespmem:s26+$0xFFFFFFE0] =	vst v0  }
0xc2: {  	v0 =	vld [tilespmem:s9+$0x6B80];
	_ =	sdelay $0x2  }
0xc3: {  	s10 =	sshra.s32 s8, $0x2  }
0xc4: {  	s9 =	sand.u32 $0xFFFFFFF0, s10  }
0xc5: {  	s9 =	sadd.s32 s29, s9;
	[tilespmem:s26+$0xFFFFFFF0] =	vst v0  }
0xc6: {  	v0 =	vld [tilespmem:s9+$0x6C00];
	_ =	sdelay $0x1  }
0xc7: {  	s13 =	sadd.s32 $0x40, s8  }
0xc8: {  	s9 =	sand.u32 $0xFFFFFFC0, s13  }
0xc9: {  	s9 =	sshra.s32 s9, $0x2  }
0xca: {  	s9 =	sadd.s32 s29, s9;
	[tilespmem:s26+$0x0] =	vst v0  }
0xcb: {  	v0 =	vld [tilespmem:s9+$0x6C00];
	_ =	sdelay $0x1  }
0xcc: {  	s14 =	sadd.s32 $0x80, s8  }
0xcd: {  	s9 =	sand.u32 $0xFFFFFFC0, s14  }
0xce: {  	s9 =	sshra.s32 s9, $0x2  }
0xcf: {  	s9 =	sadd.s32 s29, s9;
	[tilespmem:s26+$0x10] =	vst v0  }
0xd0: {  	v0 =	vld [tilespmem:s9+$0x6C00];
	_ =	sdelay $0x1  }
0xd1: {  	s8 =	sadd.s32 $0xC0, s8  }
0xd2: {  	s8 =	sand.u32 $0xFFFFFFC0, s8  }
0xd3: {  	s8 =	sshra.s32 s8, $0x2  }
0xd4: {  	s8 =	sadd.s32 s29, s8;
	[tilespmem:s26+$0x20] =	vst v0  }
0xd5: {  	v0 =	vld [tilespmem:s8+$0x6C00];
	_ =	sdelay $0x2  }
0xd6: {  	s16 =	sshra.s32 s6, $0x2  }
0xd7: {  	s8 =	sand.u32 $0xFFFFFFF0, s16  }
0xd8: {  	s8 =	sadd.s32 s29, s8;
	[tilespmem:s26+$0x30] =	vst v0  }
0xd9: {  	v0 =	vld [tilespmem:s8+$0x6C80];
	_ =	sdelay $0x1  }
0xda: {  	s17 =	sadd.s32 $0x40, s6  }
0xdb: {  	s8 =	sand.u32 $0xFFFFFFC0, s17  }
0xdc: {  	s8 =	sshra.s32 s8, $0x2  }
0xdd: {  	s8 =	sadd.s32 s29, s8;
	[tilespmem:s26+$0x40] =	vst v0  }
0xde: {  	v0 =	vld [tilespmem:s8+$0x6C80];
	_ =	sdelay $0x1  }
0xdf: {  	s18 =	sadd.s32 $0x80, s6  }
0xe0: {  	s8 =	sand.u32 $0xFFFFFFC0, s18  }
0xe1: {  	s8 =	sshra.s32 s8, $0x2  }
0xe2: {  	s8 =	sadd.s32 s29, s8;
	[tilespmem:s26+$0x50] =	vst v0  }
0xe3: {  	v0 =	vld [tilespmem:s8+$0x6C80];
	_ =	sdelay $0x1  }
0xe4: {  	s6 =	sadd.s32 $0xC0, s6  }
0xe5: {  	s6 =	sand.u32 $0xFFFFFFC0, s6  }
0xe6: {  	s6 =	sshra.s32 s6, $0x2  }
0xe7: {  	s6 =	sadd.s32 s29, s6;
	[tilespmem:s26+$0x60] =	vst v0  }
0xe8: {  	v0 =	vld [tilespmem:s6+$0x6C80];
	_ =	sdelay $0x2  }
0xe9: {  	s19 =	sshra.s32 s5, $0x2  }
0xea: {  	s6 =	sand.u32 $0xFFFFFFF0, s19  }
0xeb: {  	s6 =	sadd.s32 s29, s6;
	[tilespmem:s26+$0x70] =	vst v0  }
0xec: {  	v0 =	vld [tilespmem:s6+$0x6D00];
	_ =	sdelay $0x1  }
0xed: {  	s8 =	sadd.s32 $0x40, s5  }
0xee: {  	s6 =	sand.u32 $0xFFFFFFC0, s8  }
0xef: {  	s6 =	sshra.s32 s6, $0x2  }
0xf0: {  	s6 =	sadd.s32 s29, s6;
	[tilespmem:s26+$0x80] =	vst v0  }
0xf1: {  	v0 =	vld [tilespmem:s6+$0x6D00];
	_ =	sdelay $0x1  }
0xf2: {  	s9 =	sadd.s32 $0x80, s5  }
0xf3: {  	s6 =	sand.u32 $0xFFFFFFC0, s9  }
0xf4: {  	s6 =	sshra.s32 s6, $0x2  }
0xf5: {  	s6 =	sadd.s32 s29, s6;
	[tilespmem:s26+$0x90] =	vst v0  }
0xf6: {  	v0 =	vld [tilespmem:s6+$0x6D00];
	_ =	sdelay $0x1  }
0xf7: {  	s5 =	sadd.s32 $0xC0, s5  }
0xf8: {  	s5 =	sand.u32 $0xFFFFFFC0, s5  }
0xf9: {  	s5 =	sshra.s32 s5, $0x2  }
0xfa: {  	s5 =	sadd.s32 s29, s5;
	[tilespmem:s26+$0xA0] =	vst v0  }
0xfb: {  	v0 =	vld [tilespmem:s5+$0x6D00];
	_ =	sdelay $0x2  }
0xfc: {  	s10 =	sshra.s32 s11, $0x2  }
0xfd: {  	s5 =	sand.u32 $0xFFFFFFF0, s10  }
0xfe: {  	s5 =	sadd.s32 s29, s5;
	[tilespmem:s26+$0xB0] =	vst v0  }
0xff: {  	v0 =	vld [tilespmem:s5+$0x6D80];
	_ =	sdelay $0x1  }
0x100: {  	s13 =	sadd.s32 $0x40, s11  }
0x101: {  	s5 =	sand.u32 $0xFFFFFFC0, s13  }
0x102: {  	s5 =	sshra.s32 s5, $0x2  }
0x103: {  	s5 =	sadd.s32 s29, s5;
	[tilespmem:s26+$0xC0] =	vst v0  }
0x104: {  	v0 =	vld [tilespmem:s5+$0x6D80];
	_ =	sdelay $0x1  }
0x105: {  	s14 =	sadd.s32 $0x80, s11  }
0x106: {  	s5 =	sand.u32 $0xFFFFFFC0, s14  }
0x107: {  	s5 =	sshra.s32 s5, $0x2  }
0x108: {  	s5 =	sadd.s32 s29, s5;
	[tilespmem:s26+$0xD0] =	vst v0  }
0x109: {  	v0 =	vld [tilespmem:s5+$0x6D80];
	_ =	sdelay $0x1  }
0x10a: {  	s16 =	sadd.s32 $0xC0, s11  }
0x10b: {  	s5 =	sand.u32 $0xFFFFFFC0, s16  }
0x10c: {  	s5 =	sshra.s32 s5, $0x2  }
0x10d: {  	s5 =	sadd.s32 s29, s5;
	[tilespmem:s26+$0xE0] =	vst v0  }
0x10e: {  	v0 =	vld [tilespmem:s5+$0x6D80];
	_ =	sdelay $0x2  }
0x10f: {  	s17 =	sshra.s32 s0, $0x2  }
0x110: {  	s5 =	sand.u32 $0xFFFFFFF0, s17  }
0x111: {  	s5 =	sadd.s32 s29, s5;
	[tilespmem:s26+$0xF0] =	vst v0  }
0x112: {  	v0 =	vld [tilespmem:s5+$0x6E00];
	_ =	sdelay $0x1  }
0x113: {  	s18 =	sadd.s32 $0x40, s0  }
0x114: {  	s5 =	sand.u32 $0xFFFFFFC0, s18  }
0x115: {  	s5 =	sshra.s32 s5, $0x2  }
0x116: {  	s5 =	sadd.s32 s29, s5;
	[tilespmem:s26+$0x100] =	vst v0  }
0x117: {  	v0 =	vld [tilespmem:s5+$0x6E00];
	_ =	sdelay $0x1  }
0x118: {  	s19 =	sadd.s32 $0x80, s0  }
0x119: {  	s5 =	sand.u32 $0xFFFFFFC0, s19  }
0x11a: {  	s5 =	sshra.s32 s5, $0x2  }
0x11b: {  	s5 =	sadd.s32 s29, s5;
	[tilespmem:s26+$0x110] =	vst v0  }
0x11c: {  	v0 =	vld [tilespmem:s5+$0x6E00];
	_ =	sdelay $0x1  }
0x11d: {  	s0 =	sadd.s32 $0xC0, s0  }
0x11e: {  	s0 =	sand.u32 $0xFFFFFFC0, s0  }
0x11f: {  	s0 =	sshra.s32 s0, $0x2  }
0x120: {  	s0 =	sadd.s32 s29, s0;
	[tilespmem:s26+$0x120] =	vst v0  }
0x121: {  	v0 =	vld [tilespmem:s0+$0x6E00];
	_ =	sdelay $0x2  }
0x122: {  	s6 =	sshra.s32 s1, $0x2  }
0x123: {  	s0 =	sand.u32 $0xFFFFFFF0, s6  }
0x124: {  	s0 =	sadd.s32 s29, s0;
	[tilespmem:s26+$0x130] =	vst v0  }
0x125: {  	v0 =	vld [tilespmem:s0+$0x6E80];
	_ =	sdelay $0x1  }
0x126: {  	s8 =	sadd.s32 $0x40, s1  }
0x127: {  	s0 =	sand.u32 $0xFFFFFFC0, s8  }
0x128: {  	s0 =	sshra.s32 s0, $0x2  }
0x129: {  	s0 =	sadd.s32 s29, s0;
	[tilespmem:s26+$0x140] =	vst v0  }
0x12a: {  	v0 =	vld [tilespmem:s0+$0x6E80];
	_ =	sdelay $0x1  }
0x12b: {  	s9 =	sadd.s32 $0x80, s1  }
0x12c: {  	s0 =	sand.u32 $0xFFFFFFC0, s9  }
0x12d: {  	s0 =	sshra.s32 s0, $0x2  }
0x12e: {  	s0 =	sadd.s32 s29, s0;
	[tilespmem:s26+$0x150] =	vst v0  }
0x12f: {  	v0 =	vld [tilespmem:s0+$0x6E80];
	_ =	sdelay $0x1  }
0x130: {  	s10 =	sadd.s32 $0xC0, s1  }
0x131: {  	s0 =	sand.u32 $0xFFFFFFC0, s10  }
0x132: {  	s0 =	sshra.s32 s0, $0x2  }
0x133: {  	s0 =	sadd.s32 s29, s0;
	[tilespmem:s26+$0x160] =	vst v0  }
0x134: {  	v0 =	vld [tilespmem:s0+$0x6E80];
	_ =	sdelay $0x2  }
0x135: {  	s11 =	sshra.s32 s31, $0x2  }
0x136: {  	s0 =	sand.u32 $0xFFFFFFF0, s11  }
0x137: {  	s0 =	sadd.s32 s29, s0;
	[tilespmem:s26+$0x170] =	vst v0  }
0x138: {  	v0 =	vld [tilespmem:s0+$0x6F00];
	_ =	sdelay $0x1  }
0x139: {  	s13 =	sadd.s32 $0x40, s31  }
0x13a: {  	s0 =	sand.u32 $0xFFFFFFC0, s13  }
0x13b: {  	s0 =	sshra.s32 s0, $0x2  }
0x13c: {  	s0 =	sadd.s32 s29, s0;
	[tilespmem:s26+$0x180] =	vst v0  }
0x13d: {  	v0 =	vld [tilespmem:s0+$0x6F00];
	_ =	sdelay $0x1  }
0x13e: {  	s14 =	sadd.s32 $0x80, s31  }
0x13f: {  	s0 =	sand.u32 $0xFFFFFFC0, s14  }
0x140: {  	s0 =	sshra.s32 s0, $0x2  }
0x141: {  	s0 =	sadd.s32 s29, s0;
	[tilespmem:s26+$0x190] =	vst v0  }
0x142: {  	v0 =	vld [tilespmem:s0+$0x6F00];
	_ =	sdelay $0x1  }
0x143: {  	s16 =	sadd.s32 $0xC0, s31  }
0x144: {  	s0 =	sand.u32 $0xFFFFFFC0, s16  }
0x145: {  	s0 =	sshra.s32 s0, $0x2  }
0x146: {  	s0 =	sadd.s32 s29, s0;
	[tilespmem:s26+$0x1A0] =	vst v0  }
0x147: {  	v0 =	vld [tilespmem:s0+$0x6F00];
	_ =	sdelay $0x2  }
0x148: {  	s17 =	sshra.s32 s30, $0x2  }
0x149: {  	s0 =	sand.u32 $0xFFFFFFF0, s17  }
0x14a: {  	s0 =	sadd.s32 s29, s0;
	[tilespmem:s26+$0x1B0] =	vst v0  }
0x14b: {  	v0 =	vld [tilespmem:s0+$0x6F80];
	_ =	sdelay $0x1  }
0x14c: {  	s18 =	sadd.s32 $0x40, s30  }
0x14d: {  	s0 =	sand.u32 $0xFFFFFFC0, s18  }
0x14e: {  	s0 =	sshra.s32 s0, $0x2  }
0x14f: {  	s0 =	sadd.s32 s29, s0;
	[tilespmem:s26+$0x1C0] =	vst v0  }
0x150: {  	v0 =	vld [tilespmem:s0+$0x6F80];
	_ =	sdelay $0x1  }
0x151: {  	s19 =	sadd.s32 $0x80, s30  }
0x152: {  	s0 =	sand.u32 $0xFFFFFFC0, s19  }
0x153: {  	s0 =	sshra.s32 s0, $0x2  }
0x154: {  	s0 =	sadd.s32 s29, s0;
	[tilespmem:s26+$0x1D0] =	vst v0  }
0x155: {  	v0 =	vld [tilespmem:s0+$0x6F80];
	_ =	sdelay $0x1  }
0x156: {  	s31 =	sadd.s32 $0xC0, s30  }
0x157: {  	s0 =	sand.u32 $0xFFFFFFC0, s31  }
0x158: {  	s0 =	sshra.s32 s0, $0x2  }
0x159: {  	s0 =	sadd.s32 s29, s0;
	[tilespmem:s26+$0x1E0] =	vst v0  }
0x15a: {  	p0 =	sne.s32 s25, $0xE000;
	v0 =	vld [tilespmem:s0+$0x6F80]  }
.Ltmp0:
0x15b: {  	_ = 	snop;
	(pc) =	sbr.rel @p0 .LBB2_3-.Ltmp0, $2  }
0x15c: {  	_ =	sdelay $0x2  }
0x15d: {  	s28 =	sadd.s32 $0x10, s28;
	s25 =	sadd.s32 $0x2000, s25;
	[tilespmem:s26+$0x1F0] =	vst v0;
	s26 =	sadd.s32 $0x400, s26  }
0x15e: {  	s0 =	sshll.u32 s22, $0xE  }
0x15f: {  	s0 =	sadd.s32 s7, s0  }
0x160: {  	s0 =	sshrl.u32 s0, $0x3  }
0x161: {  	s1 =	simm.s32 $0xE800;
	p0 =	seq.s32 s22, $0x33;
	s0 =	sadd.s32 s4, s0  }
0x162: {  	[hbm4b:s0+s2] =	stream.linear.scatter [tilespmem:s1], [sflag:$0x3], $0x2000, $0x38;
	[tilespmem:$0x12800] =	vst v63  }
0x163: {  	p1 =	seq.s32 @!p0 s22, $0x0;
	_ =	swait.ge [sflag:s15], $0x4000  }
0x164: {  	s5 =	simm.s32 @!p0 $0x6800;
	s0 =	sshrl.u32 @!p0 s24, $0x2;
	[sflag:s15] =	ssyncset.done $0x0  }
0x165: {  	s1 =	simm.s32 @!p0 $0x80;
	s0 =	sadd.s32 @!p0 $0x100, s0;
	[sflag:s15] =	ssyncadd.s32 $0xFFFFC000  }
0x166: {  	[tilespmem:s5], [sflag:$0x1] =	stream.indirect.gather @!p0 [hbm4b:s3+s1], $0x80, s0, s1, $0xb8;
	[tilespmem:$0x12800] =	vst v63  }
0x167: {  	p0 =	por p0, !p1  }
0x168: {  	s0 =	simm.s32 @p0 $0x4  }
0x169: {  	_ =	swait.ge @p0 [sflag:s0], $0x2000  }
0x16a: {  	s25 =	simm.s32 $0x10A00;
	[sflag:s0] =	ssyncset.done @p0 $0x0  }
0x16b: {  	s26 =	smov.u32 s21;
	s24 =	simm.s32 $0x0;
	[sflag:s0] =	ssyncadd.s32 @p0 $0xFFFFE000  }
.LBB2_5:
0x16c: {  	v0 =	vld [tilespmem:s26+$0x0];
	_ =	sdelay $0x4  }
0x16d: {  	v0 =	vshll.u32 v0, $0x2  }
0x16e: {  	(v2sf) =	vpush v0, $0x0;
	_ =	sdelay $0x9  }
0x16f: {  	(v2sf) =	vpush v0, $0xF  }
0x170: {  	(v2sf) =	vpush v0, $0xE  }
0x171: {  	(v2sf) =	vpush v0, $0xD  }
0x172: {  	(v2sf) =	vpush v0, $0xC  }
0x173: {  	(v2sf) =	vpush v0, $0xB  }
0x174: {  	s9 =	spop (v2sf);
	(v2sf) =	vpush v0, $0xA  }
0x175: {  	s0 =	sshra.s32 s9, $0x2;
	(v2sf) =	vpush v0, $0x9  }
0x176: {  	s28 =	sshra.s32 s24, $0x2;
	s0 =	sand.u32 $0xFFFFFFF0, s0;
	(v2sf) =	vpush v0, $0x8  }
0x177: {  	s0 =	sadd.s32 s28, s0;
	(v2sf) =	vpush v0, $0x7  }
0x178: {  	v1 =	vld [tilespmem:s0+$0xA800];
	(v2sf) =	vpush v0, $0x6  }
0x179: {  	(v2sf) =	vpush v0, $0x5  }
0x17a: {  	s30 =	sadd.s32 $0x40, s9;
	(v2sf) =	vpush v0, $0x4  }
0x17b: {  	s0 =	sand.u32 $0xFFFFFFC0, s30;
	(v2sf) =	vpush v0, $0x3  }
0x17c: {  	s0 =	sshra.s32 s0, $0x2;
	(v2sf) =	vpush v0, $0x2  }
0x17d: {  	s0 =	sadd.s32 s28, s0;
	[tilespmem:s25+$0xFFFFFE00] =	vst v1;
	(v2sf) =	vpush v0, $0x1  }
0x17e: {  	s29 =	spop (v2sf);
	v63 =	vld [tilespmem:s0+$0xA800]  }
0x17f: {  	s30 =	spop (v2sf)  }
0x180: {  	s5 =	sadd.s32 $0x80, s9;
	s1 =	spop (v2sf)  }
0x181: {  	s5 =	sand.u32 $0xFFFFFFC0, s5;
	s0 =	spop (v2sf)  }
0x182: {  	s6 =	sshra.s32 s5, $0x2;
	s11 =	spop (v2sf)  }
0x183: {  	s8 =	sadd.s32 s28, s6;
	s5 =	spop (v2sf);
	[tilespmem:s25+$0xFFFFFE10] =	vst v63  }
0x184: {  	s6 =	spop (v2sf);
	v0 =	vld [tilespmem:s8+$0xA800]  }
0x185: {  	s8 =	spop (v2sf)  }
0x186: {  	s10 =	sadd.s32 $0xC0, s9;
	s17 =	spop (v2sf)  }
0x187: {  	s10 =	sand.u32 $0xFFFFFFC0, s10;
	s9 =	spop (v2sf)  }
0x188: {  	s10 =	sshra.s32 s10, $0x2;
	s19 =	spop (v2sf)  }
0x189: {  	s10 =	sadd.s32 s28, s10;
	s13 =	spop (v2sf);
	[tilespmem:s25+$0xFFFFFE20] =	vst v0  }
0x18a: {  	s14 =	spop (v2sf);
	v0 =	vld [tilespmem:s10+$0xA800]  }
0x18b: {  	s10 =	spop (v2sf)  }
0x18c: {  	s16 =	spop (v2sf)  }
0x18d: {  	s18 =	sshra.s32 s16, $0x2  }
0x18e: {  	s18 =	sand.u32 $0xFFFFFFF0, s18  }
0x18f: {  	[tilespmem:s25+$0xFFFFFE30] =	vst v0;
	s18 =	sadd.s32 s28, s18  }
0x190: {  	v0 =	vld [tilespmem:s18+$0xA880];
	_ =	sdelay $0x1  }
0x191: {  	s31 =	sadd.s32 $0x40, s16  }
0x192: {  	s18 =	sand.u32 $0xFFFFFFC0, s31  }
0x193: {  	s18 =	sshra.s32 s18, $0x2  }
0x194: {  	s18 =	sadd.s32 s28, s18;
	[tilespmem:s25+$0xFFFFFE40] =	vst v0  }
0x195: {  	v0 =	vld [tilespmem:s18+$0xA880];
	_ =	sdelay $0x1  }
0x196: {  	s31 =	sadd.s32 $0x80, s16  }
0x197: {  	s18 =	sand.u32 $0xFFFFFFC0, s31  }
0x198: {  	s18 =	sshra.s32 s18, $0x2  }
0x199: {  	s18 =	sadd.s32 s28, s18;
	[tilespmem:s25+$0xFFFFFE50] =	vst v0  }
0x19a: {  	v0 =	vld [tilespmem:s18+$0xA880];
	_ =	sdelay $0x1  }
0x19b: {  	s16 =	sadd.s32 $0xC0, s16  }
0x19c: {  	s16 =	sand.u32 $0xFFFFFFC0, s16  }
0x19d: {  	s16 =	sshra.s32 s16, $0x2  }
0x19e: {  	s16 =	sadd.s32 s28, s16;
	[tilespmem:s25+$0xFFFFFE60] =	vst v0  }
0x19f: {  	v0 =	vld [tilespmem:s16+$0xA880];
	_ =	sdelay $0x2  }
0x1a0: {  	s31 =	sshra.s32 s10, $0x2  }
0x1a1: {  	s16 =	sand.u32 $0xFFFFFFF0, s31  }
0x1a2: {  	s16 =	sadd.s32 s28, s16;
	[tilespmem:s25+$0xFFFFFE70] =	vst v0  }
0x1a3: {  	v0 =	vld [tilespmem:s16+$0xA900];
	_ =	sdelay $0x1  }
0x1a4: {  	s18 =	sadd.s32 $0x40, s10  }
0x1a5: {  	s16 =	sand.u32 $0xFFFFFFC0, s18  }
0x1a6: {  	s16 =	sshra.s32 s16, $0x2  }
0x1a7: {  	s16 =	sadd.s32 s28, s16;
	[tilespmem:s25+$0xFFFFFE80] =	vst v0  }
0x1a8: {  	v0 =	vld [tilespmem:s16+$0xA900];
	_ =	sdelay $0x1  }
0x1a9: {  	s31 =	sadd.s32 $0x80, s10  }
0x1aa: {  	s16 =	sand.u32 $0xFFFFFFC0, s31  }
0x1ab: {  	s16 =	sshra.s32 s16, $0x2  }
0x1ac: {  	s16 =	sadd.s32 s28, s16;
	[tilespmem:s25+$0xFFFFFE90] =	vst v0  }
0x1ad: {  	v0 =	vld [tilespmem:s16+$0xA900];
	_ =	sdelay $0x1  }
0x1ae: {  	s10 =	sadd.s32 $0xC0, s10  }
0x1af: {  	s10 =	sand.u32 $0xFFFFFFC0, s10  }
0x1b0: {  	s10 =	sshra.s32 s10, $0x2  }
0x1b1: {  	s10 =	sadd.s32 s28, s10;
	[tilespmem:s25+$0xFFFFFEA0] =	vst v0  }
0x1b2: {  	v0 =	vld [tilespmem:s10+$0xA900];
	_ =	sdelay $0x2  }
0x1b3: {  	s16 =	sshra.s32 s14, $0x2  }
0x1b4: {  	s10 =	sand.u32 $0xFFFFFFF0, s16  }
0x1b5: {  	s10 =	sadd.s32 s28, s10;
	[tilespmem:s25+$0xFFFFFEB0] =	vst v0  }
0x1b6: {  	v0 =	vld [tilespmem:s10+$0xA980];
	_ =	sdelay $0x1  }
0x1b7: {  	s18 =	sadd.s32 $0x40, s14  }
0x1b8: {  	s10 =	sand.u32 $0xFFFFFFC0, s18  }
0x1b9: {  	s10 =	sshra.s32 s10, $0x2  }
0x1ba: {  	s10 =	sadd.s32 s28, s10;
	[tilespmem:s25+$0xFFFFFEC0] =	vst v0  }
0x1bb: {  	v0 =	vld [tilespmem:s10+$0xA980];
	_ =	sdelay $0x1  }
0x1bc: {  	s31 =	sadd.s32 $0x80, s14  }
0x1bd: {  	s10 =	sand.u32 $0xFFFFFFC0, s31  }
0x1be: {  	s10 =	sshra.s32 s10, $0x2  }
0x1bf: {  	s10 =	sadd.s32 s28, s10;
	[tilespmem:s25+$0xFFFFFED0] =	vst v0  }
0x1c0: {  	v0 =	vld [tilespmem:s10+$0xA980];
	_ =	sdelay $0x1  }
0x1c1: {  	s14 =	sadd.s32 $0xC0, s14  }
0x1c2: {  	s10 =	sand.u32 $0xFFFFFFC0, s14  }
0x1c3: {  	s10 =	sshra.s32 s10, $0x2  }
0x1c4: {  	s10 =	sadd.s32 s28, s10;
	[tilespmem:s25+$0xFFFFFEE0] =	vst v0  }
0x1c5: {  	v0 =	vld [tilespmem:s10+$0xA980];
	_ =	sdelay $0x2  }
0x1c6: {  	s16 =	sshra.s32 s13, $0x2  }
0x1c7: {  	s10 =	sand.u32 $0xFFFFFFF0, s16  }
0x1c8: {  	s10 =	sadd.s32 s28, s10;
	[tilespmem:s25+$0xFFFFFEF0] =	vst v0  }
0x1c9: {  	v0 =	vld [tilespmem:s10+$0xAA00];
	_ =	sdelay $0x1  }
0x1ca: {  	s18 =	sadd.s32 $0x40, s13  }
0x1cb: {  	s10 =	sand.u32 $0xFFFFFFC0, s18  }
0x1cc: {  	s10 =	sshra.s32 s10, $0x2  }
0x1cd: {  	s10 =	sadd.s32 s28, s10;
	[tilespmem:s25+$0xFFFFFF00] =	vst v0  }
0x1ce: {  	v0 =	vld [tilespmem:s10+$0xAA00];
	_ =	sdelay $0x1  }
0x1cf: {  	s31 =	sadd.s32 $0x80, s13  }
0x1d0: {  	s10 =	sand.u32 $0xFFFFFFC0, s31  }
0x1d1: {  	s10 =	sshra.s32 s10, $0x2  }
0x1d2: {  	s10 =	sadd.s32 s28, s10;
	[tilespmem:s25+$0xFFFFFF10] =	vst v0  }
0x1d3: {  	v0 =	vld [tilespmem:s10+$0xAA00];
	_ =	sdelay $0x1  }
0x1d4: {  	s14 =	sadd.s32 $0xC0, s13  }
0x1d5: {  	s10 =	sand.u32 $0xFFFFFFC0, s14  }
0x1d6: {  	s10 =	sshra.s32 s10, $0x2  }
0x1d7: {  	s10 =	sadd.s32 s28, s10;
	[tilespmem:s25+$0xFFFFFF20] =	vst v0  }
0x1d8: {  	v0 =	vld [tilespmem:s10+$0xAA00];
	_ =	sdelay $0x2  }
0x1d9: {  	s16 =	sshra.s32 s19, $0x2  }
0x1da: {  	s10 =	sand.u32 $0xFFFFFFF0, s16  }
0x1db: {  	s10 =	sadd.s32 s28, s10;
	[tilespmem:s25+$0xFFFFFF30] =	vst v0  }
0x1dc: {  	v0 =	vld [tilespmem:s10+$0xAA80];
	_ =	sdelay $0x1  }
0x1dd: {  	s18 =	sadd.s32 $0x40, s19  }
0x1de: {  	s10 =	sand.u32 $0xFFFFFFC0, s18  }
0x1df: {  	s10 =	sshra.s32 s10, $0x2  }
0x1e0: {  	s10 =	sadd.s32 s28, s10;
	[tilespmem:s25+$0xFFFFFF40] =	vst v0  }
0x1e1: {  	v0 =	vld [tilespmem:s10+$0xAA80];
	_ =	sdelay $0x1  }
0x1e2: {  	s31 =	sadd.s32 $0x80, s19  }
0x1e3: {  	s10 =	sand.u32 $0xFFFFFFC0, s31  }
0x1e4: {  	s10 =	sshra.s32 s10, $0x2  }
0x1e5: {  	s10 =	sadd.s32 s28, s10;
	[tilespmem:s25+$0xFFFFFF50] =	vst v0  }
0x1e6: {  	v0 =	vld [tilespmem:s10+$0xAA80];
	_ =	sdelay $0x1  }
0x1e7: {  	s13 =	sadd.s32 $0xC0, s19  }
0x1e8: {  	s10 =	sand.u32 $0xFFFFFFC0, s13  }
0x1e9: {  	s10 =	sshra.s32 s10, $0x2  }
0x1ea: {  	s10 =	sadd.s32 s28, s10;
	[tilespmem:s25+$0xFFFFFF60] =	vst v0  }
0x1eb: {  	v0 =	vld [tilespmem:s10+$0xAA80];
	_ =	sdelay $0x2  }
0x1ec: {  	s14 =	sshra.s32 s9, $0x2  }
0x1ed: {  	s10 =	sand.u32 $0xFFFFFFF0, s14  }
0x1ee: {  	s10 =	sadd.s32 s28, s10;
	[tilespmem:s25+$0xFFFFFF70] =	vst v0  }
0x1ef: {  	v0 =	vld [tilespmem:s10+$0xAB00];
	_ =	sdelay $0x1  }
0x1f0: {  	s16 =	sadd.s32 $0x40, s9  }
0x1f1: {  	s10 =	sand.u32 $0xFFFFFFC0, s16  }
0x1f2: {  	s10 =	sshra.s32 s10, $0x2  }
0x1f3: {  	s10 =	sadd.s32 s28, s10;
	[tilespmem:s25+$0xFFFFFF80] =	vst v0  }
0x1f4: {  	v0 =	vld [tilespmem:s10+$0xAB00];
	_ =	sdelay $0x1  }
0x1f5: {  	s18 =	sadd.s32 $0x80, s9  }
0x1f6: {  	s10 =	sand.u32 $0xFFFFFFC0, s18  }
0x1f7: {  	s10 =	sshra.s32 s10, $0x2  }
0x1f8: {  	s10 =	sadd.s32 s28, s10;
	[tilespmem:s25+$0xFFFFFF90] =	vst v0  }
0x1f9: {  	v0 =	vld [tilespmem:s10+$0xAB00];
	_ =	sdelay $0x1  }
0x1fa: {  	s9 =	sadd.s32 $0xC0, s9  }
0x1fb: {  	s9 =	sand.u32 $0xFFFFFFC0, s9  }
0x1fc: {  	s9 =	sshra.s32 s9, $0x2  }
0x1fd: {  	s9 =	sadd.s32 s28, s9;
	[tilespmem:s25+$0xFFFFFFA0] =	vst v0  }
0x1fe: {  	v0 =	vld [tilespmem:s9+$0xAB00];
	_ =	sdelay $0x2  }
0x1ff: {  	s19 =	sshra.s32 s17, $0x2  }
0x200: {  	s9 =	sand.u32 $0xFFFFFFF0, s19  }
0x201: {  	s9 =	sadd.s32 s28, s9;
	[tilespmem:s25+$0xFFFFFFB0] =	vst v0  }
0x202: {  	v0 =	vld [tilespmem:s9+$0xAB80];
	_ =	sdelay $0x1  }
0x203: {  	s31 =	sadd.s32 $0x40, s17  }
0x204: {  	s9 =	sand.u32 $0xFFFFFFC0, s31  }
0x205: {  	s9 =	sshra.s32 s9, $0x2  }
0x206: {  	s9 =	sadd.s32 s28, s9;
	[tilespmem:s25+$0xFFFFFFC0] =	vst v0  }
0x207: {  	v0 =	vld [tilespmem:s9+$0xAB80];
	_ =	sdelay $0x1  }
0x208: {  	s10 =	sadd.s32 $0x80, s17  }
0x209: {  	s9 =	sand.u32 $0xFFFFFFC0, s10  }
0x20a: {  	s9 =	sshra.s32 s9, $0x2  }
0x20b: {  	s9 =	sadd.s32 s28, s9;
	[tilespmem:s25+$0xFFFFFFD0] =	vst v0  }
0x20c: {  	v0 =	vld [tilespmem:s9+$0xAB80];
	_ =	sdelay $0x1  }
0x20d: {  	s13 =	sadd.s32 $0xC0, s17  }
0x20e: {  	s9 =	sand.u32 $0xFFFFFFC0, s13  }
0x20f: {  	s9 =	sshra.s32 s9, $0x2  }
0x210: {  	s9 =	sadd.s32 s28, s9;
	[tilespmem:s25+$0xFFFFFFE0] =	vst v0  }
0x211: {  	v0 =	vld [tilespmem:s9+$0xAB80];
	_ =	sdelay $0x2  }
0x212: {  	s14 =	sshra.s32 s8, $0x2  }
0x213: {  	s9 =	sand.u32 $0xFFFFFFF0, s14  }
0x214: {  	s9 =	sadd.s32 s28, s9;
	[tilespmem:s25+$0xFFFFFFF0] =	vst v0  }
0x215: {  	v0 =	vld [tilespmem:s9+$0xAC00];
	_ =	sdelay $0x1  }
0x216: {  	s16 =	sadd.s32 $0x40, s8  }
0x217: {  	s9 =	sand.u32 $0xFFFFFFC0, s16  }
0x218: {  	s9 =	sshra.s32 s9, $0x2  }
0x219: {  	s9 =	sadd.s32 s28, s9;
	[tilespmem:s25+$0x0] =	vst v0  }
0x21a: {  	v0 =	vld [tilespmem:s9+$0xAC00];
	_ =	sdelay $0x1  }
0x21b: {  	s17 =	sadd.s32 $0x80, s8  }
0x21c: {  	s9 =	sand.u32 $0xFFFFFFC0, s17  }
0x21d: {  	s9 =	sshra.s32 s9, $0x2  }
0x21e: {  	s9 =	sadd.s32 s28, s9;
	[tilespmem:s25+$0x10] =	vst v0  }
0x21f: {  	v0 =	vld [tilespmem:s9+$0xAC00];
	_ =	sdelay $0x1  }
0x220: {  	s8 =	sadd.s32 $0xC0, s8  }
0x221: {  	s8 =	sand.u32 $0xFFFFFFC0, s8  }
0x222: {  	s8 =	sshra.s32 s8, $0x2  }
0x223: {  	s8 =	sadd.s32 s28, s8;
	[tilespmem:s25+$0x20] =	vst v0  }
0x224: {  	v0 =	vld [tilespmem:s8+$0xAC00];
	_ =	sdelay $0x2  }
0x225: {  	s18 =	sshra.s32 s6, $0x2  }
0x226: {  	s8 =	sand.u32 $0xFFFFFFF0, s18  }
0x227: {  	s8 =	sadd.s32 s28, s8;
	[tilespmem:s25+$0x30] =	vst v0  }
0x228: {  	v0 =	vld [tilespmem:s8+$0xAC80];
	_ =	sdelay $0x1  }
0x229: {  	s19 =	sadd.s32 $0x40, s6  }
0x22a: {  	s8 =	sand.u32 $0xFFFFFFC0, s19  }
0x22b: {  	s8 =	sshra.s32 s8, $0x2  }
0x22c: {  	s8 =	sadd.s32 s28, s8;
	[tilespmem:s25+$0x40] =	vst v0  }
0x22d: {  	v0 =	vld [tilespmem:s8+$0xAC80];
	_ =	sdelay $0x1  }
0x22e: {  	s31 =	sadd.s32 $0x80, s6  }
0x22f: {  	s8 =	sand.u32 $0xFFFFFFC0, s31  }
0x230: {  	s8 =	sshra.s32 s8, $0x2  }
0x231: {  	s8 =	sadd.s32 s28, s8;
	[tilespmem:s25+$0x50] =	vst v0  }
0x232: {  	v0 =	vld [tilespmem:s8+$0xAC80];
	_ =	sdelay $0x1  }
0x233: {  	s6 =	sadd.s32 $0xC0, s6  }
0x234: {  	s6 =	sand.u32 $0xFFFFFFC0, s6  }
0x235: {  	s6 =	sshra.s32 s6, $0x2  }
0x236: {  	s6 =	sadd.s32 s28, s6;
	[tilespmem:s25+$0x60] =	vst v0  }
0x237: {  	v0 =	vld [tilespmem:s6+$0xAC80];
	_ =	sdelay $0x2  }
0x238: {  	s9 =	sshra.s32 s5, $0x2  }
0x239: {  	s6 =	sand.u32 $0xFFFFFFF0, s9  }
0x23a: {  	s6 =	sadd.s32 s28, s6;
	[tilespmem:s25+$0x70] =	vst v0  }
0x23b: {  	v0 =	vld [tilespmem:s6+$0xAD00];
	_ =	sdelay $0x1  }
0x23c: {  	s10 =	sadd.s32 $0x40, s5  }
0x23d: {  	s6 =	sand.u32 $0xFFFFFFC0, s10  }
0x23e: {  	s6 =	sshra.s32 s6, $0x2  }
0x23f: {  	s6 =	sadd.s32 s28, s6;
	[tilespmem:s25+$0x80] =	vst v0  }
0x240: {  	v0 =	vld [tilespmem:s6+$0xAD00];
	_ =	sdelay $0x1  }
0x241: {  	s13 =	sadd.s32 $0x80, s5  }
0x242: {  	s6 =	sand.u32 $0xFFFFFFC0, s13  }
0x243: {  	s6 =	sshra.s32 s6, $0x2  }
0x244: {  	s6 =	sadd.s32 s28, s6;
	[tilespmem:s25+$0x90] =	vst v0  }
0x245: {  	v0 =	vld [tilespmem:s6+$0xAD00];
	_ =	sdelay $0x1  }
0x246: {  	s5 =	sadd.s32 $0xC0, s5  }
0x247: {  	s5 =	sand.u32 $0xFFFFFFC0, s5  }
0x248: {  	s5 =	sshra.s32 s5, $0x2  }
0x249: {  	s5 =	sadd.s32 s28, s5;
	[tilespmem:s25+$0xA0] =	vst v0  }
0x24a: {  	v0 =	vld [tilespmem:s5+$0xAD00];
	_ =	sdelay $0x2  }
0x24b: {  	s14 =	sshra.s32 s11, $0x2  }
0x24c: {  	s5 =	sand.u32 $0xFFFFFFF0, s14  }
0x24d: {  	s5 =	sadd.s32 s28, s5;
	[tilespmem:s25+$0xB0] =	vst v0  }
0x24e: {  	v0 =	vld [tilespmem:s5+$0xAD80];
	_ =	sdelay $0x1  }
0x24f: {  	s16 =	sadd.s32 $0x40, s11  }
0x250: {  	s5 =	sand.u32 $0xFFFFFFC0, s16  }
0x251: {  	s5 =	sshra.s32 s5, $0x2  }
0x252: {  	s5 =	sadd.s32 s28, s5;
	[tilespmem:s25+$0xC0] =	vst v0  }
0x253: {  	v0 =	vld [tilespmem:s5+$0xAD80];
	_ =	sdelay $0x1  }
0x254: {  	s17 =	sadd.s32 $0x80, s11  }
0x255: {  	s5 =	sand.u32 $0xFFFFFFC0, s17  }
0x256: {  	s5 =	sshra.s32 s5, $0x2  }
0x257: {  	s5 =	sadd.s32 s28, s5;
	[tilespmem:s25+$0xD0] =	vst v0  }
0x258: {  	v0 =	vld [tilespmem:s5+$0xAD80];
	_ =	sdelay $0x1  }
0x259: {  	s18 =	sadd.s32 $0xC0, s11  }
0x25a: {  	s5 =	sand.u32 $0xFFFFFFC0, s18  }
0x25b: {  	s5 =	sshra.s32 s5, $0x2  }
0x25c: {  	s5 =	sadd.s32 s28, s5;
	[tilespmem:s25+$0xE0] =	vst v0  }
0x25d: {  	v0 =	vld [tilespmem:s5+$0xAD80];
	_ =	sdelay $0x2  }
0x25e: {  	s19 =	sshra.s32 s0, $0x2  }
0x25f: {  	s5 =	sand.u32 $0xFFFFFFF0, s19  }
0x260: {  	s5 =	sadd.s32 s28, s5;
	[tilespmem:s25+$0xF0] =	vst v0  }
0x261: {  	v0 =	vld [tilespmem:s5+$0xAE00];
	_ =	sdelay $0x1  }
0x262: {  	s31 =	sadd.s32 $0x40, s0  }
0x263: {  	s5 =	sand.u32 $0xFFFFFFC0, s31  }
0x264: {  	s5 =	sshra.s32 s5, $0x2  }
0x265: {  	s5 =	sadd.s32 s28, s5;
	[tilespmem:s25+$0x100] =	vst v0  }
0x266: {  	v0 =	vld [tilespmem:s5+$0xAE00];
	_ =	sdelay $0x1  }
0x267: {  	s6 =	sadd.s32 $0x80, s0  }
0x268: {  	s5 =	sand.u32 $0xFFFFFFC0, s6  }
0x269: {  	s5 =	sshra.s32 s5, $0x2  }
0x26a: {  	s5 =	sadd.s32 s28, s5;
	[tilespmem:s25+$0x110] =	vst v0  }
0x26b: {  	v0 =	vld [tilespmem:s5+$0xAE00];
	_ =	sdelay $0x1  }
0x26c: {  	s0 =	sadd.s32 $0xC0, s0  }
0x26d: {  	s0 =	sand.u32 $0xFFFFFFC0, s0  }
0x26e: {  	s0 =	sshra.s32 s0, $0x2  }
0x26f: {  	s0 =	sadd.s32 s28, s0;
	[tilespmem:s25+$0x120] =	vst v0  }
0x270: {  	v0 =	vld [tilespmem:s0+$0xAE00];
	_ =	sdelay $0x2  }
0x271: {  	s8 =	sshra.s32 s1, $0x2  }
0x272: {  	s0 =	sand.u32 $0xFFFFFFF0, s8  }
0x273: {  	s0 =	sadd.s32 s28, s0;
	[tilespmem:s25+$0x130] =	vst v0  }
0x274: {  	v0 =	vld [tilespmem:s0+$0xAE80];
	_ =	sdelay $0x1  }
0x275: {  	s9 =	sadd.s32 $0x40, s1  }
0x276: {  	s0 =	sand.u32 $0xFFFFFFC0, s9  }
0x277: {  	s0 =	sshra.s32 s0, $0x2  }
0x278: {  	s0 =	sadd.s32 s28, s0;
	[tilespmem:s25+$0x140] =	vst v0  }
0x279: {  	v0 =	vld [tilespmem:s0+$0xAE80];
	_ =	sdelay $0x1  }
0x27a: {  	s10 =	sadd.s32 $0x80, s1  }
0x27b: {  	s0 =	sand.u32 $0xFFFFFFC0, s10  }
0x27c: {  	s0 =	sshra.s32 s0, $0x2  }
0x27d: {  	s0 =	sadd.s32 s28, s0;
	[tilespmem:s25+$0x150] =	vst v0  }
0x27e: {  	v0 =	vld [tilespmem:s0+$0xAE80];
	_ =	sdelay $0x1  }
0x27f: {  	s11 =	sadd.s32 $0xC0, s1  }
0x280: {  	s0 =	sand.u32 $0xFFFFFFC0, s11  }
0x281: {  	s0 =	sshra.s32 s0, $0x2  }
0x282: {  	s0 =	sadd.s32 s28, s0;
	[tilespmem:s25+$0x160] =	vst v0  }
0x283: {  	v0 =	vld [tilespmem:s0+$0xAE80];
	_ =	sdelay $0x2  }
0x284: {  	s13 =	sshra.s32 s30, $0x2  }
0x285: {  	s0 =	sand.u32 $0xFFFFFFF0, s13  }
0x286: {  	s0 =	sadd.s32 s28, s0;
	[tilespmem:s25+$0x170] =	vst v0  }
0x287: {  	v0 =	vld [tilespmem:s0+$0xAF00];
	_ =	sdelay $0x1  }
0x288: {  	s14 =	sadd.s32 $0x40, s30  }
0x289: {  	s0 =	sand.u32 $0xFFFFFFC0, s14  }
0x28a: {  	s0 =	sshra.s32 s0, $0x2  }
0x28b: {  	s0 =	sadd.s32 s28, s0;
	[tilespmem:s25+$0x180] =	vst v0  }
0x28c: {  	v0 =	vld [tilespmem:s0+$0xAF00];
	_ =	sdelay $0x1  }
0x28d: {  	s16 =	sadd.s32 $0x80, s30  }
0x28e: {  	s0 =	sand.u32 $0xFFFFFFC0, s16  }
0x28f: {  	s0 =	sshra.s32 s0, $0x2  }
0x290: {  	s0 =	sadd.s32 s28, s0;
	[tilespmem:s25+$0x190] =	vst v0  }
0x291: {  	v0 =	vld [tilespmem:s0+$0xAF00];
	_ =	sdelay $0x1  }
0x292: {  	s17 =	sadd.s32 $0xC0, s30  }
0x293: {  	s0 =	sand.u32 $0xFFFFFFC0, s17  }
0x294: {  	s0 =	sshra.s32 s0, $0x2  }
0x295: {  	s0 =	sadd.s32 s28, s0;
	[tilespmem:s25+$0x1A0] =	vst v0  }
0x296: {  	v0 =	vld [tilespmem:s0+$0xAF00];
	_ =	sdelay $0x2  }
0x297: {  	s18 =	sshra.s32 s29, $0x2  }
0x298: {  	s0 =	sand.u32 $0xFFFFFFF0, s18  }
0x299: {  	s0 =	sadd.s32 s28, s0;
	[tilespmem:s25+$0x1B0] =	vst v0  }
0x29a: {  	v0 =	vld [tilespmem:s0+$0xAF80];
	_ =	sdelay $0x1  }
0x29b: {  	s19 =	sadd.s32 $0x40, s29  }
0x29c: {  	s0 =	sand.u32 $0xFFFFFFC0, s19  }
0x29d: {  	s0 =	sshra.s32 s0, $0x2  }
0x29e: {  	s0 =	sadd.s32 s28, s0;
	[tilespmem:s25+$0x1C0] =	vst v0  }
0x29f: {  	v0 =	vld [tilespmem:s0+$0xAF80];
	_ =	sdelay $0x1  }
0x2a0: {  	s30 =	sadd.s32 $0x80, s29  }
0x2a1: {  	s0 =	sand.u32 $0xFFFFFFC0, s30  }
0x2a2: {  	s0 =	sshra.s32 s0, $0x2  }
0x2a3: {  	s0 =	sadd.s32 s28, s0;
	[tilespmem:s25+$0x1D0] =	vst v0  }
0x2a4: {  	v0 =	vld [tilespmem:s0+$0xAF80];
	_ =	sdelay $0x1  }
0x2a5: {  	s31 =	sadd.s32 $0xC0, s29  }
0x2a6: {  	s0 =	sand.u32 $0xFFFFFFC0, s31  }
0x2a7: {  	s0 =	sshra.s32 s0, $0x2  }
0x2a8: {  	s0 =	sadd.s32 s28, s0;
	[tilespmem:s25+$0x1E0] =	vst v0  }
0x2a9: {  	p0 =	sne.s32 s24, $0xE000;
	v0 =	vld [tilespmem:s0+$0xAF80]  }
.Ltmp1:
0x2aa: {  	_ = 	snop;
	(pc) =	sbr.rel @p0 .LBB2_5-.Ltmp1, $2  }
0x2ab: {  	_ =	sdelay $0x2  }
0x2ac: {  	s26 =	sadd.s32 $0x10, s26;
	s24 =	sadd.s32 $0x2000, s24;
	[tilespmem:s25+$0x1F0] =	vst v0;
	s25 =	sadd.s32 $0x400, s25  }
0x2ad: {  	s22 =	sadd.s32 $0x1, s22  }
0x2ae: {  	p0 =	sne.s32 s22, $0x34  }
.Ltmp2:
0x2af: {  	s0 =	sshll.u32 s23, $0xD;
	(pc) =	sbr.rel @p0 .LBB2_2-.Ltmp2, $4  }
0x2b0: {  	s0 =	sadd.s32 s7, s0  }
0x2b1: {  	s1 =	simm.s32 $0x10800;
	s0 =	sshrl.u32 s0, $0x3  }
0x2b2: {  	s20 =	sadd.s32 $0x100, s20;
	s21 =	sadd.s32 $0x100, s21;
	s0 =	sadd.s32 s4, s0  }
0x2b3: {  	[hbm4b:s0+s2] =	stream.linear.scatter [tilespmem:s1], [sflag:$0x4], $0x2000, $0x38;
	[tilespmem:$0x12800] =	vst v63  }
0x2b4: {  	s0 =	simm.s32 $0x3  }
0x2b5: {  	_ =	swait.ge [sflag:s0], $0x2000  }
0x2b6: {  	[sflag:s0] =	ssyncset.done $0x0  }
0x2b7: {  	s1 =	simm.s32 $0x4;
	[sflag:s0] =	ssyncadd.s32 $0xFFFFE000  }
0x2b8: {  	_ =	swait.ge [sflag:s1], $0x2000  }
0x2b9: {  	s5 =	rddreg [dreg:$0x5]  }
0x2ba: {  	s31 =	rddreg [dreg:$0x4];
	s5 =	sadd.s32 $0x1, s5  }
0x2bb: {  	p0 =	sne.s32 s5, s31  }
.Ltmp3:
0x2bc: {  	_ = 	snop;
	(pc) =	sbr.rel @p0 .LBB2_1-.Ltmp3, $3  }
0x2bd: {  	_ =	sdelay $0x1  }
0x2be: {  	[sflag:s1] =	ssyncset.done $0x0  }
0x2bf: {  	[sflag:s1] =	ssyncadd.s32 $0xFFFFE000  }
0x2c0: {  	_ =	sfence.sel $0x180000  }
0x2c1: {  	[bflag:$0x0] =	sbarrier.arrive $0xFFFF  }
0x2c2: {  	_ =	strace $0x90000047  }
0x2c3: {  	s0 =	stileid.u32;
	[bflag:$0x2] =	sbarrier.arrive $0xFFFF  }
0x2c4: {  	p0 =	sne.s32 s0, $0x0;
	s0 =	rddreg [dreg:$0x1]  }
0x2c5: {  	s0 =	sadd.s32 @!p0 $0x100000, s0  }
0x2c6: {  	[sflag:s0] =	ssyncadd.tile.s32 @!p0 $0x1;
	_ =	shalt  }
.Lfunc_end2:
_tile_overlayer_lowered:
.L_overlay_start_2:
0x2c7: {  	(tag) =	ssettag $0x2  }
0x2c8: {  	s0 =	rddreg [dreg:$0x0];
	s2 =	stileid.u32  }
0x2c9: {  	s1 =	rddreg [dreg:$0x1];
	p0 =	sne.s32 s2, $0x0  }
0x2ca: {  	s3 =	rddreg [dreg:$0x2];
	[bflag:$0x3] =	sbarrier.arrive $0xFFFF;
	s2 =	simm.s32 @!p0 $0x1C05  }
0x2cb: {  	[timem:s3], [sflag:s2] =	dma.local @!p0 [hbm:s0], s1  }
0x2cc: {  	s0 =	simm.s32 @!p0 $0x5  }
0x2cd: {  	_ =	swait.ge @!p0 [sflag:s0], s1  }
0x2ce: {  	s1 =	ssub.s32 @!p0 $0x0, s1;
	[sflag:s0] =	ssyncset.done @!p0 $0x0  }
0x2cf: {  	[sflag:s0] =	ssyncadd.s32 @!p0 s1  }
0x2d0: {  	[bflag:$0x3] =	sbarrier.arrive $0xFFFF  }
0x2d1: {  	_ =	shalt  }

</sc_bundles>
